<compile_context>
chip_gen: v7x
topology: tpu7x:2x2x1
jax: 0.10.2.dev20260603
libtpu: 0.0.44.dev20260713+nightly
codegen_flags: <defaults>
</compile_context>

<pallas_src>
import functools

import jax
import jax.numpy as jnp
from jax import lax
from jax.experimental import pallas as pl
from jax.experimental.pallas import tpu as pltpu
from jax.experimental.pallas import tpu_sc as plsc

N = 10000
K = 16
D = 128
DA = 160
E = 320000
NB = 5
BR = N // NB
NBA = 2
BRA = N // NBA
NC = 2
NS = 16
NW = NC * NS
EW = E // NW
CH = 200
NCH = EW // CH
NP = 10240
F32 = jnp.float32
BF16 = jnp.bfloat16


def _prep_body(cw_ref, emb_ref, h0_ref, h1_ref, h2_ref,
               table_ref, s1_ref, s2_ref, aux_ref):
    i = pl.program_id(0)
    cw = cw_ref[...]
    emb = emb_ref[...]
    nrm = jnp.sqrt(jnp.sum(emb * emb, axis=1, keepdims=True))
    normed = emb / jnp.maximum(nrm, 1e-8)
    table_ref[...] = jnp.concatenate(
        [normed, jnp.ones((BRA, 1), F32), jnp.zeros((BRA, DA - D - 1), F32)],
        axis=1).astype(BF16)

    @pl.when(i == 0)
    def _():
        s1_ref[...] = jnp.zeros_like(s1_ref)
        s2_ref[...] = jnp.zeros_like(s2_ref)
        aux_ref[...] = jnp.zeros_like(aux_ref)

    cw2 = cw * cw
    dn = (((0,), (0,)), ((), ()))
    m1 = []
    m2 = []
    nsum = []
    for f_ref in (h0_ref, h1_ref, h2_ref):
        feat = f_ref[...]
        m1.append(lax.dot_general(cw, feat, dn, preferred_element_type=F32))
        m2.append(lax.dot_general(cw2, feat * feat, dn,
                                  preferred_element_type=F32))
        nsum.append(jnp.sum(jnp.sqrt(jnp.sum(feat * feat, axis=1))))
    s1_ref[...] += jnp.concatenate(m1, axis=0)
    s2_ref[...] += jnp.concatenate(m2, axis=0)

    csum = jnp.sum(cw, axis=0, keepdims=True)
    row0 = jnp.concatenate([csum, jnp.zeros((1, D - K), F32)], axis=1)
    lane = lax.broadcasted_iota(jnp.int32, (1, D), 1)
    row1 = (jnp.where(lane == 0, nsum[0], 0.0)
            + jnp.where(lane == 1, nsum[1], 0.0)
            + jnp.where(lane == 2, nsum[2], 0.0)).astype(F32)
    aux_ref[...] += jnp.concatenate(
        [row0, row1, jnp.zeros((6, D), F32)], axis=0)


_prep_call = pl.pallas_call(
    _prep_body,
    grid=(NBA,),
    in_specs=[
        pl.BlockSpec((BRA, K), lambda i: (i, 0)),
        pl.BlockSpec((BRA, D), lambda i: (i, 0)),
        pl.BlockSpec((BRA, D), lambda i: (i, 0)),
        pl.BlockSpec((BRA, D), lambda i: (i, 0)),
        pl.BlockSpec((BRA, D), lambda i: (i, 0)),
    ],
    out_specs=[
        pl.BlockSpec((BRA, DA), lambda i: (i, 0)),
        pl.BlockSpec((3 * K, D), lambda i: (0, 0)),
        pl.BlockSpec((3 * K, D), lambda i: (0, 0)),
        pl.BlockSpec((8, D), lambda i: (0, 0)),
    ],
    out_shape=[
        jax.ShapeDtypeStruct((N, DA), BF16),
        jax.ShapeDtypeStruct((3 * K, D), F32),
        jax.ShapeDtypeStruct((3 * K, D), F32),
        jax.ShapeDtypeStruct((8, D), F32),
    ],
)


def _edge_body(row_hbm, col_hbm, table_hbm, zeros_hbm, out_hbm,
               row_v, col_v, rows0, rows1, ostage, acc_sh, gsem0, gsem1):
    c = lax.axis_index("c")
    s = lax.axis_index("s")
    wid = s * NC + c
    rps = NP // NS
    pltpu.sync_copy(zeros_hbm, acc_sh.at[pl.ds(s * rps, rps)])

    pltpu.sync_copy(row_hbm.at[pl.ds(wid * EW, EW)], row_v)
    pltpu.sync_copy(col_hbm.at[pl.ds(wid * EW, EW)], col_v)
    plsc.subcore_barrier()

    bufs = (rows0, rows1)
    gsems = (gsem0, gsem1)

    def cidx(ref, g):
        return ref.at[pl.ds(g * CH, CH)]

    def gather_start(g, b):
        pltpu.async_copy(table_hbm.at[cidx(col_v, g)], bufs[b], gsems[b])

    def gather_wait(g, b):
        pltpu.make_async_copy(table_hbm.at[cidx(col_v, g)], bufs[b],
                              gsems[b]).wait()

    def scatter(g, b):
        pltpu.sync_copy(bufs[b], acc_sh.at[cidx(row_v, g)], add=True)

    gather_start(0, 0)
    gather_start(1, 1)

    def step(i, carry):
        for b in range(2):
            g = 2 * i + b
            gather_wait(g, b)
            scatter(g, b)
            gather_start(g + 2, b)
        return carry

    lax.fori_loop(0, NCH // 2 - 1, step, 0)
    for b in range(2):
        gather_wait(NCH - 2 + b, b)
        scatter(NCH - 2 + b, b)

    plsc.subcore_barrier()

    PZ = 80

    def piece_fetch(p, b):
        base = s * rps + p * PZ
        pltpu.async_copy(acc_sh.at[pl.ds(base, PZ)],
                         rows0.at[pl.ds(b * PZ, PZ)], gsem0)
        pltpu.async_copy(table_hbm.at[pl.ds(base, PZ)],
                         rows1.at[pl.ds(b * PZ, PZ)], gsem1)

    def piece_wait(p, b):
        base = s * rps + p * PZ
        pltpu.make_async_copy(acc_sh.at[pl.ds(base, PZ)],
                              rows0.at[pl.ds(b * PZ, PZ)], gsem0).wait()
        pltpu.make_async_copy(table_hbm.at[pl.ds(base, PZ)],
                              rows1.at[pl.ds(b * PZ, PZ)], gsem1).wait()

    def piece_compute(p, b):
        def rowfn(j, carry2):
            acc = jnp.zeros((16,), F32)
            for q in range(4):
                prod = (rows0[b * PZ + j, pl.ds(32 * q, 32)]
                        * rows1[b * PZ + j, pl.ds(32 * q, 32)])
                lo, hi = plsc.unpack(prod, format=plsc.PackFormat.INTERLEAVED)
                acc = acc + lo + hi
            dv = rows0[b * PZ + j, pl.ds(D, 32)]
            dlo, _ = plsc.unpack(dv, format=plsc.PackFormat.INTERLEAVED)
            ostage[p * PZ + j, :] = plsc.pack(
                acc, dlo, format=plsc.PackFormat.INTERLEAVED)
            return carry2

        lax.fori_loop(0, PZ, rowfn, 0)

    def finalize(npieces):
        piece_fetch(0, 0)
        piece_fetch(1, 1)

        def fstep(i, carry):
            for b in range(2):
                p = 2 * i + b
                piece_wait(p, b)
                piece_compute(p, b)
                pl.when(p + 2 < npieces)(lambda: piece_fetch(p + 2, b))
            return carry

        lax.fori_loop(0, npieces // 2, fstep, 0)

    @pl.when(s < NS - 1)
    def _():
        finalize(rps // PZ)
        pltpu.sync_copy(ostage, out_hbm.at[c, pl.ds(s * rps, rps)])

    @pl.when(s == NS - 1)
    def _():
        nlast = (N - (NS - 1) * rps) // PZ
        piece_fetch(0, 0)
        for p in range(nlast):
            b = p % 2
            piece_wait(p, b)
            if p + 1 < nlast:
                piece_fetch(p + 1, (p + 1) % 2)
            piece_compute(p, b)
        pltpu.sync_copy(ostage.at[pl.ds(0, nlast * PZ)],
                        out_hbm.at[c, pl.ds((NS - 1) * rps, nlast * PZ)])


@functools.cache
def _edge_call():
    return functools.partial(
        pl.kernel,
        out_type=jax.ShapeDtypeStruct((NC, NP, 32), BF16),
        mesh=plsc.VectorSubcoreMesh(core_axis_name="c", subcore_axis_name="s",
                                    num_cores=NC, num_subcores=NS),
        scratch_types=[
            pltpu.VMEM((EW,), jnp.int32),
            pltpu.VMEM((EW,), jnp.int32),
            pltpu.VMEM((CH, DA), BF16),
            pltpu.VMEM((CH, DA), BF16),
            pltpu.VMEM((NP // NS, 32), BF16),
            pltpu.VMEM_SHARED((NP, DA), BF16),
            pltpu.SemaphoreType.DMA,
            pltpu.SemaphoreType.DMA,
        ],
        compiler_params=pltpu.CompilerParams(use_tc_tiling_on_sc=False,
                                             needs_layout_passes=False),
    )(_edge_body)


def _combine_body(parts_ref, cw_ref, s1_ref, s2_ref, aux_ref,
                  out_ref, nacc_ref):
    i = pl.program_id(0)

    @pl.when(i == 0)
    def _():
        nacc_ref[...] = jnp.zeros_like(nacc_ref)

    p = parts_ref[...].astype(F32)
    ssum = p[0] + p[1]
    lane = lax.broadcasted_iota(jnp.int32, (BR, 32), 1)
    even = (lane % 2) == 0
    nc_raw = jnp.sum(jnp.where(even, ssum, 0.0), axis=1, keepdims=True)
    deg = jnp.sum(jnp.where(even, 0.0, ssum), axis=1, keepdims=True) + 1e-8
    nc = nc_raw / deg
    dn = (((0,), (0,)), ((), ()))
    nacc_ref[...] += lax.dot_general(nc, cw_ref[...], dn,
                                     preferred_element_type=F32)

    @pl.when(i == NB - 1)
    def _():
        s1 = s1_ref[...]
        s2 = s2_ref[...]
        var = (s2 - s1 * s1 * (1.0 / N)) * (1.0 / (N - 1))
        vmean = jnp.mean(var, axis=1, keepdims=True)
        w = jnp.concatenate([jnp.full((K, 1), 1.0, F32),
                             jnp.full((K, 1), 0.5, F32),
                             jnp.full((K, 1), 0.25, F32)], axis=0)
        hop_loss = jnp.sum(w / (vmean + 1e-8)) / K
        aux = aux_ref[...]
        csum = aux[0:1, :K]
        congestion = jnp.sum(nacc_ref[...] / (csum + 1e-8)) / K
        m0 = aux[1, 0] / N
        m1 = aux[1, 1] / N
        m2 = aux[1, 2] / N
        flow = jnp.maximum(m1 - m0, 0.0) + jnp.maximum(m2 - m1, 0.0)
        total = hop_loss + 0.5 * congestion + flow
        out_ref[...] = jnp.broadcast_to(total, (1, 1)).astype(F32)


_combine_call = pl.pallas_call(
    _combine_body,
    grid=(NB,),
    in_specs=[
        pl.BlockSpec((NC, BR, 32), lambda i: (0, i, 0)),
        pl.BlockSpec((BR, K), lambda i: (i, 0)),
        pl.BlockSpec((3 * K, D), lambda i: (0, 0)),
        pl.BlockSpec((3 * K, D), lambda i: (0, 0)),
        pl.BlockSpec((8, D), lambda i: (0, 0)),
    ],
    out_specs=pl.BlockSpec((1, 1), lambda i: (0, 0)),
    out_shape=jax.ShapeDtypeStruct((1, 1), F32),
    scratch_shapes=[pltpu.VMEM((1, K), F32)],
)


@jax.jit
def kernel(cluster_assignments, network_embeddings, hop_0_features,
           hop_1_features, hop_2_features, edge_index):
    table, s1, s2, aux = _prep_call(
        cluster_assignments, network_embeddings,
        hop_0_features, hop_1_features, hop_2_features)
    zeros = jnp.zeros((NP // NS, DA), BF16)
    parts = _edge_call()(edge_index[0], edge_index[1], table, zeros)
    total = _combine_call(parts, cluster_assignments, s1, s2, aux)
    return total[0, 0]

# --- scband reference (transcript-rebuilt; emitter-appended) ---
"""Pipeline reference for scband-network-impact-loss-22239340659047 (READ-ONLY COPY).

The authoritative reference and input builder live on the scoring server;
editing this copy changes nothing except your own understanding.
"""

import jax, jax.numpy as jnp
import numpy as np

N = 10000
K = 16
D = 128
E = 320000
HOP_WEIGHTS = [1.0, 0.5, 0.25]
CONGESTION_WEIGHT = 0.5
BOUNDARY_WEIGHT = 0.3


def setup_inputs(seed: int = 0) -> dict:
    key = jax.random.key(seed)
    ks = jax.random.split(key, 6)
    return {
        "cluster_assignments": jax.random.uniform(ks[0], (N, K), dtype=jnp.float32),
        "network_embeddings": jax.random.normal(ks[1], (N, D), dtype=jnp.float32),
        "hop_0_features": jax.random.normal(ks[2], (N, D), dtype=jnp.float32),
        "hop_1_features": jax.random.normal(ks[3], (N, D), dtype=jnp.float32),
        "hop_2_features": jax.random.normal(ks[4], (N, D), dtype=jnp.float32),
        "edge_index": jax.random.randint(ks[5], (2, E), 0, N, dtype=jnp.int32),
    }


def _cosine_similarity(a, b, eps=1e-8):
    na = jnp.maximum(jnp.linalg.norm(a, axis=-1), eps)
    nb = jnp.maximum(jnp.linalg.norm(b, axis=-1), eps)
    return jnp.sum(a * b, axis=-1) / (na * nb)


def reference(cluster_assignments, network_embeddings, hop_0_features, hop_1_features, hop_2_features, edge_index):
    hop_feats = [hop_0_features, hop_1_features, hop_2_features]
    Kc = cluster_assignments.shape[1]
    n = network_embeddings.shape[0]

    # multi-hop impact loss
    hop_loss = 0.0
    for k in range(Kc):
        cw = cluster_assignments[:, k:k + 1]
        for hop_idx, feat in enumerate(hop_feats):
            wf = feat * cw
            variance = jnp.var(wf, axis=0, ddof=1).mean()  # torch.var is unbiased by default
            hl = 1.0 / (variance + 1e-8)
            if hop_idx < len(HOP_WEIGHTS):
                hl = hl * HOP_WEIGHTS[hop_idx]
            hop_loss = hop_loss + hl
    hop_loss = hop_loss / Kc

    # congestion relief loss
    row = edge_index[0]
    col = edge_index[1]
    edge_sim = _cosine_similarity(network_embeddings[row], network_embeddings[col])
    node_congestion = jnp.zeros(n, dtype=network_embeddings.dtype).at[row].add(edge_sim)
    node_degrees = jnp.bincount(row, length=n).astype(jnp.float32) + 1e-8
    node_congestion = node_congestion / node_degrees
    congestion_loss = 0.0
    for k in range(Kc):
        cw = cluster_assignments[:, k]
        congestion_loss = congestion_loss + (node_congestion * cw).sum() / (cw.sum() + 1e-8)
    congestion_loss = congestion_loss / Kc

    # information flow loss (transformer_mask is None -> boundary loss = 0)
    flow_loss = 0.0
    prev_norm = None
    for feat in hop_feats:
        current_norm = jnp.linalg.norm(feat, axis=-1).mean()
        if prev_norm is not None:
            flow_loss = flow_loss + jnp.maximum(current_norm - prev_norm, 0.0)
        prev_norm = current_norm

    total_loss = hop_loss + CONGESTION_WEIGHT * congestion_loss + flow_loss
    return total_loss

if __name__ == "__main__":
    import jax
    _d = setup_inputs()
    print(jax.jit(kernel)(*tuple(_d.values())))

</pallas_src>

<mosaic_0001>
#map = affine_map<(d0, d1) -> (0)>
#map1 = affine_map<(d0, d1) -> (0, 0)>
#map2 = affine_map<(d0, d1) -> (0, 0, 0)>
module attributes {stable_mosaic.version = 14 : i64} {
  func.func @_edge_body(%arg0: i32, %arg1: i32, %arg2: memref<320000xi32, #tpu.memory_space<hbm>>, %arg3: memref<320000xi32, #tpu.memory_space<hbm>>, %arg4: memref<10000x160xbf16, #tpu.memory_space<hbm>>, %arg5: memref<640x160xbf16, #tpu.memory_space<hbm>>, %arg6: memref<2x10240x32xbf16, #tpu.memory_space<hbm>>, %arg7: memref<10000xi32, #tpu.memory_space<vmem>>, %arg8: memref<10000xi32, #tpu.memory_space<vmem>>, %arg9: memref<200x160xbf16, #tpu.memory_space<vmem>>, %arg10: memref<200x160xbf16, #tpu.memory_space<vmem>>, %arg11: memref<640x32xbf16, #tpu.memory_space<vmem>>, %arg12: memref<10240x160xbf16, #tpu.memory_space<vmem_shared>>, %arg13: memref<!tpu.dma_semaphore, #tpu.memory_space<semaphore_mem>>, %arg14: memref<!tpu.dma_semaphore, #tpu.memory_space<semaphore_mem>>) attributes {dimension_semantics = [#tpu.dimension_semantics<core_parallel>, #tpu.dimension_semantics<subcore_parallel>], iteration_bounds = array<i64: 2, 16>, scalar_prefetch = 0 : i64, scratch_operands = 8 : i64, tpu.core_type = #tpu.core_type<sc_vector_subcore>, window_params = [{transform_indices = #map}, {transform_indices = #map}, {transform_indices = #map1}, {transform_indices = #map1}, {transform_indices = #map2}]} {
    %mul3A = arith.constant 2 : i32
    %mul3A_0 = arith.muli %arg1, %mul3A : i32
    %add3A = arith.addi %mul3A_0, %arg0 : i32
    %mul3A_1 = arith.constant 640 : i32
    %mul3A_2 = arith.muli %arg1, %mul3A_1 : i32
    "tpu.region"() ({
      %run_scoped3A = tpu.sem_alloc : memref<!tpu.dma_semaphore, #tpu.memory_space<semaphore_mem>>
      %dma_start3A_37 = arith.constant 0 : i32
      %dma_start3A_38 = tpu.memref_slice %arg12[%mul3A_2, %dma_start3A_37] : memref<10240x160xbf16, #tpu.memory_space<vmem_shared>> -> memref<640x160xbf16, #tpu.memory_space<vmem_shared>>
      tpu.enqueue_dma source(%arg5 : memref<640x160xbf16, #tpu.memory_space<hbm>>) target(%dma_start3A_38 : memref<640x160xbf16, #tpu.memory_space<vmem_shared>>) target_semaphore(%run_scoped3A : memref<!tpu.dma_semaphore, #tpu.memory_space<semaphore_mem>>)
      %dma_wait3A_39 = arith.constant 0 : i32
      %dma_wait3A_40 = tpu.memref_slice %arg12[%mul3A_2, %dma_wait3A_39] : memref<10240x160xbf16, #tpu.memory_space<vmem_shared>> -> memref<640x160xbf16, #tpu.memory_space<vmem_shared>>
      tpu.wait_dma2 semaphore(%run_scoped3A : memref<!tpu.dma_semaphore, #tpu.memory_space<semaphore_mem>>) src(%arg5 : memref<640x160xbf16, #tpu.memory_space<hbm>>) dst(%dma_wait3A_40 : memref<640x160xbf16, #tpu.memory_space<vmem_shared>>)
      tpu.yield
    }) : () -> ()
    %mul3A_3 = arith.constant 10000 : i32
    %mul3A_4 = arith.muli %add3A, %mul3A_3 : i32
    "tpu.region"() ({
      %run_scoped3A = tpu.sem_alloc : memref<!tpu.dma_semaphore, #tpu.memory_space<semaphore_mem>>
      %dma_start3A_37 = tpu.memref_slice %arg2[%mul3A_4] : memref<320000xi32, #tpu.memory_space<hbm>> -> memref<10000xi32, #tpu.memory_space<hbm>>
      %dma_start3A_38 = tpu.memref_slice %arg2[%mul3A_4] : memref<320000xi32, #tpu.memory_space<hbm>> -> memref<10000xi32, #tpu.memory_space<hbm>>
      tpu.enqueue_dma source(%dma_start3A_38 : memref<10000xi32, #tpu.memory_space<hbm>>) target(%arg7 : memref<10000xi32, #tpu.memory_space<vmem>>) target_semaphore(%run_scoped3A : memref<!tpu.dma_semaphore, #tpu.memory_space<semaphore_mem>>)
      %dma_wait3A_39 = tpu.memref_slice %arg2[%mul3A_4] : memref<320000xi32, #tpu.memory_space<hbm>> -> memref<10000xi32, #tpu.memory_space<hbm>>
      %dma_wait3A_40 = tpu.memref_slice %arg2[%mul3A_4] : memref<320000xi32, #tpu.memory_space<hbm>> -> memref<10000xi32, #tpu.memory_space<hbm>>
      tpu.wait_dma2 semaphore(%run_scoped3A : memref<!tpu.dma_semaphore, #tpu.memory_space<semaphore_mem>>) src(%dma_wait3A_40 : memref<10000xi32, #tpu.memory_space<hbm>>) dst(%arg7 : memref<10000xi32, #tpu.memory_space<vmem>>)
      tpu.yield
    }) : () -> ()
    %mul3A_5 = arith.constant 10000 : i32
    %mul3A_6 = arith.muli %add3A, %mul3A_5 : i32
    "tpu.region"() ({
      %run_scoped3A = tpu.sem_alloc : memref<!tpu.dma_semaphore, #tpu.memory_space<semaphore_mem>>
      %dma_start3A_37 = tpu.memref_slice %arg3[%mul3A_6] : memref<320000xi32, #tpu.memory_space<hbm>> -> memref<10000xi32, #tpu.memory_space<hbm>>
      %dma_start3A_38 = tpu.memref_slice %arg3[%mul3A_6] : memref<320000xi32, #tpu.memory_space<hbm>> -> memref<10000xi32, #tpu.memory_space<hbm>>
      tpu.enqueue_dma source(%dma_start3A_38 : memref<10000xi32, #tpu.memory_space<hbm>>) target(%arg8 : memref<10000xi32, #tpu.memory_space<vmem>>) target_semaphore(%run_scoped3A : memref<!tpu.dma_semaphore, #tpu.memory_space<semaphore_mem>>)
      %dma_wait3A_39 = tpu.memref_slice %arg3[%mul3A_6] : memref<320000xi32, #tpu.memory_space<hbm>> -> memref<10000xi32, #tpu.memory_space<hbm>>
      %dma_wait3A_40 = tpu.memref_slice %arg3[%mul3A_6] : memref<320000xi32, #tpu.memory_space<hbm>> -> memref<10000xi32, #tpu.memory_space<hbm>>
      tpu.wait_dma2 semaphore(%run_scoped3A : memref<!tpu.dma_semaphore, #tpu.memory_space<semaphore_mem>>) src(%dma_wait3A_40 : memref<10000xi32, #tpu.memory_space<hbm>>) dst(%arg8 : memref<10000xi32, #tpu.memory_space<vmem>>)
      tpu.yield
    }) : () -> ()
    %barrier3A = arith.constant 0 : index
    tpu.barrier barrier_id(%barrier3A)
    %dma_start3A = arith.constant 0 : i32
    %dma_start3A_7 = tpu.memref_slice %arg8[%dma_start3A] : memref<10000xi32, #tpu.memory_space<vmem>> -> memref<200xi32, #tpu.memory_space<vmem>>
    %dma_start3A_8 = arith.constant 0 : i32
    %dma_start3A_9 = arith.constant 0 : i32
    %dma_start3A_10 = tpu.memref_slice %arg4[%dma_start3A_8, %dma_start3A_9] : memref<10000x160xbf16, #tpu.memory_space<hbm>> -> memref<10000x160xbf16, #tpu.memory_space<hbm>>
    tpu.enqueue_indirect_dma source(%dma_start3A_10 : memref<10000x160xbf16, #tpu.memory_space<hbm>>) target(%arg9 : memref<200x160xbf16, #tpu.memory_space<vmem>>) offsets(%dma_start3A_7 : memref<200xi32, #tpu.memory_space<vmem>>) semaphore(%arg13 : memref<!tpu.dma_semaphore, #tpu.memory_space<semaphore_mem>>)
    %dma_start3A_11 = arith.constant 200 : i32
    %dma_start3A_12 = tpu.memref_slice %arg8[%dma_start3A_11] : memref<10000xi32, #tpu.memory_space<vmem>> -> memref<200xi32, #tpu.memory_space<vmem>>
    %dma_start3A_13 = arith.constant 0 : i32
    %dma_start3A_14 = arith.constant 0 : i32
    %dma_start3A_15 = tpu.memref_slice %arg4[%dma_start3A_13, %dma_start3A_14] : memref<10000x160xbf16, #tpu.memory_space<hbm>> -> memref<10000x160xbf16, #tpu.memory_space<hbm>>
    tpu.enqueue_indirect_dma source(%dma_start3A_15 : memref<10000x160xbf16, #tpu.memory_space<hbm>>) target(%arg10 : memref<200x160xbf16, #tpu.memory_space<vmem>>) offsets(%dma_start3A_12 : memref<200xi32, #tpu.memory_space<vmem>>) semaphore(%arg14 : memref<!tpu.dma_semaphore, #tpu.memory_space<semaphore_mem>>)
    %scan3A = arith.constant 0 : i32
    %scan3A_16 = arith.constant 0 : i32
    %scan3A_17 = arith.constant 24 : i32
    %scan3A_18 = arith.addi %scan3A_16, %scan3A_17 : i32
    %scan3A_19 = arith.constant 1 : i32
    scf.for %scan3A_37 = %scan3A_16 to %scan3A_18 step %scan3A_19  : i32 {
      %mul3A_38 = arith.constant 2 : i32
      %mul3A_39 = arith.muli %mul3A_38, %scan3A_37 : i32
      %add3A_40 = arith.constant 0 : i32
      %add3A_41 = arith.addi %mul3A_39, %add3A_40 : i32
      %mul3A_42 = arith.constant 200 : i32
      %mul3A_43 = arith.muli %add3A_41, %mul3A_42 : i32
      %dma_wait3A_44 = tpu.memref_slice %arg8[%mul3A_43] : memref<10000xi32, #tpu.memory_space<vmem>> -> memref<200xi32, #tpu.memory_space<vmem>>
      %dma_wait3A_45 = arith.constant 0 : i32
      %dma_wait3A_46 = arith.constant 0 : i32
      %dma_wait3A_47 = tpu.memref_slice %arg4[%dma_wait3A_45, %dma_wait3A_46] : memref<10000x160xbf16, #tpu.memory_space<hbm>> -> memref<10000x160xbf16, #tpu.memory_space<hbm>>
      tpu.wait_indirect_dma semaphore(%arg13 : memref<!tpu.dma_semaphore, #tpu.memory_space<semaphore_mem>>) src(%dma_wait3A_47 : memref<10000x160xbf16, #tpu.memory_space<hbm>>) dst(%arg9 : memref<200x160xbf16, #tpu.memory_space<vmem>>)
      %mul3A_48 = arith.constant 200 : i32
      %mul3A_49 = arith.muli %add3A_41, %mul3A_48 : i32
      "tpu.region"() ({
        %run_scoped3A = tpu.sem_alloc : memref<!tpu.dma_semaphore, #tpu.memory_space<semaphore_mem>>
        %dma_start3A_78 = tpu.memref_slice %arg7[%mul3A_49] : memref<10000xi32, #tpu.memory_space<vmem>> -> memref<200xi32, #tpu.memory_space<vmem>>
        %dma_start3A_79 = arith.constant 0 : i32
        %dma_start3A_80 = arith.constant 0 : i32
        %dma_start3A_81 = tpu.memref_slice %arg12[%dma_start3A_79, %dma_start3A_80] : memref<10240x160xbf16, #tpu.memory_space<vmem_shared>> -> memref<10240x160xbf16, #tpu.memory_space<vmem_shared>>
        tpu.enqueue_indirect_dma source(%arg9 : memref<200x160xbf16, #tpu.memory_space<vmem>>) target(%dma_start3A_81 : memref<10240x160xbf16, #tpu.memory_space<vmem_shared>>) offsets(%dma_start3A_78 : memref<200xi32, #tpu.memory_space<vmem>>) semaphore(%run_scoped3A : memref<!tpu.dma_semaphore, #tpu.memory_space<semaphore_mem>>) {add = true}
        %dma_wait3A_82 = tpu.memref_slice %arg7[%mul3A_49] : memref<10000xi32, #tpu.memory_space<vmem>> -> memref<200xi32, #tpu.memory_space<vmem>>
        %dma_wait3A_83 = arith.constant 0 : i32
        %dma_wait3A_84 = arith.constant 0 : i32
        %dma_wait3A_85 = tpu.memref_slice %arg12[%dma_wait3A_83, %dma_wait3A_84] : memref<10240x160xbf16, #tpu.memory_space<vmem_shared>> -> memref<10240x160xbf16, #tpu.memory_space<vmem_shared>>
        tpu.wait_indirect_dma semaphore(%run_scoped3A : memref<!tpu.dma_semaphore, #tpu.memory_space<semaphore_mem>>) src(%arg9 : memref<200x160xbf16, #tpu.memory_space<vmem>>) dst(%dma_wait3A_85 : memref<10240x160xbf16, #tpu.memory_space<vmem_shared>>)
        tpu.yield
      }) : () -> ()
      %add3A_50 = arith.constant 2 : i32
      %add3A_51 = arith.addi %add3A_41, %add3A_50 : i32
      %mul3A_52 = arith.constant 200 : i32
      %mul3A_53 = arith.muli %add3A_51, %mul3A_52 : i32
      %dma_start3A_54 = tpu.memref_slice %arg8[%mul3A_53] : memref<10000xi32, #tpu.memory_space<vmem>> -> memref<200xi32, #tpu.memory_space<vmem>>
      %dma_start3A_55 = arith.constant 0 : i32
      %dma_start3A_56 = arith.constant 0 : i32
      %dma_start3A_57 = tpu.memref_slice %arg4[%dma_start3A_55, %dma_start3A_56] : memref<10000x160xbf16, #tpu.memory_space<hbm>> -> memref<10000x160xbf16, #tpu.memory_space<hbm>>
      tpu.enqueue_indirect_dma source(%dma_start3A_57 : memref<10000x160xbf16, #tpu.memory_space<hbm>>) target(%arg9 : memref<200x160xbf16, #tpu.memory_space<vmem>>) offsets(%dma_start3A_54 : memref<200xi32, #tpu.memory_space<vmem>>) semaphore(%arg13 : memref<!tpu.dma_semaphore, #tpu.memory_space<semaphore_mem>>)
      %mul3A_58 = arith.constant 2 : i32
      %mul3A_59 = arith.muli %mul3A_58, %scan3A_37 : i32
      %add3A_60 = arith.constant 1 : i32
      %add3A_61 = arith.addi %mul3A_59, %add3A_60 : i32
      %mul3A_62 = arith.constant 200 : i32
      %mul3A_63 = arith.muli %add3A_61, %mul3A_62 : i32
      %dma_wait3A_64 = tpu.memref_slice %arg8[%mul3A_63] : memref<10000xi32, #tpu.memory_space<vmem>> -> memref<200xi32, #tpu.memory_space<vmem>>
      %dma_wait3A_65 = arith.constant 0 : i32
      %dma_wait3A_66 = arith.constant 0 : i32
      %dma_wait3A_67 = tpu.memref_slice %arg4[%dma_wait3A_65, %dma_wait3A_66] : memref<10000x160xbf16, #tpu.memory_space<hbm>> -> memref<10000x160xbf16, #tpu.memory_space<hbm>>
      tpu.wait_indirect_dma semaphore(%arg14 : memref<!tpu.dma_semaphore, #tpu.memory_space<semaphore_mem>>) src(%dma_wait3A_67 : memref<10000x160xbf16, #tpu.memory_space<hbm>>) dst(%arg10 : memref<200x160xbf16, #tpu.memory_space<vmem>>)
      %mul3A_68 = arith.constant 200 : i32
      %mul3A_69 = arith.muli %add3A_61, %mul3A_68 : i32
      "tpu.region"() ({
        %run_scoped3A = tpu.sem_alloc : memref<!tpu.dma_semaphore, #tpu.memory_space<semaphore_mem>>
        %dma_start3A_78 = tpu.memref_slice %arg7[%mul3A_69] : memref<10000xi32, #tpu.memory_space<vmem>> -> memref<200xi32, #tpu.memory_space<vmem>>
        %dma_start3A_79 = arith.constant 0 : i32
        %dma_start3A_80 = arith.constant 0 : i32
        %dma_start3A_81 = tpu.memref_slice %arg12[%dma_start3A_79, %dma_start3A_80] : memref<10240x160xbf16, #tpu.memory_space<vmem_shared>> -> memref<10240x160xbf16, #tpu.memory_space<vmem_shared>>
        tpu.enqueue_indirect_dma source(%arg10 : memref<200x160xbf16, #tpu.memory_space<vmem>>) target(%dma_start3A_81 : memref<10240x160xbf16, #tpu.memory_space<vmem_shared>>) offsets(%dma_start3A_78 : memref<200xi32, #tpu.memory_space<vmem>>) semaphore(%run_scoped3A : memref<!tpu.dma_semaphore, #tpu.memory_space<semaphore_mem>>) {add = true}
        %dma_wait3A_82 = tpu.memref_slice %arg7[%mul3A_69] : memref<10000xi32, #tpu.memory_space<vmem>> -> memref<200xi32, #tpu.memory_space<vmem>>
        %dma_wait3A_83 = arith.constant 0 : i32
        %dma_wait3A_84 = arith.constant 0 : i32
        %dma_wait3A_85 = tpu.memref_slice %arg12[%dma_wait3A_83, %dma_wait3A_84] : memref<10240x160xbf16, #tpu.memory_space<vmem_shared>> -> memref<10240x160xbf16, #tpu.memory_space<vmem_shared>>
        tpu.wait_indirect_dma semaphore(%run_scoped3A : memref<!tpu.dma_semaphore, #tpu.memory_space<semaphore_mem>>) src(%arg10 : memref<200x160xbf16, #tpu.memory_space<vmem>>) dst(%dma_wait3A_85 : memref<10240x160xbf16, #tpu.memory_space<vmem_shared>>)
        tpu.yield
      }) : () -> ()
      %add3A_70 = arith.constant 2 : i32
      %add3A_71 = arith.addi %add3A_61, %add3A_70 : i32
      %mul3A_72 = arith.constant 200 : i32
      %mul3A_73 = arith.muli %add3A_71, %mul3A_72 : i32
      %dma_start3A_74 = tpu.memref_slice %arg8[%mul3A_73] : memref<10000xi32, #tpu.memory_space<vmem>> -> memref<200xi32, #tpu.memory_space<vmem>>
      %dma_start3A_75 = arith.constant 0 : i32
      %dma_start3A_76 = arith.constant 0 : i32
      %dma_start3A_77 = tpu.memref_slice %arg4[%dma_start3A_75, %dma_start3A_76] : memref<10000x160xbf16, #tpu.memory_space<hbm>> -> memref<10000x160xbf16, #tpu.memory_space<hbm>>
      tpu.enqueue_indirect_dma source(%dma_start3A_77 : memref<10000x160xbf16, #tpu.memory_space<hbm>>) target(%arg10 : memref<200x160xbf16, #tpu.memory_space<vmem>>) offsets(%dma_start3A_74 : memref<200xi32, #tpu.memory_space<vmem>>) semaphore(%arg14 : memref<!tpu.dma_semaphore, #tpu.memory_space<semaphore_mem>>)
    }
    %scan3A_20 = arith.constant 24 : i32
    %dma_wait3A = arith.constant 9600 : i32
    %dma_wait3A_21 = tpu.memref_slice %arg8[%dma_wait3A] : memref<10000xi32, #tpu.memory_space<vmem>> -> memref<200xi32, #tpu.memory_space<vmem>>
    %dma_wait3A_22 = arith.constant 0 : i32
    %dma_wait3A_23 = arith.constant 0 : i32
    %dma_wait3A_24 = tpu.memref_slice %arg4[%dma_wait3A_22, %dma_wait3A_23] : memref<10000x160xbf16, #tpu.memory_space<hbm>> -> memref<10000x160xbf16, #tpu.memory_space<hbm>>
    tpu.wait_indirect_dma semaphore(%arg13 : memref<!tpu.dma_semaphore, #tpu.memory_space<semaphore_mem>>) src(%dma_wait3A_24 : memref<10000x160xbf16, #tpu.memory_space<hbm>>) dst(%arg9 : memref<200x160xbf16, #tpu.memory_space<vmem>>)
    "tpu.region"() ({
      %run_scoped3A = tpu.sem_alloc : memref<!tpu.dma_semaphore, #tpu.memory_space<semaphore_mem>>
      %dma_start3A_37 = arith.constant 9600 : i32
      %dma_start3A_38 = tpu.memref_slice %arg7[%dma_start3A_37] : memref<10000xi32, #tpu.memory_space<vmem>> -> memref<200xi32, #tpu.memory_space<vmem>>
      %dma_start3A_39 = arith.constant 0 : i32
      %dma_start3A_40 = arith.constant 0 : i32
      %dma_start3A_41 = tpu.memref_slice %arg12[%dma_start3A_39, %dma_start3A_40] : memref<10240x160xbf16, #tpu.memory_space<vmem_shared>> -> memref<10240x160xbf16, #tpu.memory_space<vmem_shared>>
      tpu.enqueue_indirect_dma source(%arg9 : memref<200x160xbf16, #tpu.memory_space<vmem>>) target(%dma_start3A_41 : memref<10240x160xbf16, #tpu.memory_space<vmem_shared>>) offsets(%dma_start3A_38 : memref<200xi32, #tpu.memory_space<vmem>>) semaphore(%run_scoped3A : memref<!tpu.dma_semaphore, #tpu.memory_space<semaphore_mem>>) {add = true}
      %dma_wait3A_42 = arith.constant 9600 : i32
      %dma_wait3A_43 = tpu.memref_slice %arg7[%dma_wait3A_42] : memref<10000xi32, #tpu.memory_space<vmem>> -> memref<200xi32, #tpu.memory_space<vmem>>
      %dma_wait3A_44 = arith.constant 0 : i32
      %dma_wait3A_45 = arith.constant 0 : i32
      %dma_wait3A_46 = tpu.memref_slice %arg12[%dma_wait3A_44, %dma_wait3A_45] : memref<10240x160xbf16, #tpu.memory_space<vmem_shared>> -> memref<10240x160xbf16, #tpu.memory_space<vmem_shared>>
      tpu.wait_indirect_dma semaphore(%run_scoped3A : memref<!tpu.dma_semaphore, #tpu.memory_space<semaphore_mem>>) src(%arg9 : memref<200x160xbf16, #tpu.memory_space<vmem>>) dst(%dma_wait3A_46 : memref<10240x160xbf16, #tpu.memory_space<vmem_shared>>)
      tpu.yield
    }) : () -> ()
    %dma_wait3A_25 = arith.constant 9800 : i32
    %dma_wait3A_26 = tpu.memref_slice %arg8[%dma_wait3A_25] : memref<10000xi32, #tpu.memory_space<vmem>> -> memref<200xi32, #tpu.memory_space<vmem>>
    %dma_wait3A_27 = arith.constant 0 : i32
    %dma_wait3A_28 = arith.constant 0 : i32
    %dma_wait3A_29 = tpu.memref_slice %arg4[%dma_wait3A_27, %dma_wait3A_28] : memref<10000x160xbf16, #tpu.memory_space<hbm>> -> memref<10000x160xbf16, #tpu.memory_space<hbm>>
    tpu.wait_indirect_dma semaphore(%arg14 : memref<!tpu.dma_semaphore, #tpu.memory_space<semaphore_mem>>) src(%dma_wait3A_29 : memref<10000x160xbf16, #tpu.memory_space<hbm>>) dst(%arg10 : memref<200x160xbf16, #tpu.memory_space<vmem>>)
    "tpu.region"() ({
      %run_scoped3A = tpu.sem_alloc : memref<!tpu.dma_semaphore, #tpu.memory_space<semaphore_mem>>
      %dma_start3A_37 = arith.constant 9800 : i32
      %dma_start3A_38 = tpu.memref_slice %arg7[%dma_start3A_37] : memref<10000xi32, #tpu.memory_space<vmem>> -> memref<200xi32, #tpu.memory_space<vmem>>
      %dma_start3A_39 = arith.constant 0 : i32
      %dma_start3A_40 = arith.constant 0 : i32
      %dma_start3A_41 = tpu.memref_slice %arg12[%dma_start3A_39, %dma_start3A_40] : memref<10240x160xbf16, #tpu.memory_space<vmem_shared>> -> memref<10240x160xbf16, #tpu.memory_space<vmem_shared>>
      tpu.enqueue_indirect_dma source(%arg10 : memref<200x160xbf16, #tpu.memory_space<vmem>>) target(%dma_start3A_41 : memref<10240x160xbf16, #tpu.memory_space<vmem_shared>>) offsets(%dma_start3A_38 : memref<200xi32, #tpu.memory_space<vmem>>) semaphore(%run_scoped3A : memref<!tpu.dma_semaphore, #tpu.memory_space<semaphore_mem>>) {add = true}
      %dma_wait3A_42 = arith.constant 9800 : i32
      %dma_wait3A_43 = tpu.memref_slice %arg7[%dma_wait3A_42] : memref<10000xi32, #tpu.memory_space<vmem>> -> memref<200xi32, #tpu.memory_space<vmem>>
      %dma_wait3A_44 = arith.constant 0 : i32
      %dma_wait3A_45 = arith.constant 0 : i32
      %dma_wait3A_46 = tpu.memref_slice %arg12[%dma_wait3A_44, %dma_wait3A_45] : memref<10240x160xbf16, #tpu.memory_space<vmem_shared>> -> memref<10240x160xbf16, #tpu.memory_space<vmem_shared>>
      tpu.wait_indirect_dma semaphore(%run_scoped3A : memref<!tpu.dma_semaphore, #tpu.memory_space<semaphore_mem>>) src(%arg10 : memref<200x160xbf16, #tpu.memory_space<vmem>>) dst(%dma_wait3A_46 : memref<10240x160xbf16, #tpu.memory_space<vmem_shared>>)
      tpu.yield
    }) : () -> ()
    %barrier3A_30 = arith.constant 0 : index
    tpu.barrier barrier_id(%barrier3A_30)
    %lt3A = arith.constant 15 : i32
    %lt3A_31 = arith.cmpi slt, %arg1, %lt3A : i32
    %convert_element_type3A = arith.extui %lt3A_31 : i1 to i32
    %cond3A = arith.constant 0 : i32
    %cond3A_32 = arith.cmpi ne, %convert_element_type3A, %cond3A : i32
    scf.if %cond3A_32 {
      %mul3A_37 = arith.constant 640 : i32
      %mul3A_38 = arith.muli %arg1, %mul3A_37 : i32
      %add3A_39 = arith.constant 0 : i32
      %add3A_40 = arith.addi %mul3A_38, %add3A_39 : i32
      %dma_start3A_41 = arith.constant 0 : i32
      %dma_start3A_42 = arith.constant 0 : i32
      %dma_start3A_43 = tpu.memref_slice %arg9[%dma_start3A_41, %dma_start3A_42] : memref<200x160xbf16, #tpu.memory_space<vmem>> -> memref<80x160xbf16, #tpu.memory_space<vmem>>
      %dma_start3A_44 = arith.constant 0 : i32
      %dma_start3A_45 = tpu.memref_slice %arg12[%add3A_40, %dma_start3A_44] : memref<10240x160xbf16, #tpu.memory_space<vmem_shared>> -> memref<80x160xbf16, #tpu.memory_space<vmem_shared>>
      %dma_start3A_46 = arith.constant 0 : i32
      %dma_start3A_47 = arith.constant 0 : i32
      %dma_start3A_48 = tpu.memref_slice %arg9[%dma_start3A_46, %dma_start3A_47] : memref<200x160xbf16, #tpu.memory_space<vmem>> -> memref<80x160xbf16, #tpu.memory_space<vmem>>
      %dma_start3A_49 = arith.constant 0 : i32
      %dma_start3A_50 = tpu.memref_slice %arg12[%add3A_40, %dma_start3A_49] : memref<10240x160xbf16, #tpu.memory_space<vmem_shared>> -> memref<80x160xbf16, #tpu.memory_space<vmem_shared>>
      tpu.enqueue_dma source(%dma_start3A_50 : memref<80x160xbf16, #tpu.memory_space<vmem_shared>>) target(%dma_start3A_48 : memref<80x160xbf16, #tpu.memory_space<vmem>>) target_semaphore(%arg13 : memref<!tpu.dma_semaphore, #tpu.memory_space<semaphore_mem>>)
      %dma_start3A_51 = arith.constant 0 : i32
      %dma_start3A_52 = arith.constant 0 : i32
      %dma_start3A_53 = tpu.memref_slice %arg10[%dma_start3A_51, %dma_start3A_52] : memref<200x160xbf16, #tpu.memory_space<vmem>> -> memref<80x160xbf16, #tpu.memory_space<vmem>>
      %dma_start3A_54 = arith.constant 0 : i32
      %dma_start3A_55 = tpu.memref_slice %arg4[%add3A_40, %dma_start3A_54] : memref<10000x160xbf16, #tpu.memory_space<hbm>> -> memref<80x160xbf16, #tpu.memory_space<hbm>>
      %dma_start3A_56 = arith.constant 0 : i32
      %dma_start3A_57 = arith.constant 0 : i32
      %dma_start3A_58 = tpu.memref_slice %arg10[%dma_start3A_56, %dma_start3A_57] : memref<200x160xbf16, #tpu.memory_space<vmem>> -> memref<80x160xbf16, #tpu.memory_space<vmem>>
      %dma_start3A_59 = arith.constant 0 : i32
      %dma_start3A_60 = tpu.memref_slice %arg4[%add3A_40, %dma_start3A_59] : memref<10000x160xbf16, #tpu.memory_space<hbm>> -> memref<80x160xbf16, #tpu.memory_space<hbm>>
      tpu.enqueue_dma source(%dma_start3A_60 : memref<80x160xbf16, #tpu.memory_space<hbm>>) target(%dma_start3A_58 : memref<80x160xbf16, #tpu.memory_space<vmem>>) target_semaphore(%arg14 : memref<!tpu.dma_semaphore, #tpu.memory_space<semaphore_mem>>)
      %mul3A_61 = arith.constant 640 : i32
      %mul3A_62 = arith.muli %arg1, %mul3A_61 : i32
      %add3A_63 = arith.constant 80 : i32
      %add3A_64 = arith.addi %mul3A_62, %add3A_63 : i32
      %dma_start3A_65 = arith.constant 80 : i32
      %dma_start3A_66 = arith.constant 0 : i32
      %dma_start3A_67 = tpu.memref_slice %arg9[%dma_start3A_65, %dma_start3A_66] : memref<200x160xbf16, #tpu.memory_space<vmem>> -> memref<80x160xbf16, #tpu.memory_space<vmem>>
      %dma_start3A_68 = arith.constant 0 : i32
      %dma_start3A_69 = tpu.memref_slice %arg12[%add3A_64, %dma_start3A_68] : memref<10240x160xbf16, #tpu.memory_space<vmem_shared>> -> memref<80x160xbf16, #tpu.memory_space<vmem_shared>>
      %dma_start3A_70 = arith.constant 80 : i32
      %dma_start3A_71 = arith.constant 0 : i32
      %dma_start3A_72 = tpu.memref_slice %arg9[%dma_start3A_70, %dma_start3A_71] : memref<200x160xbf16, #tpu.memory_space<vmem>> -> memref<80x160xbf16, #tpu.memory_space<vmem>>
      %dma_start3A_73 = arith.constant 0 : i32
      %dma_start3A_74 = tpu.memref_slice %arg12[%add3A_64, %dma_start3A_73] : memref<10240x160xbf16, #tpu.memory_space<vmem_shared>> -> memref<80x160xbf16, #tpu.memory_space<vmem_shared>>
      tpu.enqueue_dma source(%dma_start3A_74 : memref<80x160xbf16, #tpu.memory_space<vmem_shared>>) target(%dma_start3A_72 : memref<80x160xbf16, #tpu.memory_space<vmem>>) target_semaphore(%arg13 : memref<!tpu.dma_semaphore, #tpu.memory_space<semaphore_mem>>)
      %dma_start3A_75 = arith.constant 80 : i32
      %dma_start3A_76 = arith.constant 0 : i32
      %dma_start3A_77 = tpu.memref_slice %arg10[%dma_start3A_75, %dma_start3A_76] : memref<200x160xbf16, #tpu.memory_space<vmem>> -> memref<80x160xbf16, #tpu.memory_space<vmem>>
      %dma_start3A_78 = arith.constant 0 : i32
      %dma_start3A_79 = tpu.memref_slice %arg4[%add3A_64, %dma_start3A_78] : memref<10000x160xbf16, #tpu.memory_space<hbm>> -> memref<80x160xbf16, #tpu.memory_space<hbm>>
      %dma_start3A_80 = arith.constant 80 : i32
      %dma_start3A_81 = arith.constant 0 : i32
      %dma_start3A_82 = tpu.memref_slice %arg10[%dma_start3A_80, %dma_start3A_81] : memref<200x160xbf16, #tpu.memory_space<vmem>> -> memref<80x160xbf16, #tpu.memory_space<vmem>>
      %dma_start3A_83 = arith.constant 0 : i32
      %dma_start3A_84 = tpu.memref_slice %arg4[%add3A_64, %dma_start3A_83] : memref<10000x160xbf16, #tpu.memory_space<hbm>> -> memref<80x160xbf16, #tpu.memory_space<hbm>>
      tpu.enqueue_dma source(%dma_start3A_84 : memref<80x160xbf16, #tpu.memory_space<hbm>>) target(%dma_start3A_82 : memref<80x160xbf16, #tpu.memory_space<vmem>>) target_semaphore(%arg14 : memref<!tpu.dma_semaphore, #tpu.memory_space<semaphore_mem>>)
      %scan3A_85 = arith.constant 0 : i32
      %scan3A_86 = arith.constant 0 : i32
      %scan3A_87 = arith.constant 4 : i32
      %scan3A_88 = arith.addi %scan3A_86, %scan3A_87 : i32
      %scan3A_89 = arith.constant 1 : i32
      scf.for %scan3A_93 = %scan3A_86 to %scan3A_88 step %scan3A_89  : i32 {
        %mul3A_94 = arith.constant 2 : i32
        %mul3A_95 = arith.muli %mul3A_94, %scan3A_93 : i32
        %add3A_96 = arith.constant 0 : i32
        %add3A_97 = arith.addi %mul3A_95, %add3A_96 : i32
        %mul3A_98 = arith.constant 640 : i32
        %mul3A_99 = arith.muli %arg1, %mul3A_98 : i32
        %mul3A_100 = arith.constant 80 : i32
        %mul3A_101 = arith.muli %add3A_97, %mul3A_100 : i32
        %add3A_102 = arith.addi %mul3A_99, %mul3A_101 : i32
        %dma_wait3A_103 = arith.constant 0 : i32
        %dma_wait3A_104 = arith.constant 0 : i32
        %dma_wait3A_105 = tpu.memref_slice %arg9[%dma_wait3A_103, %dma_wait3A_104] : memref<200x160xbf16, #tpu.memory_space<vmem>> -> memref<80x160xbf16, #tpu.memory_space<vmem>>
        %dma_wait3A_106 = arith.constant 0 : i32
        %dma_wait3A_107 = tpu.memref_slice %arg12[%add3A_102, %dma_wait3A_106] : memref<10240x160xbf16, #tpu.memory_space<vmem_shared>> -> memref<80x160xbf16, #tpu.memory_space<vmem_shared>>
        %dma_wait3A_108 = arith.constant 0 : i32
        %dma_wait3A_109 = arith.constant 0 : i32
        %dma_wait3A_110 = tpu.memref_slice %arg9[%dma_wait3A_108, %dma_wait3A_109] : memref<200x160xbf16, #tpu.memory_space<vmem>> -> memref<80x160xbf16, #tpu.memory_space<vmem>>
        %dma_wait3A_111 = arith.constant 0 : i32
        %dma_wait3A_112 = tpu.memref_slice %arg12[%add3A_102, %dma_wait3A_111] : memref<10240x160xbf16, #tpu.memory_space<vmem_shared>> -> memref<80x160xbf16, #tpu.memory_space<vmem_shared>>
        tpu.wait_dma2 semaphore(%arg13 : memref<!tpu.dma_semaphore, #tpu.memory_space<semaphore_mem>>) src(%dma_wait3A_112 : memref<80x160xbf16, #tpu.memory_space<vmem_shared>>) dst(%dma_wait3A_110 : memref<80x160xbf16, #tpu.memory_space<vmem>>)
        %dma_wait3A_113 = arith.constant 0 : i32
        %dma_wait3A_114 = arith.constant 0 : i32
        %dma_wait3A_115 = tpu.memref_slice %arg10[%dma_wait3A_113, %dma_wait3A_114] : memref<200x160xbf16, #tpu.memory_space<vmem>> -> memref<80x160xbf16, #tpu.memory_space<vmem>>
        %dma_wait3A_116 = arith.constant 0 : i32
        %dma_wait3A_117 = tpu.memref_slice %arg4[%add3A_102, %dma_wait3A_116] : memref<10000x160xbf16, #tpu.memory_space<hbm>> -> memref<80x160xbf16, #tpu.memory_space<hbm>>
        %dma_wait3A_118 = arith.constant 0 : i32
        %dma_wait3A_119 = arith.constant 0 : i32
        %dma_wait3A_120 = tpu.memref_slice %arg10[%dma_wait3A_118, %dma_wait3A_119] : memref<200x160xbf16, #tpu.memory_space<vmem>> -> memref<80x160xbf16, #tpu.memory_space<vmem>>
        %dma_wait3A_121 = arith.constant 0 : i32
        %dma_wait3A_122 = tpu.memref_slice %arg4[%add3A_102, %dma_wait3A_121] : memref<10000x160xbf16, #tpu.memory_space<hbm>> -> memref<80x160xbf16, #tpu.memory_space<hbm>>
        tpu.wait_dma2 semaphore(%arg14 : memref<!tpu.dma_semaphore, #tpu.memory_space<semaphore_mem>>) src(%dma_wait3A_122 : memref<80x160xbf16, #tpu.memory_space<hbm>>) dst(%dma_wait3A_120 : memref<80x160xbf16, #tpu.memory_space<vmem>>)
        %scan3A_123 = arith.constant 0 : i32
        %scan3A_124 = arith.constant 0 : i32
        %scan3A_125 = arith.constant 80 : i32
        %scan3A_126 = arith.addi %scan3A_124, %scan3A_125 : i32
        %scan3A_127 = arith.constant 1 : i32
        scf.for %scan3A_178 = %scan3A_124 to %scan3A_126 step %scan3A_127  : i32 {
          %broadcast_in_dim3A = arith.constant 0.000000e+00 : f32
          %broadcast_in_dim3A_179 = vector.broadcast %broadcast_in_dim3A : f32 to vector<16xf32>
          %add3A_180 = arith.constant 0 : i32
          %add3A_181 = arith.addi %add3A_180, %scan3A_178 : i32
          %get3A = arith.index_cast %add3A_181 : i32 to index
          %get3A_182 = arith.constant 0 : index
          %get3A_183 = tpu.vector_load %arg9[%get3A, %get3A_182] {strides = array<i32>} : memref<200x160xbf16, #tpu.memory_space<vmem>>, vector<32xbf16>,
          %add3A_184 = arith.constant 0 : i32
          %add3A_185 = arith.addi %add3A_184, %scan3A_178 : i32
          %get3A_186 = arith.index_cast %add3A_185 : i32 to index
          %get3A_187 = arith.constant 0 : index
          %get3A_188 = tpu.vector_load %arg10[%get3A_186, %get3A_187] {strides = array<i32>} : memref<200x160xbf16, #tpu.memory_space<vmem>>, vector<32xbf16>,
          %mul3A_189 = arith.mulf %get3A_183, %get3A_188 : vector<32xbf16>
          %unpack3A = tpu.unpack_subelements %mul3A_189, 0 {pack_format = #tpu.pack_format<interleaved>} : vector<32xbf16> -> vector<16xf32>
          %unpack3A_190 = tpu.unpack_subelements %mul3A_189, 1 {pack_format = #tpu.pack_format<interleaved>} : vector<32xbf16> -> vector<16xf32>
          %add3A_191 = arith.addf %broadcast_in_dim3A_179, %unpack3A : vector<16xf32>
          %add3A_192 = arith.addf %add3A_191, %unpack3A_190 : vector<16xf32>
          %add3A_193 = arith.constant 0 : i32
          %add3A_194 = arith.addi %add3A_193, %scan3A_178 : i32
          %get3A_195 = arith.index_cast %add3A_194 : i32 to index
          %get3A_196 = arith.constant 32 : index
          %get3A_197 = tpu.vector_load %arg9[%get3A_195, %get3A_196] {strides = array<i32>} : memref<200x160xbf16, #tpu.memory_space<vmem>>, vector<32xbf16>,
          %add3A_198 = arith.constant 0 : i32
          %add3A_199 = arith.addi %add3A_198, %scan3A_178 : i32
          %get3A_200 = arith.index_cast %add3A_199 : i32 to index
          %get3A_201 = arith.constant 32 : index
          %get3A_202 = tpu.vector_load %arg10[%get3A_200, %get3A_201] {strides = array<i32>} : memref<200x160xbf16, #tpu.memory_space<vmem>>, vector<32xbf16>,
          %mul3A_203 = arith.mulf %get3A_197, %get3A_202 : vector<32xbf16>
          %unpack3A_204 = tpu.unpack_subelements %mul3A_203, 0 {pack_format = #tpu.pack_format<interleaved>} : vector<32xbf16> -> vector<16xf32>
          %unpack3A_205 = tpu.unpack_subelements %mul3A_203, 1 {pack_format = #tpu.pack_format<interleaved>} : vector<32xbf16> -> vector<16xf32>
          %add3A_206 = arith.addf %add3A_192, %unpack3A_204 : vector<16xf32>
          %add3A_207 = arith.addf %add3A_206, %unpack3A_205 : vector<16xf32>
          %add3A_208 = arith.constant 0 : i32
          %add3A_209 = arith.addi %add3A_208, %scan3A_178 : i32
          %get3A_210 = arith.index_cast %add3A_209 : i32 to index
          %get3A_211 = arith.constant 64 : index
          %get3A_212 = tpu.vector_load %arg9[%get3A_210, %get3A_211] {strides = array<i32>} : memref<200x160xbf16, #tpu.memory_space<vmem>>, vector<32xbf16>,
          %add3A_213 = arith.constant 0 : i32
          %add3A_214 = arith.addi %add3A_213, %scan3A_178 : i32
          %get3A_215 = arith.index_cast %add3A_214 : i32 to index
          %get3A_216 = arith.constant 64 : index
          %get3A_217 = tpu.vector_load %arg10[%get3A_215, %get3A_216] {strides = array<i32>} : memref<200x160xbf16, #tpu.memory_space<vmem>>, vector<32xbf16>,
          %mul3A_218 = arith.mulf %get3A_212, %get3A_217 : vector<32xbf16>
          %unpack3A_219 = tpu.unpack_subelements %mul3A_218, 0 {pack_format = #tpu.pack_format<interleaved>} : vector<32xbf16> -> vector<16xf32>
          %unpack3A_220 = tpu.unpack_subelements %mul3A_218, 1 {pack_format = #tpu.pack_format<interleaved>} : vector<32xbf16> -> vector<16xf32>
          %add3A_221 = arith.addf %add3A_207, %unpack3A_219 : vector<16xf32>
          %add3A_222 = arith.addf %add3A_221, %unpack3A_220 : vector<16xf32>
          %add3A_223 = arith.constant 0 : i32
          %add3A_224 = arith.addi %add3A_223, %scan3A_178 : i32
          %get3A_225 = arith.index_cast %add3A_224 : i32 to index
          %get3A_226 = arith.constant 96 : index
          %get3A_227 = tpu.vector_load %arg9[%get3A_225, %get3A_226] {strides = array<i32>} : memref<200x160xbf16, #tpu.memory_space<vmem>>, vector<32xbf16>,
          %add3A_228 = arith.constant 0 : i32
          %add3A_229 = arith.addi %add3A_228, %scan3A_178 : i32
          %get3A_230 = arith.index_cast %add3A_229 : i32 to index
          %get3A_231 = arith.constant 96 : index
          %get3A_232 = tpu.vector_load %arg10[%get3A_230, %get3A_231] {strides = array<i32>} : memref<200x160xbf16, #tpu.memory_space<vmem>>, vector<32xbf16>,
          %mul3A_233 = arith.mulf %get3A_227, %get3A_232 : vector<32xbf16>
          %unpack3A_234 = tpu.unpack_subelements %mul3A_233, 0 {pack_format = #tpu.pack_format<interleaved>} : vector<32xbf16> -> vector<16xf32>
          %unpack3A_235 = tpu.unpack_subelements %mul3A_233, 1 {pack_format = #tpu.pack_format<interleaved>} : vector<32xbf16> -> vector<16xf32>
          %add3A_236 = arith.addf %add3A_222, %unpack3A_234 : vector<16xf32>
          %add3A_237 = arith.addf %add3A_236, %unpack3A_235 : vector<16xf32>
          %add3A_238 = arith.constant 0 : i32
          %add3A_239 = arith.addi %add3A_238, %scan3A_178 : i32
          %get3A_240 = arith.index_cast %add3A_239 : i32 to index
          %get3A_241 = arith.constant 128 : index
          %get3A_242 = tpu.vector_load %arg9[%get3A_240, %get3A_241] {strides = array<i32>} : memref<200x160xbf16, #tpu.memory_space<vmem>>, vector<32xbf16>,
          %unpack3A_243 = tpu.unpack_subelements %get3A_242, 0 {pack_format = #tpu.pack_format<interleaved>} : vector<32xbf16> -> vector<16xf32>
          %unpack3A_244 = tpu.unpack_subelements %get3A_242, 1 {pack_format = #tpu.pack_format<interleaved>} : vector<32xbf16> -> vector<16xf32>
          %pack3A = tpu.pack_subelements %add3A_237, %unpack3A_243 {pack_format = #tpu.pack_format<interleaved>, positions = array<i32: 0, 1>} : vector<16xf32>, vector<16xf32> -> vector<32xbf16>
          %mul3A_245 = arith.constant 80 : i32
          %mul3A_246 = arith.muli %add3A_97, %mul3A_245 : i32
          %add3A_247 = arith.addi %mul3A_246, %scan3A_178 : i32
          %swap3A = arith.index_cast %add3A_247 : i32 to index
          %swap3A_248 = arith.constant 0 : index
          %swap3A_249 = tpu.vector_load %arg11[%swap3A, %swap3A_248] {strides = array<i32>} : memref<640x32xbf16, #tpu.memory_space<vmem>>, vector<32xbf16>,
          tpu.vector_store %arg11[%swap3A, %swap3A_248], %pack3A {strides = array<i32>} : memref<640x32xbf16, #tpu.memory_space<vmem>>, vector<32xbf16>,
        }
        %scan3A_128 = arith.constant 80 : i32
        %add3A_129 = arith.constant 2 : i32
        %add3A_130 = arith.addi %add3A_97, %add3A_129 : i32
        %lt3A_131 = arith.constant 8 : i32
        %lt3A_132 = arith.cmpi slt, %add3A_130, %lt3A_131 : i32
        %convert_element_type3A_133 = arith.extui %lt3A_132 : i1 to i32
        %cond3A_134 = arith.constant 0 : i32
        %cond3A_135 = arith.cmpi ne, %convert_element_type3A_133, %cond3A_134 : i32
        scf.if %cond3A_135 {
          %add3A_178 = arith.constant 2 : i32
          %add3A_179 = arith.addi %add3A_97, %add3A_178 : i32
          %mul3A_180 = arith.constant 640 : i32
          %mul3A_181 = arith.muli %arg1, %mul3A_180 : i32
          %mul3A_182 = arith.constant 80 : i32
          %mul3A_183 = arith.muli %add3A_179, %mul3A_182 : i32
          %add3A_184 = arith.addi %mul3A_181, %mul3A_183 : i32
          %dma_start3A_185 = arith.constant 0 : i32
          %dma_start3A_186 = arith.constant 0 : i32
          %dma_start3A_187 = tpu.memref_slice %arg9[%dma_start3A_185, %dma_start3A_186] : memref<200x160xbf16, #tpu.memory_space<vmem>> -> memref<80x160xbf16, #tpu.memory_space<vmem>>
          %dma_start3A_188 = arith.constant 0 : i32
          %dma_start3A_189 = tpu.memref_slice %arg12[%add3A_184, %dma_start3A_188] : memref<10240x160xbf16, #tpu.memory_space<vmem_shared>> -> memref<80x160xbf16, #tpu.memory_space<vmem_shared>>
          %dma_start3A_190 = arith.constant 0 : i32
          %dma_start3A_191 = arith.constant 0 : i32
          %dma_start3A_192 = tpu.memref_slice %arg9[%dma_start3A_190, %dma_start3A_191] : memref<200x160xbf16, #tpu.memory_space<vmem>> -> memref<80x160xbf16, #tpu.memory_space<vmem>>
          %dma_start3A_193 = arith.constant 0 : i32
          %dma_start3A_194 = tpu.memref_slice %arg12[%add3A_184, %dma_start3A_193] : memref<10240x160xbf16, #tpu.memory_space<vmem_shared>> -> memref<80x160xbf16, #tpu.memory_space<vmem_shared>>
          tpu.enqueue_dma source(%dma_start3A_194 : memref<80x160xbf16, #tpu.memory_space<vmem_shared>>) target(%dma_start3A_192 : memref<80x160xbf16, #tpu.memory_space<vmem>>) target_semaphore(%arg13 : memref<!tpu.dma_semaphore, #tpu.memory_space<semaphore_mem>>)
          %dma_start3A_195 = arith.constant 0 : i32
          %dma_start3A_196 = arith.constant 0 : i32
          %dma_start3A_197 = tpu.memref_slice %arg10[%dma_start3A_195, %dma_start3A_196] : memref<200x160xbf16, #tpu.memory_space<vmem>> -> memref<80x160xbf16, #tpu.memory_space<vmem>>
          %dma_start3A_198 = arith.constant 0 : i32
          %dma_start3A_199 = tpu.memref_slice %arg4[%add3A_184, %dma_start3A_198] : memref<10000x160xbf16, #tpu.memory_space<hbm>> -> memref<80x160xbf16, #tpu.memory_space<hbm>>
          %dma_start3A_200 = arith.constant 0 : i32
          %dma_start3A_201 = arith.constant 0 : i32
          %dma_start3A_202 = tpu.memref_slice %arg10[%dma_start3A_200, %dma_start3A_201] : memref<200x160xbf16, #tpu.memory_space<vmem>> -> memref<80x160xbf16, #tpu.memory_space<vmem>>
          %dma_start3A_203 = arith.constant 0 : i32
          %dma_start3A_204 = tpu.memref_slice %arg4[%add3A_184, %dma_start3A_203] : memref<10000x160xbf16, #tpu.memory_space<hbm>> -> memref<80x160xbf16, #tpu.memory_space<hbm>>
          tpu.enqueue_dma source(%dma_start3A_204 : memref<80x160xbf16, #tpu.memory_space<hbm>>) target(%dma_start3A_202 : memref<80x160xbf16, #tpu.memory_space<vmem>>) target_semaphore(%arg14 : memref<!tpu.dma_semaphore, #tpu.memory_space<semaphore_mem>>)
        } else {
        }
        %mul3A_136 = arith.constant 2 : i32
        %mul3A_137 = arith.muli %mul3A_136, %scan3A_93 : i32
        %add3A_138 = arith.constant 1 : i32
        %add3A_139 = arith.addi %mul3A_137, %add3A_138 : i32
        %mul3A_140 = arith.constant 640 : i32
        %mul3A_141 = arith.muli %arg1, %mul3A_140 : i32
        %mul3A_142 = arith.constant 80 : i32
        %mul3A_143 = arith.muli %add3A_139, %mul3A_142 : i32
        %add3A_144 = arith.addi %mul3A_141, %mul3A_143 : i32
        %dma_wait3A_145 = arith.constant 80 : i32
        %dma_wait3A_146 = arith.constant 0 : i32
        %dma_wait3A_147 = tpu.memref_slice %arg9[%dma_wait3A_145, %dma_wait3A_146] : memref<200x160xbf16, #tpu.memory_space<vmem>> -> memref<80x160xbf16, #tpu.memory_space<vmem>>
        %dma_wait3A_148 = arith.constant 0 : i32
        %dma_wait3A_149 = tpu.memref_slice %arg12[%add3A_144, %dma_wait3A_148] : memref<10240x160xbf16, #tpu.memory_space<vmem_shared>> -> memref<80x160xbf16, #tpu.memory_space<vmem_shared>>
        %dma_wait3A_150 = arith.constant 80 : i32
        %dma_wait3A_151 = arith.constant 0 : i32
        %dma_wait3A_152 = tpu.memref_slice %arg9[%dma_wait3A_150, %dma_wait3A_151] : memref<200x160xbf16, #tpu.memory_space<vmem>> -> memref<80x160xbf16, #tpu.memory_space<vmem>>
        %dma_wait3A_153 = arith.constant 0 : i32
        %dma_wait3A_154 = tpu.memref_slice %arg12[%add3A_144, %dma_wait3A_153] : memref<10240x160xbf16, #tpu.memory_space<vmem_shared>> -> memref<80x160xbf16, #tpu.memory_space<vmem_shared>>
        tpu.wait_dma2 semaphore(%arg13 : memref<!tpu.dma_semaphore, #tpu.memory_space<semaphore_mem>>) src(%dma_wait3A_154 : memref<80x160xbf16, #tpu.memory_space<vmem_shared>>) dst(%dma_wait3A_152 : memref<80x160xbf16, #tpu.memory_space<vmem>>)
        %dma_wait3A_155 = arith.constant 80 : i32
        %dma_wait3A_156 = arith.constant 0 : i32
        %dma_wait3A_157 = tpu.memref_slice %arg10[%dma_wait3A_155, %dma_wait3A_156] : memref<200x160xbf16, #tpu.memory_space<vmem>> -> memref<80x160xbf16, #tpu.memory_space<vmem>>
        %dma_wait3A_158 = arith.constant 0 : i32
        %dma_wait3A_159 = tpu.memref_slice %arg4[%add3A_144, %dma_wait3A_158] : memref<10000x160xbf16, #tpu.memory_space<hbm>> -> memref<80x160xbf16, #tpu.memory_space<hbm>>
        %dma_wait3A_160 = arith.constant 80 : i32
        %dma_wait3A_161 = arith.constant 0 : i32
        %dma_wait3A_162 = tpu.memref_slice %arg10[%dma_wait3A_160, %dma_wait3A_161] : memref<200x160xbf16, #tpu.memory_space<vmem>> -> memref<80x160xbf16, #tpu.memory_space<vmem>>
        %dma_wait3A_163 = arith.constant 0 : i32
        %dma_wait3A_164 = tpu.memref_slice %arg4[%add3A_144, %dma_wait3A_163] : memref<10000x160xbf16, #tpu.memory_space<hbm>> -> memref<80x160xbf16, #tpu.memory_space<hbm>>
        tpu.wait_dma2 semaphore(%arg14 : memref<!tpu.dma_semaphore, #tpu.memory_space<semaphore_mem>>) src(%dma_wait3A_164 : memref<80x160xbf16, #tpu.memory_space<hbm>>) dst(%dma_wait3A_162 : memref<80x160xbf16, #tpu.memory_space<vmem>>)
        %scan3A_165 = arith.constant 0 : i32
        %scan3A_166 = arith.constant 0 : i32
        %scan3A_167 = arith.constant 80 : i32
        %scan3A_168 = arith.addi %scan3A_166, %scan3A_167 : i32
        %scan3A_169 = arith.constant 1 : i32
        scf.for %scan3A_178 = %scan3A_166 to %scan3A_168 step %scan3A_169  : i32 {
          %broadcast_in_dim3A = arith.constant 0.000000e+00 : f32
          %broadcast_in_dim3A_179 = vector.broadcast %broadcast_in_dim3A : f32 to vector<16xf32>
          %add3A_180 = arith.constant 80 : i32
          %add3A_181 = arith.addi %add3A_180, %scan3A_178 : i32
          %get3A = arith.index_cast %add3A_181 : i32 to index
          %get3A_182 = arith.constant 0 : index
          %get3A_183 = tpu.vector_load %arg9[%get3A, %get3A_182] {strides = array<i32>} : memref<200x160xbf16, #tpu.memory_space<vmem>>, vector<32xbf16>,
          %add3A_184 = arith.constant 80 : i32
          %add3A_185 = arith.addi %add3A_184, %scan3A_178 : i32
          %get3A_186 = arith.index_cast %add3A_185 : i32 to index
          %get3A_187 = arith.constant 0 : index
          %get3A_188 = tpu.vector_load %arg10[%get3A_186, %get3A_187] {strides = array<i32>} : memref<200x160xbf16, #tpu.memory_space<vmem>>, vector<32xbf16>,
          %mul3A_189 = arith.mulf %get3A_183, %get3A_188 : vector<32xbf16>
          %unpack3A = tpu.unpack_subelements %mul3A_189, 0 {pack_format = #tpu.pack_format<interleaved>} : vector<32xbf16> -> vector<16xf32>
          %unpack3A_190 = tpu.unpack_subelements %mul3A_189, 1 {pack_format = #tpu.pack_format<interleaved>} : vector<32xbf16> -> vector<16xf32>
          %add3A_191 = arith.addf %broadcast_in_dim3A_179, %unpack3A : vector<16xf32>
          %add3A_192 = arith.addf %add3A_191, %unpack3A_190 : vector<16xf32>
          %add3A_193 = arith.constant 80 : i32
          %add3A_194 = arith.addi %add3A_193, %scan3A_178 : i32
          %get3A_195 = arith.index_cast %add3A_194 : i32 to index
          %get3A_196 = arith.constant 32 : index
          %get3A_197 = tpu.vector_load %arg9[%get3A_195, %get3A_196] {strides = array<i32>} : memref<200x160xbf16, #tpu.memory_space<vmem>>, vector<32xbf16>,
          %add3A_198 = arith.constant 80 : i32
          %add3A_199 = arith.addi %add3A_198, %scan3A_178 : i32
          %get3A_200 = arith.index_cast %add3A_199 : i32 to index
          %get3A_201 = arith.constant 32 : index
          %get3A_202 = tpu.vector_load %arg10[%get3A_200, %get3A_201] {strides = array<i32>} : memref<200x160xbf16, #tpu.memory_space<vmem>>, vector<32xbf16>,
          %mul3A_203 = arith.mulf %get3A_197, %get3A_202 : vector<32xbf16>
          %unpack3A_204 = tpu.unpack_subelements %mul3A_203, 0 {pack_format = #tpu.pack_format<interleaved>} : vector<32xbf16> -> vector<16xf32>
          %unpack3A_205 = tpu.unpack_subelements %mul3A_203, 1 {pack_format = #tpu.pack_format<interleaved>} : vector<32xbf16> -> vector<16xf32>
          %add3A_206 = arith.addf %add3A_192, %unpack3A_204 : vector<16xf32>
          %add3A_207 = arith.addf %add3A_206, %unpack3A_205 : vector<16xf32>
          %add3A_208 = arith.constant 80 : i32
          %add3A_209 = arith.addi %add3A_208, %scan3A_178 : i32
          %get3A_210 = arith.index_cast %add3A_209 : i32 to index
          %get3A_211 = arith.constant 64 : index
          %get3A_212 = tpu.vector_load %arg9[%get3A_210, %get3A_211] {strides = array<i32>} : memref<200x160xbf16, #tpu.memory_space<vmem>>, vector<32xbf16>,
          %add3A_213 = arith.constant 80 : i32
          %add3A_214 = arith.addi %add3A_213, %scan3A_178 : i32
          %get3A_215 = arith.index_cast %add3A_214 : i32 to index
          %get3A_216 = arith.constant 64 : index
          %get3A_217 = tpu.vector_load %arg10[%get3A_215, %get3A_216] {strides = array<i32>} : memref<200x160xbf16, #tpu.memory_space<vmem>>, vector<32xbf16>,
          %mul3A_218 = arith.mulf %get3A_212, %get3A_217 : vector<32xbf16>
          %unpack3A_219 = tpu.unpack_subelements %mul3A_218, 0 {pack_format = #tpu.pack_format<interleaved>} : vector<32xbf16> -> vector<16xf32>
          %unpack3A_220 = tpu.unpack_subelements %mul3A_218, 1 {pack_format = #tpu.pack_format<interleaved>} : vector<32xbf16> -> vector<16xf32>
          %add3A_221 = arith.addf %add3A_207, %unpack3A_219 : vector<16xf32>
          %add3A_222 = arith.addf %add3A_221, %unpack3A_220 : vector<16xf32>
          %add3A_223 = arith.constant 80 : i32
          %add3A_224 = arith.addi %add3A_223, %scan3A_178 : i32
          %get3A_225 = arith.index_cast %add3A_224 : i32 to index
          %get3A_226 = arith.constant 96 : index
          %get3A_227 = tpu.vector_load %arg9[%get3A_225, %get3A_226] {strides = array<i32>} : memref<200x160xbf16, #tpu.memory_space<vmem>>, vector<32xbf16>,
          %add3A_228 = arith.constant 80 : i32
          %add3A_229 = arith.addi %add3A_228, %scan3A_178 : i32
          %get3A_230 = arith.index_cast %add3A_229 : i32 to index
          %get3A_231 = arith.constant 96 : index
          %get3A_232 = tpu.vector_load %arg10[%get3A_230, %get3A_231] {strides = array<i32>} : memref<200x160xbf16, #tpu.memory_space<vmem>>, vector<32xbf16>,
          %mul3A_233 = arith.mulf %get3A_227, %get3A_232 : vector<32xbf16>
          %unpack3A_234 = tpu.unpack_subelements %mul3A_233, 0 {pack_format = #tpu.pack_format<interleaved>} : vector<32xbf16> -> vector<16xf32>
          %unpack3A_235 = tpu.unpack_subelements %mul3A_233, 1 {pack_format = #tpu.pack_format<interleaved>} : vector<32xbf16> -> vector<16xf32>
          %add3A_236 = arith.addf %add3A_222, %unpack3A_234 : vector<16xf32>
          %add3A_237 = arith.addf %add3A_236, %unpack3A_235 : vector<16xf32>
          %add3A_238 = arith.constant 80 : i32
          %add3A_239 = arith.addi %add3A_238, %scan3A_178 : i32
          %get3A_240 = arith.index_cast %add3A_239 : i32 to index
          %get3A_241 = arith.constant 128 : index
          %get3A_242 = tpu.vector_load %arg9[%get3A_240, %get3A_241] {strides = array<i32>} : memref<200x160xbf16, #tpu.memory_space<vmem>>, vector<32xbf16>,
          %unpack3A_243 = tpu.unpack_subelements %get3A_242, 0 {pack_format = #tpu.pack_format<interleaved>} : vector<32xbf16> -> vector<16xf32>
          %unpack3A_244 = tpu.unpack_subelements %get3A_242, 1 {pack_format = #tpu.pack_format<interleaved>} : vector<32xbf16> -> vector<16xf32>
          %pack3A = tpu.pack_subelements %add3A_237, %unpack3A_243 {pack_format = #tpu.pack_format<interleaved>, positions = array<i32: 0, 1>} : vector<16xf32>, vector<16xf32> -> vector<32xbf16>
          %mul3A_245 = arith.constant 80 : i32
          %mul3A_246 = arith.muli %add3A_139, %mul3A_245 : i32
          %add3A_247 = arith.addi %mul3A_246, %scan3A_178 : i32
          %swap3A = arith.index_cast %add3A_247 : i32 to index
          %swap3A_248 = arith.constant 0 : index
          %swap3A_249 = tpu.vector_load %arg11[%swap3A, %swap3A_248] {strides = array<i32>} : memref<640x32xbf16, #tpu.memory_space<vmem>>, vector<32xbf16>,
          tpu.vector_store %arg11[%swap3A, %swap3A_248], %pack3A {strides = array<i32>} : memref<640x32xbf16, #tpu.memory_space<vmem>>, vector<32xbf16>,
        }
        %scan3A_170 = arith.constant 80 : i32
        %add3A_171 = arith.constant 2 : i32
        %add3A_172 = arith.addi %add3A_139, %add3A_171 : i32
        %lt3A_173 = arith.constant 8 : i32
        %lt3A_174 = arith.cmpi slt, %add3A_172, %lt3A_173 : i32
        %convert_element_type3A_175 = arith.extui %lt3A_174 : i1 to i32
        %cond3A_176 = arith.constant 0 : i32
        %cond3A_177 = arith.cmpi ne, %convert_element_type3A_175, %cond3A_176 : i32
        scf.if %cond3A_177 {
          %add3A_178 = arith.constant 2 : i32
          %add3A_179 = arith.addi %add3A_139, %add3A_178 : i32
          %mul3A_180 = arith.constant 640 : i32
          %mul3A_181 = arith.muli %arg1, %mul3A_180 : i32
          %mul3A_182 = arith.constant 80 : i32
          %mul3A_183 = arith.muli %add3A_179, %mul3A_182 : i32
          %add3A_184 = arith.addi %mul3A_181, %mul3A_183 : i32
          %dma_start3A_185 = arith.constant 80 : i32
          %dma_start3A_186 = arith.constant 0 : i32
          %dma_start3A_187 = tpu.memref_slice %arg9[%dma_start3A_185, %dma_start3A_186] : memref<200x160xbf16, #tpu.memory_space<vmem>> -> memref<80x160xbf16, #tpu.memory_space<vmem>>
          %dma_start3A_188 = arith.constant 0 : i32
          %dma_start3A_189 = tpu.memref_slice %arg12[%add3A_184, %dma_start3A_188] : memref<10240x160xbf16, #tpu.memory_space<vmem_shared>> -> memref<80x160xbf16, #tpu.memory_space<vmem_shared>>
          %dma_start3A_190 = arith.constant 80 : i32
          %dma_start3A_191 = arith.constant 0 : i32
          %dma_start3A_192 = tpu.memref_slice %arg9[%dma_start3A_190, %dma_start3A_191] : memref<200x160xbf16, #tpu.memory_space<vmem>> -> memref<80x160xbf16, #tpu.memory_space<vmem>>
          %dma_start3A_193 = arith.constant 0 : i32
          %dma_start3A_194 = tpu.memref_slice %arg12[%add3A_184, %dma_start3A_193] : memref<10240x160xbf16, #tpu.memory_space<vmem_shared>> -> memref<80x160xbf16, #tpu.memory_space<vmem_shared>>
          tpu.enqueue_dma source(%dma_start3A_194 : memref<80x160xbf16, #tpu.memory_space<vmem_shared>>) target(%dma_start3A_192 : memref<80x160xbf16, #tpu.memory_space<vmem>>) target_semaphore(%arg13 : memref<!tpu.dma_semaphore, #tpu.memory_space<semaphore_mem>>)
          %dma_start3A_195 = arith.constant 80 : i32
          %dma_start3A_196 = arith.constant 0 : i32
          %dma_start3A_197 = tpu.memref_slice %arg10[%dma_start3A_195, %dma_start3A_196] : memref<200x160xbf16, #tpu.memory_space<vmem>> -> memref<80x160xbf16, #tpu.memory_space<vmem>>
          %dma_start3A_198 = arith.constant 0 : i32
          %dma_start3A_199 = tpu.memref_slice %arg4[%add3A_184, %dma_start3A_198] : memref<10000x160xbf16, #tpu.memory_space<hbm>> -> memref<80x160xbf16, #tpu.memory_space<hbm>>
          %dma_start3A_200 = arith.constant 80 : i32
          %dma_start3A_201 = arith.constant 0 : i32
          %dma_start3A_202 = tpu.memref_slice %arg10[%dma_start3A_200, %dma_start3A_201] : memref<200x160xbf16, #tpu.memory_space<vmem>> -> memref<80x160xbf16, #tpu.memory_space<vmem>>
          %dma_start3A_203 = arith.constant 0 : i32
          %dma_start3A_204 = tpu.memref_slice %arg4[%add3A_184, %dma_start3A_203] : memref<10000x160xbf16, #tpu.memory_space<hbm>> -> memref<80x160xbf16, #tpu.memory_space<hbm>>
          tpu.enqueue_dma source(%dma_start3A_204 : memref<80x160xbf16, #tpu.memory_space<hbm>>) target(%dma_start3A_202 : memref<80x160xbf16, #tpu.memory_space<vmem>>) target_semaphore(%arg14 : memref<!tpu.dma_semaphore, #tpu.memory_space<semaphore_mem>>)
        } else {
        }
      }
      %scan3A_90 = arith.constant 4 : i32
      %mul3A_91 = arith.constant 640 : i32
      %mul3A_92 = arith.muli %arg1, %mul3A_91 : i32
      "tpu.region"() ({
        %run_scoped3A = tpu.sem_alloc : memref<!tpu.dma_semaphore, #tpu.memory_space<semaphore_mem>>
        %dma_start3A_93 = arith.constant 0 : i32
        %dma_start3A_94 = tpu.memref_slice %arg6[%arg0, %mul3A_92, %dma_start3A_93] : memref<2x10240x32xbf16, #tpu.memory_space<hbm>> -> memref<1x640x32xbf16, #tpu.memory_space<hbm>>
        %dma_start3A_95 = tpu.memref_squeeze %dma_start3A_94 : memref<1x640x32xbf16, #tpu.memory_space<hbm>> -> memref<640x32xbf16, #tpu.memory_space<hbm>>
        %dma_start3A_96 = arith.constant 0 : i32
        %dma_start3A_97 = tpu.memref_slice %arg6[%arg0, %mul3A_92, %dma_start3A_96] : memref<2x10240x32xbf16, #tpu.memory_space<hbm>> -> memref<1x640x32xbf16, #tpu.memory_space<hbm>>
        %dma_start3A_98 = tpu.memref_squeeze %dma_start3A_97 : memref<1x640x32xbf16, #tpu.memory_space<hbm>> -> memref<640x32xbf16, #tpu.memory_space<hbm>>
        tpu.enqueue_dma source(%arg11 : memref<640x32xbf16, #tpu.memory_space<vmem>>) target(%dma_start3A_98 : memref<640x32xbf16, #tpu.memory_space<hbm>>) target_semaphore(%run_scoped3A : memref<!tpu.dma_semaphore, #tpu.memory_space<semaphore_mem>>)
        %dma_wait3A_99 = arith.constant 0 : i32
        %dma_wait3A_100 = tpu.memref_slice %arg6[%arg0, %mul3A_92, %dma_wait3A_99] : memref<2x10240x32xbf16, #tpu.memory_space<hbm>> -> memref<1x640x32xbf16, #tpu.memory_space<hbm>>
        %dma_wait3A_101 = tpu.memref_squeeze %dma_wait3A_100 : memref<1x640x32xbf16, #tpu.memory_space<hbm>> -> memref<640x32xbf16, #tpu.memory_space<hbm>>
        %dma_wait3A_102 = arith.constant 0 : i32
        %dma_wait3A_103 = tpu.memref_slice %arg6[%arg0, %mul3A_92, %dma_wait3A_102] : memref<2x10240x32xbf16, #tpu.memory_space<hbm>> -> memref<1x640x32xbf16, #tpu.memory_space<hbm>>
        %dma_wait3A_104 = tpu.memref_squeeze %dma_wait3A_103 : memref<1x640x32xbf16, #tpu.memory_space<hbm>> -> memref<640x32xbf16, #tpu.memory_space<hbm>>
        tpu.wait_dma2 semaphore(%run_scoped3A : memref<!tpu.dma_semaphore, #tpu.memory_space<semaphore_mem>>) src(%arg11 : memref<640x32xbf16, #tpu.memory_space<vmem>>) dst(%dma_wait3A_104 : memref<640x32xbf16, #tpu.memory_space<hbm>>)
        tpu.yield
      }) : () -> ()
    } else {
    }
    %eq3A = arith.constant 15 : i32
    %eq3A_33 = arith.cmpi eq, %arg1, %eq3A : i32
    %convert_element_type3A_34 = arith.extui %eq3A_33 : i1 to i32
    %cond3A_35 = arith.constant 0 : i32
    %cond3A_36 = arith.cmpi ne, %convert_element_type3A_34, %cond3A_35 : i32
    scf.if %cond3A_36 {
      %mul3A_37 = arith.constant 640 : i32
      %mul3A_38 = arith.muli %arg1, %mul3A_37 : i32
      %add3A_39 = arith.constant 0 : i32
      %add3A_40 = arith.addi %mul3A_38, %add3A_39 : i32
      %dma_start3A_41 = arith.constant 0 : i32
      %dma_start3A_42 = arith.constant 0 : i32
      %dma_start3A_43 = tpu.memref_slice %arg9[%dma_start3A_41, %dma_start3A_42] : memref<200x160xbf16, #tpu.memory_space<vmem>> -> memref<80x160xbf16, #tpu.memory_space<vmem>>
      %dma_start3A_44 = arith.constant 0 : i32
      %dma_start3A_45 = tpu.memref_slice %arg12[%add3A_40, %dma_start3A_44] : memref<10240x160xbf16, #tpu.memory_space<vmem_shared>> -> memref<80x160xbf16, #tpu.memory_space<vmem_shared>>
      %dma_start3A_46 = arith.constant 0 : i32
      %dma_start3A_47 = arith.constant 0 : i32
      %dma_start3A_48 = tpu.memref_slice %arg9[%dma_start3A_46, %dma_start3A_47] : memref<200x160xbf16, #tpu.memory_space<vmem>> -> memref<80x160xbf16, #tpu.memory_space<vmem>>
      %dma_start3A_49 = arith.constant 0 : i32
      %dma_start3A_50 = tpu.memref_slice %arg12[%add3A_40, %dma_start3A_49] : memref<10240x160xbf16, #tpu.memory_space<vmem_shared>> -> memref<80x160xbf16, #tpu.memory_space<vmem_shared>>
      tpu.enqueue_dma source(%dma_start3A_50 : memref<80x160xbf16, #tpu.memory_space<vmem_shared>>) target(%dma_start3A_48 : memref<80x160xbf16, #tpu.memory_space<vmem>>) target_semaphore(%arg13 : memref<!tpu.dma_semaphore, #tpu.memory_space<semaphore_mem>>)
      %dma_start3A_51 = arith.constant 0 : i32
      %dma_start3A_52 = arith.constant 0 : i32
      %dma_start3A_53 = tpu.memref_slice %arg10[%dma_start3A_51, %dma_start3A_52] : memref<200x160xbf16, #tpu.memory_space<vmem>> -> memref<80x160xbf16, #tpu.memory_space<vmem>>
      %dma_start3A_54 = arith.constant 0 : i32
      %dma_start3A_55 = tpu.memref_slice %arg4[%add3A_40, %dma_start3A_54] : memref<10000x160xbf16, #tpu.memory_space<hbm>> -> memref<80x160xbf16, #tpu.memory_space<hbm>>
      %dma_start3A_56 = arith.constant 0 : i32
      %dma_start3A_57 = arith.constant 0 : i32
      %dma_start3A_58 = tpu.memref_slice %arg10[%dma_start3A_56, %dma_start3A_57] : memref<200x160xbf16, #tpu.memory_space<vmem>> -> memref<80x160xbf16, #tpu.memory_space<vmem>>
      %dma_start3A_59 = arith.constant 0 : i32
      %dma_start3A_60 = tpu.memref_slice %arg4[%add3A_40, %dma_start3A_59] : memref<10000x160xbf16, #tpu.memory_space<hbm>> -> memref<80x160xbf16, #tpu.memory_space<hbm>>
      tpu.enqueue_dma source(%dma_start3A_60 : memref<80x160xbf16, #tpu.memory_space<hbm>>) target(%dma_start3A_58 : memref<80x160xbf16, #tpu.memory_space<vmem>>) target_semaphore(%arg14 : memref<!tpu.dma_semaphore, #tpu.memory_space<semaphore_mem>>)
      %mul3A_61 = arith.constant 640 : i32
      %mul3A_62 = arith.muli %arg1, %mul3A_61 : i32
      %add3A_63 = arith.constant 0 : i32
      %add3A_64 = arith.addi %mul3A_62, %add3A_63 : i32
      %dma_wait3A_65 = arith.constant 0 : i32
      %dma_wait3A_66 = arith.constant 0 : i32
      %dma_wait3A_67 = tpu.memref_slice %arg9[%dma_wait3A_65, %dma_wait3A_66] : memref<200x160xbf16, #tpu.memory_space<vmem>> -> memref<80x160xbf16, #tpu.memory_space<vmem>>
      %dma_wait3A_68 = arith.constant 0 : i32
      %dma_wait3A_69 = tpu.memref_slice %arg12[%add3A_64, %dma_wait3A_68] : memref<10240x160xbf16, #tpu.memory_space<vmem_shared>> -> memref<80x160xbf16, #tpu.memory_space<vmem_shared>>
      %dma_wait3A_70 = arith.constant 0 : i32
      %dma_wait3A_71 = arith.constant 0 : i32
      %dma_wait3A_72 = tpu.memref_slice %arg9[%dma_wait3A_70, %dma_wait3A_71] : memref<200x160xbf16, #tpu.memory_space<vmem>> -> memref<80x160xbf16, #tpu.memory_space<vmem>>
      %dma_wait3A_73 = arith.constant 0 : i32
      %dma_wait3A_74 = tpu.memref_slice %arg12[%add3A_64, %dma_wait3A_73] : memref<10240x160xbf16, #tpu.memory_space<vmem_shared>> -> memref<80x160xbf16, #tpu.memory_space<vmem_shared>>
      tpu.wait_dma2 semaphore(%arg13 : memref<!tpu.dma_semaphore, #tpu.memory_space<semaphore_mem>>) src(%dma_wait3A_74 : memref<80x160xbf16, #tpu.memory_space<vmem_shared>>) dst(%dma_wait3A_72 : memref<80x160xbf16, #tpu.memory_space<vmem>>)
      %dma_wait3A_75 = arith.constant 0 : i32
      %dma_wait3A_76 = arith.constant 0 : i32
      %dma_wait3A_77 = tpu.memref_slice %arg10[%dma_wait3A_75, %dma_wait3A_76] : memref<200x160xbf16, #tpu.memory_space<vmem>> -> memref<80x160xbf16, #tpu.memory_space<vmem>>
      %dma_wait3A_78 = arith.constant 0 : i32
      %dma_wait3A_79 = tpu.memref_slice %arg4[%add3A_64, %dma_wait3A_78] : memref<10000x160xbf16, #tpu.memory_space<hbm>> -> memref<80x160xbf16, #tpu.memory_space<hbm>>
      %dma_wait3A_80 = arith.constant 0 : i32
      %dma_wait3A_81 = arith.constant 0 : i32
      %dma_wait3A_82 = tpu.memref_slice %arg10[%dma_wait3A_80, %dma_wait3A_81] : memref<200x160xbf16, #tpu.memory_space<vmem>> -> memref<80x160xbf16, #tpu.memory_space<vmem>>
      %dma_wait3A_83 = arith.constant 0 : i32
      %dma_wait3A_84 = tpu.memref_slice %arg4[%add3A_64, %dma_wait3A_83] : memref<10000x160xbf16, #tpu.memory_space<hbm>> -> memref<80x160xbf16, #tpu.memory_space<hbm>>
      tpu.wait_dma2 semaphore(%arg14 : memref<!tpu.dma_semaphore, #tpu.memory_space<semaphore_mem>>) src(%dma_wait3A_84 : memref<80x160xbf16, #tpu.memory_space<hbm>>) dst(%dma_wait3A_82 : memref<80x160xbf16, #tpu.memory_space<vmem>>)
      %mul3A_85 = arith.constant 640 : i32
      %mul3A_86 = arith.muli %arg1, %mul3A_85 : i32
      %add3A_87 = arith.constant 80 : i32
      %add3A_88 = arith.addi %mul3A_86, %add3A_87 : i32
      %dma_start3A_89 = arith.constant 80 : i32
      %dma_start3A_90 = arith.constant 0 : i32
      %dma_start3A_91 = tpu.memref_slice %arg9[%dma_start3A_89, %dma_start3A_90] : memref<200x160xbf16, #tpu.memory_space<vmem>> -> memref<80x160xbf16, #tpu.memory_space<vmem>>
      %dma_start3A_92 = arith.constant 0 : i32
      %dma_start3A_93 = tpu.memref_slice %arg12[%add3A_88, %dma_start3A_92] : memref<10240x160xbf16, #tpu.memory_space<vmem_shared>> -> memref<80x160xbf16, #tpu.memory_space<vmem_shared>>
      %dma_start3A_94 = arith.constant 80 : i32
      %dma_start3A_95 = arith.constant 0 : i32
      %dma_start3A_96 = tpu.memref_slice %arg9[%dma_start3A_94, %dma_start3A_95] : memref<200x160xbf16, #tpu.memory_space<vmem>> -> memref<80x160xbf16, #tpu.memory_space<vmem>>
      %dma_start3A_97 = arith.constant 0 : i32
      %dma_start3A_98 = tpu.memref_slice %arg12[%add3A_88, %dma_start3A_97] : memref<10240x160xbf16, #tpu.memory_space<vmem_shared>> -> memref<80x160xbf16, #tpu.memory_space<vmem_shared>>
      tpu.enqueue_dma source(%dma_start3A_98 : memref<80x160xbf16, #tpu.memory_space<vmem_shared>>) target(%dma_start3A_96 : memref<80x160xbf16, #tpu.memory_space<vmem>>) target_semaphore(%arg13 : memref<!tpu.dma_semaphore, #tpu.memory_space<semaphore_mem>>)
      %dma_start3A_99 = arith.constant 80 : i32
      %dma_start3A_100 = arith.constant 0 : i32
      %dma_start3A_101 = tpu.memref_slice %arg10[%dma_start3A_99, %dma_start3A_100] : memref<200x160xbf16, #tpu.memory_space<vmem>> -> memref<80x160xbf16, #tpu.memory_space<vmem>>
      %dma_start3A_102 = arith.constant 0 : i32
      %dma_start3A_103 = tpu.memref_slice %arg4[%add3A_88, %dma_start3A_102] : memref<10000x160xbf16, #tpu.memory_space<hbm>> -> memref<80x160xbf16, #tpu.memory_space<hbm>>
      %dma_start3A_104 = arith.constant 80 : i32
      %dma_start3A_105 = arith.constant 0 : i32
      %dma_start3A_106 = tpu.memref_slice %arg10[%dma_start3A_104, %dma_start3A_105] : memref<200x160xbf16, #tpu.memory_space<vmem>> -> memref<80x160xbf16, #tpu.memory_space<vmem>>
      %dma_start3A_107 = arith.constant 0 : i32
      %dma_start3A_108 = tpu.memref_slice %arg4[%add3A_88, %dma_start3A_107] : memref<10000x160xbf16, #tpu.memory_space<hbm>> -> memref<80x160xbf16, #tpu.memory_space<hbm>>
      tpu.enqueue_dma source(%dma_start3A_108 : memref<80x160xbf16, #tpu.memory_space<hbm>>) target(%dma_start3A_106 : memref<80x160xbf16, #tpu.memory_space<vmem>>) target_semaphore(%arg14 : memref<!tpu.dma_semaphore, #tpu.memory_space<semaphore_mem>>)
      %scan3A_109 = arith.constant 0 : i32
      %scan3A_110 = arith.constant 0 : i32
      %scan3A_111 = arith.constant 80 : i32
      %scan3A_112 = arith.addi %scan3A_110, %scan3A_111 : i32
      %scan3A_113 = arith.constant 1 : i32
      scf.for %scan3A_307 = %scan3A_110 to %scan3A_112 step %scan3A_113  : i32 {
        %broadcast_in_dim3A = arith.constant 0.000000e+00 : f32
        %broadcast_in_dim3A_308 = vector.broadcast %broadcast_in_dim3A : f32 to vector<16xf32>
        %add3A_309 = arith.constant 0 : i32
        %add3A_310 = arith.addi %add3A_309, %scan3A_307 : i32
        %get3A = arith.index_cast %add3A_310 : i32 to index
        %get3A_311 = arith.constant 0 : index
        %get3A_312 = tpu.vector_load %arg9[%get3A, %get3A_311] {strides = array<i32>} : memref<200x160xbf16, #tpu.memory_space<vmem>>, vector<32xbf16>,
        %add3A_313 = arith.constant 0 : i32
        %add3A_314 = arith.addi %add3A_313, %scan3A_307 : i32
        %get3A_315 = arith.index_cast %add3A_314 : i32 to index
        %get3A_316 = arith.constant 0 : index
        %get3A_317 = tpu.vector_load %arg10[%get3A_315, %get3A_316] {strides = array<i32>} : memref<200x160xbf16, #tpu.memory_space<vmem>>, vector<32xbf16>,
        %mul3A_318 = arith.mulf %get3A_312, %get3A_317 : vector<32xbf16>
        %unpack3A = tpu.unpack_subelements %mul3A_318, 0 {pack_format = #tpu.pack_format<interleaved>} : vector<32xbf16> -> vector<16xf32>
        %unpack3A_319 = tpu.unpack_subelements %mul3A_318, 1 {pack_format = #tpu.pack_format<interleaved>} : vector<32xbf16> -> vector<16xf32>
        %add3A_320 = arith.addf %broadcast_in_dim3A_308, %unpack3A : vector<16xf32>
        %add3A_321 = arith.addf %add3A_320, %unpack3A_319 : vector<16xf32>
        %add3A_322 = arith.constant 0 : i32
        %add3A_323 = arith.addi %add3A_322, %scan3A_307 : i32
        %get3A_324 = arith.index_cast %add3A_323 : i32 to index
        %get3A_325 = arith.constant 32 : index
        %get3A_326 = tpu.vector_load %arg9[%get3A_324, %get3A_325] {strides = array<i32>} : memref<200x160xbf16, #tpu.memory_space<vmem>>, vector<32xbf16>,
        %add3A_327 = arith.constant 0 : i32
        %add3A_328 = arith.addi %add3A_327, %scan3A_307 : i32
        %get3A_329 = arith.index_cast %add3A_328 : i32 to index
        %get3A_330 = arith.constant 32 : index
        %get3A_331 = tpu.vector_load %arg10[%get3A_329, %get3A_330] {strides = array<i32>} : memref<200x160xbf16, #tpu.memory_space<vmem>>, vector<32xbf16>,
        %mul3A_332 = arith.mulf %get3A_326, %get3A_331 : vector<32xbf16>
        %unpack3A_333 = tpu.unpack_subelements %mul3A_332, 0 {pack_format = #tpu.pack_format<interleaved>} : vector<32xbf16> -> vector<16xf32>
        %unpack3A_334 = tpu.unpack_subelements %mul3A_332, 1 {pack_format = #tpu.pack_format<interleaved>} : vector<32xbf16> -> vector<16xf32>
        %add3A_335 = arith.addf %add3A_321, %unpack3A_333 : vector<16xf32>
        %add3A_336 = arith.addf %add3A_335, %unpack3A_334 : vector<16xf32>
        %add3A_337 = arith.constant 0 : i32
        %add3A_338 = arith.addi %add3A_337, %scan3A_307 : i32
        %get3A_339 = arith.index_cast %add3A_338 : i32 to index
        %get3A_340 = arith.constant 64 : index
        %get3A_341 = tpu.vector_load %arg9[%get3A_339, %get3A_340] {strides = array<i32>} : memref<200x160xbf16, #tpu.memory_space<vmem>>, vector<32xbf16>,
        %add3A_342 = arith.constant 0 : i32
        %add3A_343 = arith.addi %add3A_342, %scan3A_307 : i32
        %get3A_344 = arith.index_cast %add3A_343 : i32 to index
        %get3A_345 = arith.constant 64 : index
        %get3A_346 = tpu.vector_load %arg10[%get3A_344, %get3A_345] {strides = array<i32>} : memref<200x160xbf16, #tpu.memory_space<vmem>>, vector<32xbf16>,
        %mul3A_347 = arith.mulf %get3A_341, %get3A_346 : vector<32xbf16>
        %unpack3A_348 = tpu.unpack_subelements %mul3A_347, 0 {pack_format = #tpu.pack_format<interleaved>} : vector<32xbf16> -> vector<16xf32>
        %unpack3A_349 = tpu.unpack_subelements %mul3A_347, 1 {pack_format = #tpu.pack_format<interleaved>} : vector<32xbf16> -> vector<16xf32>
        %add3A_350 = arith.addf %add3A_336, %unpack3A_348 : vector<16xf32>
        %add3A_351 = arith.addf %add3A_350, %unpack3A_349 : vector<16xf32>
        %add3A_352 = arith.constant 0 : i32
        %add3A_353 = arith.addi %add3A_352, %scan3A_307 : i32
        %get3A_354 = arith.index_cast %add3A_353 : i32 to index
        %get3A_355 = arith.constant 96 : index
        %get3A_356 = tpu.vector_load %arg9[%get3A_354, %get3A_355] {strides = array<i32>} : memref<200x160xbf16, #tpu.memory_space<vmem>>, vector<32xbf16>,
        %add3A_357 = arith.constant 0 : i32
        %add3A_358 = arith.addi %add3A_357, %scan3A_307 : i32
        %get3A_359 = arith.index_cast %add3A_358 : i32 to index
        %get3A_360 = arith.constant 96 : index
        %get3A_361 = tpu.vector_load %arg10[%get3A_359, %get3A_360] {strides = array<i32>} : memref<200x160xbf16, #tpu.memory_space<vmem>>, vector<32xbf16>,
        %mul3A_362 = arith.mulf %get3A_356, %get3A_361 : vector<32xbf16>
        %unpack3A_363 = tpu.unpack_subelements %mul3A_362, 0 {pack_format = #tpu.pack_format<interleaved>} : vector<32xbf16> -> vector<16xf32>
        %unpack3A_364 = tpu.unpack_subelements %mul3A_362, 1 {pack_format = #tpu.pack_format<interleaved>} : vector<32xbf16> -> vector<16xf32>
        %add3A_365 = arith.addf %add3A_351, %unpack3A_363 : vector<16xf32>
        %add3A_366 = arith.addf %add3A_365, %unpack3A_364 : vector<16xf32>
        %add3A_367 = arith.constant 0 : i32
        %add3A_368 = arith.addi %add3A_367, %scan3A_307 : i32
        %get3A_369 = arith.index_cast %add3A_368 : i32 to index
        %get3A_370 = arith.constant 128 : index
        %get3A_371 = tpu.vector_load %arg9[%get3A_369, %get3A_370] {strides = array<i32>} : memref<200x160xbf16, #tpu.memory_space<vmem>>, vector<32xbf16>,
        %unpack3A_372 = tpu.unpack_subelements %get3A_371, 0 {pack_format = #tpu.pack_format<interleaved>} : vector<32xbf16> -> vector<16xf32>
        %unpack3A_373 = tpu.unpack_subelements %get3A_371, 1 {pack_format = #tpu.pack_format<interleaved>} : vector<32xbf16> -> vector<16xf32>
        %pack3A = tpu.pack_subelements %add3A_366, %unpack3A_372 {pack_format = #tpu.pack_format<interleaved>, positions = array<i32: 0, 1>} : vector<16xf32>, vector<16xf32> -> vector<32xbf16>
        %add3A_374 = arith.constant 0 : i32
        %add3A_375 = arith.addi %add3A_374, %scan3A_307 : i32
        %swap3A = arith.index_cast %add3A_375 : i32 to index
        %swap3A_376 = arith.constant 0 : index
        %swap3A_377 = tpu.vector_load %arg11[%swap3A, %swap3A_376] {strides = array<i32>} : memref<640x32xbf16, #tpu.memory_space<vmem>>, vector<32xbf16>,
        tpu.vector_store %arg11[%swap3A, %swap3A_376], %pack3A {strides = array<i32>} : memref<640x32xbf16, #tpu.memory_space<vmem>>, vector<32xbf16>,
      }
      %scan3A_114 = arith.constant 80 : i32
      %mul3A_115 = arith.constant 640 : i32
      %mul3A_116 = arith.muli %arg1, %mul3A_115 : i32
      %add3A_117 = arith.constant 80 : i32
      %add3A_118 = arith.addi %mul3A_116, %add3A_117 : i32
      %dma_wait3A_119 = arith.constant 80 : i32
      %dma_wait3A_120 = arith.constant 0 : i32
      %dma_wait3A_121 = tpu.memref_slice %arg9[%dma_wait3A_119, %dma_wait3A_120] : memref<200x160xbf16, #tpu.memory_space<vmem>> -> memref<80x160xbf16, #tpu.memory_space<vmem>>
      %dma_wait3A_122 = arith.constant 0 : i32
      %dma_wait3A_123 = tpu.memref_slice %arg12[%add3A_118, %dma_wait3A_122] : memref<10240x160xbf16, #tpu.memory_space<vmem_shared>> -> memref<80x160xbf16, #tpu.memory_space<vmem_shared>>
      %dma_wait3A_124 = arith.constant 80 : i32
      %dma_wait3A_125 = arith.constant 0 : i32
      %dma_wait3A_126 = tpu.memref_slice %arg9[%dma_wait3A_124, %dma_wait3A_125] : memref<200x160xbf16, #tpu.memory_space<vmem>> -> memref<80x160xbf16, #tpu.memory_space<vmem>>
      %dma_wait3A_127 = arith.constant 0 : i32
      %dma_wait3A_128 = tpu.memref_slice %arg12[%add3A_118, %dma_wait3A_127] : memref<10240x160xbf16, #tpu.memory_space<vmem_shared>> -> memref<80x160xbf16, #tpu.memory_space<vmem_shared>>
      tpu.wait_dma2 semaphore(%arg13 : memref<!tpu.dma_semaphore, #tpu.memory_space<semaphore_mem>>) src(%dma_wait3A_128 : memref<80x160xbf16, #tpu.memory_space<vmem_shared>>) dst(%dma_wait3A_126 : memref<80x160xbf16, #tpu.memory_space<vmem>>)
      %dma_wait3A_129 = arith.constant 80 : i32
      %dma_wait3A_130 = arith.constant 0 : i32
      %dma_wait3A_131 = tpu.memref_slice %arg10[%dma_wait3A_129, %dma_wait3A_130] : memref<200x160xbf16, #tpu.memory_space<vmem>> -> memref<80x160xbf16, #tpu.memory_space<vmem>>
      %dma_wait3A_132 = arith.constant 0 : i32
      %dma_wait3A_133 = tpu.memref_slice %arg4[%add3A_118, %dma_wait3A_132] : memref<10000x160xbf16, #tpu.memory_space<hbm>> -> memref<80x160xbf16, #tpu.memory_space<hbm>>
      %dma_wait3A_134 = arith.constant 80 : i32
      %dma_wait3A_135 = arith.constant 0 : i32
      %dma_wait3A_136 = tpu.memref_slice %arg10[%dma_wait3A_134, %dma_wait3A_135] : memref<200x160xbf16, #tpu.memory_space<vmem>> -> memref<80x160xbf16, #tpu.memory_space<vmem>>
      %dma_wait3A_137 = arith.constant 0 : i32
      %dma_wait3A_138 = tpu.memref_slice %arg4[%add3A_118, %dma_wait3A_137] : memref<10000x160xbf16, #tpu.memory_space<hbm>> -> memref<80x160xbf16, #tpu.memory_space<hbm>>
      tpu.wait_dma2 semaphore(%arg14 : memref<!tpu.dma_semaphore, #tpu.memory_space<semaphore_mem>>) src(%dma_wait3A_138 : memref<80x160xbf16, #tpu.memory_space<hbm>>) dst(%dma_wait3A_136 : memref<80x160xbf16, #tpu.memory_space<vmem>>)
      %mul3A_139 = arith.constant 640 : i32
      %mul3A_140 = arith.muli %arg1, %mul3A_139 : i32
      %add3A_141 = arith.constant 160 : i32
      %add3A_142 = arith.addi %mul3A_140, %add3A_141 : i32
      %dma_start3A_143 = arith.constant 0 : i32
      %dma_start3A_144 = arith.constant 0 : i32
      %dma_start3A_145 = tpu.memref_slice %arg9[%dma_start3A_143, %dma_start3A_144] : memref<200x160xbf16, #tpu.memory_space<vmem>> -> memref<80x160xbf16, #tpu.memory_space<vmem>>
      %dma_start3A_146 = arith.constant 0 : i32
      %dma_start3A_147 = tpu.memref_slice %arg12[%add3A_142, %dma_start3A_146] : memref<10240x160xbf16, #tpu.memory_space<vmem_shared>> -> memref<80x160xbf16, #tpu.memory_space<vmem_shared>>
      %dma_start3A_148 = arith.constant 0 : i32
      %dma_start3A_149 = arith.constant 0 : i32
      %dma_start3A_150 = tpu.memref_slice %arg9[%dma_start3A_148, %dma_start3A_149] : memref<200x160xbf16, #tpu.memory_space<vmem>> -> memref<80x160xbf16, #tpu.memory_space<vmem>>
      %dma_start3A_151 = arith.constant 0 : i32
      %dma_start3A_152 = tpu.memref_slice %arg12[%add3A_142, %dma_start3A_151] : memref<10240x160xbf16, #tpu.memory_space<vmem_shared>> -> memref<80x160xbf16, #tpu.memory_space<vmem_shared>>
      tpu.enqueue_dma source(%dma_start3A_152 : memref<80x160xbf16, #tpu.memory_space<vmem_shared>>) target(%dma_start3A_150 : memref<80x160xbf16, #tpu.memory_space<vmem>>) target_semaphore(%arg13 : memref<!tpu.dma_semaphore, #tpu.memory_space<semaphore_mem>>)
      %dma_start3A_153 = arith.constant 0 : i32
      %dma_start3A_154 = arith.constant 0 : i32
      %dma_start3A_155 = tpu.memref_slice %arg10[%dma_start3A_153, %dma_start3A_154] : memref<200x160xbf16, #tpu.memory_space<vmem>> -> memref<80x160xbf16, #tpu.memory_space<vmem>>
      %dma_start3A_156 = arith.constant 0 : i32
      %dma_start3A_157 = tpu.memref_slice %arg4[%add3A_142, %dma_start3A_156] : memref<10000x160xbf16, #tpu.memory_space<hbm>> -> memref<80x160xbf16, #tpu.memory_space<hbm>>
      %dma_start3A_158 = arith.constant 0 : i32
      %dma_start3A_159 = arith.constant 0 : i32
      %dma_start3A_160 = tpu.memref_slice %arg10[%dma_start3A_158, %dma_start3A_159] : memref<200x160xbf16, #tpu.memory_space<vmem>> -> memref<80x160xbf16, #tpu.memory_space<vmem>>
      %dma_start3A_161 = arith.constant 0 : i32
      %dma_start3A_162 = tpu.memref_slice %arg4[%add3A_142, %dma_start3A_161] : memref<10000x160xbf16, #tpu.memory_space<hbm>> -> memref<80x160xbf16, #tpu.memory_space<hbm>>
      tpu.enqueue_dma source(%dma_start3A_162 : memref<80x160xbf16, #tpu.memory_space<hbm>>) target(%dma_start3A_160 : memref<80x160xbf16, #tpu.memory_space<vmem>>) target_semaphore(%arg14 : memref<!tpu.dma_semaphore, #tpu.memory_space<semaphore_mem>>)
      %scan3A_163 = arith.constant 0 : i32
      %scan3A_164 = arith.constant 0 : i32
      %scan3A_165 = arith.constant 80 : i32
      %scan3A_166 = arith.addi %scan3A_164, %scan3A_165 : i32
      %scan3A_167 = arith.constant 1 : i32
      scf.for %scan3A_307 = %scan3A_164 to %scan3A_166 step %scan3A_167  : i32 {
        %broadcast_in_dim3A = arith.constant 0.000000e+00 : f32
        %broadcast_in_dim3A_308 = vector.broadcast %broadcast_in_dim3A : f32 to vector<16xf32>
        %add3A_309 = arith.constant 80 : i32
        %add3A_310 = arith.addi %add3A_309, %scan3A_307 : i32
        %get3A = arith.index_cast %add3A_310 : i32 to index
        %get3A_311 = arith.constant 0 : index
        %get3A_312 = tpu.vector_load %arg9[%get3A, %get3A_311] {strides = array<i32>} : memref<200x160xbf16, #tpu.memory_space<vmem>>, vector<32xbf16>,
        %add3A_313 = arith.constant 80 : i32
        %add3A_314 = arith.addi %add3A_313, %scan3A_307 : i32
        %get3A_315 = arith.index_cast %add3A_314 : i32 to index
        %get3A_316 = arith.constant 0 : index
        %get3A_317 = tpu.vector_load %arg10[%get3A_315, %get3A_316] {strides = array<i32>} : memref<200x160xbf16, #tpu.memory_space<vmem>>, vector<32xbf16>,
        %mul3A_318 = arith.mulf %get3A_312, %get3A_317 : vector<32xbf16>
        %unpack3A = tpu.unpack_subelements %mul3A_318, 0 {pack_format = #tpu.pack_format<interleaved>} : vector<32xbf16> -> vector<16xf32>
        %unpack3A_319 = tpu.unpack_subelements %mul3A_318, 1 {pack_format = #tpu.pack_format<interleaved>} : vector<32xbf16> -> vector<16xf32>
        %add3A_320 = arith.addf %broadcast_in_dim3A_308, %unpack3A : vector<16xf32>
        %add3A_321 = arith.addf %add3A_320, %unpack3A_319 : vector<16xf32>
        %add3A_322 = arith.constant 80 : i32
        %add3A_323 = arith.addi %add3A_322, %scan3A_307 : i32
        %get3A_324 = arith.index_cast %add3A_323 : i32 to index
        %get3A_325 = arith.constant 32 : index
        %get3A_326 = tpu.vector_load %arg9[%get3A_324, %get3A_325] {strides = array<i32>} : memref<200x160xbf16, #tpu.memory_space<vmem>>, vector<32xbf16>,
        %add3A_327 = arith.constant 80 : i32
        %add3A_328 = arith.addi %add3A_327, %scan3A_307 : i32
        %get3A_329 = arith.index_cast %add3A_328 : i32 to index
        %get3A_330 = arith.constant 32 : index
        %get3A_331 = tpu.vector_load %arg10[%get3A_329, %get3A_330] {strides = array<i32>} : memref<200x160xbf16, #tpu.memory_space<vmem>>, vector<32xbf16>,
        %mul3A_332 = arith.mulf %get3A_326, %get3A_331 : vector<32xbf16>
        %unpack3A_333 = tpu.unpack_subelements %mul3A_332, 0 {pack_format = #tpu.pack_format<interleaved>} : vector<32xbf16> -> vector<16xf32>
        %unpack3A_334 = tpu.unpack_subelements %mul3A_332, 1 {pack_format = #tpu.pack_format<interleaved>} : vector<32xbf16> -> vector<16xf32>
        %add3A_335 = arith.addf %add3A_321, %unpack3A_333 : vector<16xf32>
        %add3A_336 = arith.addf %add3A_335, %unpack3A_334 : vector<16xf32>
        %add3A_337 = arith.constant 80 : i32
        %add3A_338 = arith.addi %add3A_337, %scan3A_307 : i32
        %get3A_339 = arith.index_cast %add3A_338 : i32 to index
        %get3A_340 = arith.constant 64 : index
        %get3A_341 = tpu.vector_load %arg9[%get3A_339, %get3A_340] {strides = array<i32>} : memref<200x160xbf16, #tpu.memory_space<vmem>>, vector<32xbf16>,
        %add3A_342 = arith.constant 80 : i32
        %add3A_343 = arith.addi %add3A_342, %scan3A_307 : i32
        %get3A_344 = arith.index_cast %add3A_343 : i32 to index
        %get3A_345 = arith.constant 64 : index
        %get3A_346 = tpu.vector_load %arg10[%get3A_344, %get3A_345] {strides = array<i32>} : memref<200x160xbf16, #tpu.memory_space<vmem>>, vector<32xbf16>,
        %mul3A_347 = arith.mulf %get3A_341, %get3A_346 : vector<32xbf16>
        %unpack3A_348 = tpu.unpack_subelements %mul3A_347, 0 {pack_format = #tpu.pack_format<interleaved>} : vector<32xbf16> -> vector<16xf32>
        %unpack3A_349 = tpu.unpack_subelements %mul3A_347, 1 {pack_format = #tpu.pack_format<interleaved>} : vector<32xbf16> -> vector<16xf32>
        %add3A_350 = arith.addf %add3A_336, %unpack3A_348 : vector<16xf32>
        %add3A_351 = arith.addf %add3A_350, %unpack3A_349 : vector<16xf32>
        %add3A_352 = arith.constant 80 : i32
        %add3A_353 = arith.addi %add3A_352, %scan3A_307 : i32
        %get3A_354 = arith.index_cast %add3A_353 : i32 to index
        %get3A_355 = arith.constant 96 : index
        %get3A_356 = tpu.vector_load %arg9[%get3A_354, %get3A_355] {strides = array<i32>} : memref<200x160xbf16, #tpu.memory_space<vmem>>, vector<32xbf16>,
        %add3A_357 = arith.constant 80 : i32
        %add3A_358 = arith.addi %add3A_357, %scan3A_307 : i32
        %get3A_359 = arith.index_cast %add3A_358 : i32 to index
        %get3A_360 = arith.constant 96 : index
        %get3A_361 = tpu.vector_load %arg10[%get3A_359, %get3A_360] {strides = array<i32>} : memref<200x160xbf16, #tpu.memory_space<vmem>>, vector<32xbf16>,
        %mul3A_362 = arith.mulf %get3A_356, %get3A_361 : vector<32xbf16>
        %unpack3A_363 = tpu.unpack_subelements %mul3A_362, 0 {pack_format = #tpu.pack_format<interleaved>} : vector<32xbf16> -> vector<16xf32>
        %unpack3A_364 = tpu.unpack_subelements %mul3A_362, 1 {pack_format = #tpu.pack_format<interleaved>} : vector<32xbf16> -> vector<16xf32>
        %add3A_365 = arith.addf %add3A_351, %unpack3A_363 : vector<16xf32>
        %add3A_366 = arith.addf %add3A_365, %unpack3A_364 : vector<16xf32>
        %add3A_367 = arith.constant 80 : i32
        %add3A_368 = arith.addi %add3A_367, %scan3A_307 : i32
        %get3A_369 = arith.index_cast %add3A_368 : i32 to index
        %get3A_370 = arith.constant 128 : index
        %get3A_371 = tpu.vector_load %arg9[%get3A_369, %get3A_370] {strides = array<i32>} : memref<200x160xbf16, #tpu.memory_space<vmem>>, vector<32xbf16>,
        %unpack3A_372 = tpu.unpack_subelements %get3A_371, 0 {pack_format = #tpu.pack_format<interleaved>} : vector<32xbf16> -> vector<16xf32>
        %unpack3A_373 = tpu.unpack_subelements %get3A_371, 1 {pack_format = #tpu.pack_format<interleaved>} : vector<32xbf16> -> vector<16xf32>
        %pack3A = tpu.pack_subelements %add3A_366, %unpack3A_372 {pack_format = #tpu.pack_format<interleaved>, positions = array<i32: 0, 1>} : vector<16xf32>, vector<16xf32> -> vector<32xbf16>
        %add3A_374 = arith.constant 80 : i32
        %add3A_375 = arith.addi %add3A_374, %scan3A_307 : i32
        %swap3A = arith.index_cast %add3A_375 : i32 to index
        %swap3A_376 = arith.constant 0 : index
        %swap3A_377 = tpu.vector_load %arg11[%swap3A, %swap3A_376] {strides = array<i32>} : memref<640x32xbf16, #tpu.memory_space<vmem>>, vector<32xbf16>,
        tpu.vector_store %arg11[%swap3A, %swap3A_376], %pack3A {strides = array<i32>} : memref<640x32xbf16, #tpu.memory_space<vmem>>, vector<32xbf16>,
      }
      %scan3A_168 = arith.constant 80 : i32
      %mul3A_169 = arith.constant 640 : i32
      %mul3A_170 = arith.muli %arg1, %mul3A_169 : i32
      %add3A_171 = arith.constant 160 : i32
      %add3A_172 = arith.addi %mul3A_170, %add3A_171 : i32
      %dma_wait3A_173 = arith.constant 0 : i32
      %dma_wait3A_174 = arith.constant 0 : i32
      %dma_wait3A_175 = tpu.memref_slice %arg9[%dma_wait3A_173, %dma_wait3A_174] : memref<200x160xbf16, #tpu.memory_space<vmem>> -> memref<80x160xbf16, #tpu.memory_space<vmem>>
      %dma_wait3A_176 = arith.constant 0 : i32
      %dma_wait3A_177 = tpu.memref_slice %arg12[%add3A_172, %dma_wait3A_176] : memref<10240x160xbf16, #tpu.memory_space<vmem_shared>> -> memref<80x160xbf16, #tpu.memory_space<vmem_shared>>
      %dma_wait3A_178 = arith.constant 0 : i32
      %dma_wait3A_179 = arith.constant 0 : i32
      %dma_wait3A_180 = tpu.memref_slice %arg9[%dma_wait3A_178, %dma_wait3A_179] : memref<200x160xbf16, #tpu.memory_space<vmem>> -> memref<80x160xbf16, #tpu.memory_space<vmem>>
      %dma_wait3A_181 = arith.constant 0 : i32
      %dma_wait3A_182 = tpu.memref_slice %arg12[%add3A_172, %dma_wait3A_181] : memref<10240x160xbf16, #tpu.memory_space<vmem_shared>> -> memref<80x160xbf16, #tpu.memory_space<vmem_shared>>
      tpu.wait_dma2 semaphore(%arg13 : memref<!tpu.dma_semaphore, #tpu.memory_space<semaphore_mem>>) src(%dma_wait3A_182 : memref<80x160xbf16, #tpu.memory_space<vmem_shared>>) dst(%dma_wait3A_180 : memref<80x160xbf16, #tpu.memory_space<vmem>>)
      %dma_wait3A_183 = arith.constant 0 : i32
      %dma_wait3A_184 = arith.constant 0 : i32
      %dma_wait3A_185 = tpu.memref_slice %arg10[%dma_wait3A_183, %dma_wait3A_184] : memref<200x160xbf16, #tpu.memory_space<vmem>> -> memref<80x160xbf16, #tpu.memory_space<vmem>>
      %dma_wait3A_186 = arith.constant 0 : i32
      %dma_wait3A_187 = tpu.memref_slice %arg4[%add3A_172, %dma_wait3A_186] : memref<10000x160xbf16, #tpu.memory_space<hbm>> -> memref<80x160xbf16, #tpu.memory_space<hbm>>
      %dma_wait3A_188 = arith.constant 0 : i32
      %dma_wait3A_189 = arith.constant 0 : i32
      %dma_wait3A_190 = tpu.memref_slice %arg10[%dma_wait3A_188, %dma_wait3A_189] : memref<200x160xbf16, #tpu.memory_space<vmem>> -> memref<80x160xbf16, #tpu.memory_space<vmem>>
      %dma_wait3A_191 = arith.constant 0 : i32
      %dma_wait3A_192 = tpu.memref_slice %arg4[%add3A_172, %dma_wait3A_191] : memref<10000x160xbf16, #tpu.memory_space<hbm>> -> memref<80x160xbf16, #tpu.memory_space<hbm>>
      tpu.wait_dma2 semaphore(%arg14 : memref<!tpu.dma_semaphore, #tpu.memory_space<semaphore_mem>>) src(%dma_wait3A_192 : memref<80x160xbf16, #tpu.memory_space<hbm>>) dst(%dma_wait3A_190 : memref<80x160xbf16, #tpu.memory_space<vmem>>)
      %mul3A_193 = arith.constant 640 : i32
      %mul3A_194 = arith.muli %arg1, %mul3A_193 : i32
      %add3A_195 = arith.constant 240 : i32
      %add3A_196 = arith.addi %mul3A_194, %add3A_195 : i32
      %dma_start3A_197 = arith.constant 80 : i32
      %dma_start3A_198 = arith.constant 0 : i32
      %dma_start3A_199 = tpu.memref_slice %arg9[%dma_start3A_197, %dma_start3A_198] : memref<200x160xbf16, #tpu.memory_space<vmem>> -> memref<80x160xbf16, #tpu.memory_space<vmem>>
      %dma_start3A_200 = arith.constant 0 : i32
      %dma_start3A_201 = tpu.memref_slice %arg12[%add3A_196, %dma_start3A_200] : memref<10240x160xbf16, #tpu.memory_space<vmem_shared>> -> memref<80x160xbf16, #tpu.memory_space<vmem_shared>>
      %dma_start3A_202 = arith.constant 80 : i32
      %dma_start3A_203 = arith.constant 0 : i32
      %dma_start3A_204 = tpu.memref_slice %arg9[%dma_start3A_202, %dma_start3A_203] : memref<200x160xbf16, #tpu.memory_space<vmem>> -> memref<80x160xbf16, #tpu.memory_space<vmem>>
      %dma_start3A_205 = arith.constant 0 : i32
      %dma_start3A_206 = tpu.memref_slice %arg12[%add3A_196, %dma_start3A_205] : memref<10240x160xbf16, #tpu.memory_space<vmem_shared>> -> memref<80x160xbf16, #tpu.memory_space<vmem_shared>>
      tpu.enqueue_dma source(%dma_start3A_206 : memref<80x160xbf16, #tpu.memory_space<vmem_shared>>) target(%dma_start3A_204 : memref<80x160xbf16, #tpu.memory_space<vmem>>) target_semaphore(%arg13 : memref<!tpu.dma_semaphore, #tpu.memory_space<semaphore_mem>>)
      %dma_start3A_207 = arith.constant 80 : i32
      %dma_start3A_208 = arith.constant 0 : i32
      %dma_start3A_209 = tpu.memref_slice %arg10[%dma_start3A_207, %dma_start3A_208] : memref<200x160xbf16, #tpu.memory_space<vmem>> -> memref<80x160xbf16, #tpu.memory_space<vmem>>
      %dma_start3A_210 = arith.constant 0 : i32
      %dma_start3A_211 = tpu.memref_slice %arg4[%add3A_196, %dma_start3A_210] : memref<10000x160xbf16, #tpu.memory_space<hbm>> -> memref<80x160xbf16, #tpu.memory_space<hbm>>
      %dma_start3A_212 = arith.constant 80 : i32
      %dma_start3A_213 = arith.constant 0 : i32
      %dma_start3A_214 = tpu.memref_slice %arg10[%dma_start3A_212, %dma_start3A_213] : memref<200x160xbf16, #tpu.memory_space<vmem>> -> memref<80x160xbf16, #tpu.memory_space<vmem>>
      %dma_start3A_215 = arith.constant 0 : i32
      %dma_start3A_216 = tpu.memref_slice %arg4[%add3A_196, %dma_start3A_215] : memref<10000x160xbf16, #tpu.memory_space<hbm>> -> memref<80x160xbf16, #tpu.memory_space<hbm>>
      tpu.enqueue_dma source(%dma_start3A_216 : memref<80x160xbf16, #tpu.memory_space<hbm>>) target(%dma_start3A_214 : memref<80x160xbf16, #tpu.memory_space<vmem>>) target_semaphore(%arg14 : memref<!tpu.dma_semaphore, #tpu.memory_space<semaphore_mem>>)
      %scan3A_217 = arith.constant 0 : i32
      %scan3A_218 = arith.constant 0 : i32
      %scan3A_219 = arith.constant 80 : i32
      %scan3A_220 = arith.addi %scan3A_218, %scan3A_219 : i32
      %scan3A_221 = arith.constant 1 : i32
      scf.for %scan3A_307 = %scan3A_218 to %scan3A_220 step %scan3A_221  : i32 {
        %broadcast_in_dim3A = arith.constant 0.000000e+00 : f32
        %broadcast_in_dim3A_308 = vector.broadcast %broadcast_in_dim3A : f32 to vector<16xf32>
        %add3A_309 = arith.constant 0 : i32
        %add3A_310 = arith.addi %add3A_309, %scan3A_307 : i32
        %get3A = arith.index_cast %add3A_310 : i32 to index
        %get3A_311 = arith.constant 0 : index
        %get3A_312 = tpu.vector_load %arg9[%get3A, %get3A_311] {strides = array<i32>} : memref<200x160xbf16, #tpu.memory_space<vmem>>, vector<32xbf16>,
        %add3A_313 = arith.constant 0 : i32
        %add3A_314 = arith.addi %add3A_313, %scan3A_307 : i32
        %get3A_315 = arith.index_cast %add3A_314 : i32 to index
        %get3A_316 = arith.constant 0 : index
        %get3A_317 = tpu.vector_load %arg10[%get3A_315, %get3A_316] {strides = array<i32>} : memref<200x160xbf16, #tpu.memory_space<vmem>>, vector<32xbf16>,
        %mul3A_318 = arith.mulf %get3A_312, %get3A_317 : vector<32xbf16>
        %unpack3A = tpu.unpack_subelements %mul3A_318, 0 {pack_format = #tpu.pack_format<interleaved>} : vector<32xbf16> -> vector<16xf32>
        %unpack3A_319 = tpu.unpack_subelements %mul3A_318, 1 {pack_format = #tpu.pack_format<interleaved>} : vector<32xbf16> -> vector<16xf32>
        %add3A_320 = arith.addf %broadcast_in_dim3A_308, %unpack3A : vector<16xf32>
        %add3A_321 = arith.addf %add3A_320, %unpack3A_319 : vector<16xf32>
        %add3A_322 = arith.constant 0 : i32
        %add3A_323 = arith.addi %add3A_322, %scan3A_307 : i32
        %get3A_324 = arith.index_cast %add3A_323 : i32 to index
        %get3A_325 = arith.constant 32 : index
        %get3A_326 = tpu.vector_load %arg9[%get3A_324, %get3A_325] {strides = array<i32>} : memref<200x160xbf16, #tpu.memory_space<vmem>>, vector<32xbf16>,
        %add3A_327 = arith.constant 0 : i32
        %add3A_328 = arith.addi %add3A_327, %scan3A_307 : i32
        %get3A_329 = arith.index_cast %add3A_328 : i32 to index
        %get3A_330 = arith.constant 32 : index
        %get3A_331 = tpu.vector_load %arg10[%get3A_329, %get3A_330] {strides = array<i32>} : memref<200x160xbf16, #tpu.memory_space<vmem>>, vector<32xbf16>,
        %mul3A_332 = arith.mulf %get3A_326, %get3A_331 : vector<32xbf16>
        %unpack3A_333 = tpu.unpack_subelements %mul3A_332, 0 {pack_format = #tpu.pack_format<interleaved>} : vector<32xbf16> -> vector<16xf32>
        %unpack3A_334 = tpu.unpack_subelements %mul3A_332, 1 {pack_format = #tpu.pack_format<interleaved>} : vector<32xbf16> -> vector<16xf32>
        %add3A_335 = arith.addf %add3A_321, %unpack3A_333 : vector<16xf32>
        %add3A_336 = arith.addf %add3A_335, %unpack3A_334 : vector<16xf32>
        %add3A_337 = arith.constant 0 : i32
        %add3A_338 = arith.addi %add3A_337, %scan3A_307 : i32
        %get3A_339 = arith.index_cast %add3A_338 : i32 to index
        %get3A_340 = arith.constant 64 : index
        %get3A_341 = tpu.vector_load %arg9[%get3A_339, %get3A_340] {strides = array<i32>} : memref<200x160xbf16, #tpu.memory_space<vmem>>, vector<32xbf16>,
        %add3A_342 = arith.constant 0 : i32
        %add3A_343 = arith.addi %add3A_342, %scan3A_307 : i32
        %get3A_344 = arith.index_cast %add3A_343 : i32 to index
        %get3A_345 = arith.constant 64 : index
        %get3A_346 = tpu.vector_load %arg10[%get3A_344, %get3A_345] {strides = array<i32>} : memref<200x160xbf16, #tpu.memory_space<vmem>>, vector<32xbf16>,
        %mul3A_347 = arith.mulf %get3A_341, %get3A_346 : vector<32xbf16>
        %unpack3A_348 = tpu.unpack_subelements %mul3A_347, 0 {pack_format = #tpu.pack_format<interleaved>} : vector<32xbf16> -> vector<16xf32>
        %unpack3A_349 = tpu.unpack_subelements %mul3A_347, 1 {pack_format = #tpu.pack_format<interleaved>} : vector<32xbf16> -> vector<16xf32>
        %add3A_350 = arith.addf %add3A_336, %unpack3A_348 : vector<16xf32>
        %add3A_351 = arith.addf %add3A_350, %unpack3A_349 : vector<16xf32>
        %add3A_352 = arith.constant 0 : i32
        %add3A_353 = arith.addi %add3A_352, %scan3A_307 : i32
        %get3A_354 = arith.index_cast %add3A_353 : i32 to index
        %get3A_355 = arith.constant 96 : index
        %get3A_356 = tpu.vector_load %arg9[%get3A_354, %get3A_355] {strides = array<i32>} : memref<200x160xbf16, #tpu.memory_space<vmem>>, vector<32xbf16>,
        %add3A_357 = arith.constant 0 : i32
        %add3A_358 = arith.addi %add3A_357, %scan3A_307 : i32
        %get3A_359 = arith.index_cast %add3A_358 : i32 to index
        %get3A_360 = arith.constant 96 : index
        %get3A_361 = tpu.vector_load %arg10[%get3A_359, %get3A_360] {strides = array<i32>} : memref<200x160xbf16, #tpu.memory_space<vmem>>, vector<32xbf16>,
        %mul3A_362 = arith.mulf %get3A_356, %get3A_361 : vector<32xbf16>
        %unpack3A_363 = tpu.unpack_subelements %mul3A_362, 0 {pack_format = #tpu.pack_format<interleaved>} : vector<32xbf16> -> vector<16xf32>
        %unpack3A_364 = tpu.unpack_subelements %mul3A_362, 1 {pack_format = #tpu.pack_format<interleaved>} : vector<32xbf16> -> vector<16xf32>
        %add3A_365 = arith.addf %add3A_351, %unpack3A_363 : vector<16xf32>
        %add3A_366 = arith.addf %add3A_365, %unpack3A_364 : vector<16xf32>
        %add3A_367 = arith.constant 0 : i32
        %add3A_368 = arith.addi %add3A_367, %scan3A_307 : i32
        %get3A_369 = arith.index_cast %add3A_368 : i32 to index
        %get3A_370 = arith.constant 128 : index
        %get3A_371 = tpu.vector_load %arg9[%get3A_369, %get3A_370] {strides = array<i32>} : memref<200x160xbf16, #tpu.memory_space<vmem>>, vector<32xbf16>,
        %unpack3A_372 = tpu.unpack_subelements %get3A_371, 0 {pack_format = #tpu.pack_format<interleaved>} : vector<32xbf16> -> vector<16xf32>
        %unpack3A_373 = tpu.unpack_subelements %get3A_371, 1 {pack_format = #tpu.pack_format<interleaved>} : vector<32xbf16> -> vector<16xf32>
        %pack3A = tpu.pack_subelements %add3A_366, %unpack3A_372 {pack_format = #tpu.pack_format<interleaved>, positions = array<i32: 0, 1>} : vector<16xf32>, vector<16xf32> -> vector<32xbf16>
        %add3A_374 = arith.constant 160 : i32
        %add3A_375 = arith.addi %add3A_374, %scan3A_307 : i32
        %swap3A = arith.index_cast %add3A_375 : i32 to index
        %swap3A_376 = arith.constant 0 : index
        %swap3A_377 = tpu.vector_load %arg11[%swap3A, %swap3A_376] {strides = array<i32>} : memref<640x32xbf16, #tpu.memory_space<vmem>>, vector<32xbf16>,
        tpu.vector_store %arg11[%swap3A, %swap3A_376], %pack3A {strides = array<i32>} : memref<640x32xbf16, #tpu.memory_space<vmem>>, vector<32xbf16>,
      }
      %scan3A_222 = arith.constant 80 : i32
      %mul3A_223 = arith.constant 640 : i32
      %mul3A_224 = arith.muli %arg1, %mul3A_223 : i32
      %add3A_225 = arith.constant 240 : i32
      %add3A_226 = arith.addi %mul3A_224, %add3A_225 : i32
      %dma_wait3A_227 = arith.constant 80 : i32
      %dma_wait3A_228 = arith.constant 0 : i32
      %dma_wait3A_229 = tpu.memref_slice %arg9[%dma_wait3A_227, %dma_wait3A_228] : memref<200x160xbf16, #tpu.memory_space<vmem>> -> memref<80x160xbf16, #tpu.memory_space<vmem>>
      %dma_wait3A_230 = arith.constant 0 : i32
      %dma_wait3A_231 = tpu.memref_slice %arg12[%add3A_226, %dma_wait3A_230] : memref<10240x160xbf16, #tpu.memory_space<vmem_shared>> -> memref<80x160xbf16, #tpu.memory_space<vmem_shared>>
      %dma_wait3A_232 = arith.constant 80 : i32
      %dma_wait3A_233 = arith.constant 0 : i32
      %dma_wait3A_234 = tpu.memref_slice %arg9[%dma_wait3A_232, %dma_wait3A_233] : memref<200x160xbf16, #tpu.memory_space<vmem>> -> memref<80x160xbf16, #tpu.memory_space<vmem>>
      %dma_wait3A_235 = arith.constant 0 : i32
      %dma_wait3A_236 = tpu.memref_slice %arg12[%add3A_226, %dma_wait3A_235] : memref<10240x160xbf16, #tpu.memory_space<vmem_shared>> -> memref<80x160xbf16, #tpu.memory_space<vmem_shared>>
      tpu.wait_dma2 semaphore(%arg13 : memref<!tpu.dma_semaphore, #tpu.memory_space<semaphore_mem>>) src(%dma_wait3A_236 : memref<80x160xbf16, #tpu.memory_space<vmem_shared>>) dst(%dma_wait3A_234 : memref<80x160xbf16, #tpu.memory_space<vmem>>)
      %dma_wait3A_237 = arith.constant 80 : i32
      %dma_wait3A_238 = arith.constant 0 : i32
      %dma_wait3A_239 = tpu.memref_slice %arg10[%dma_wait3A_237, %dma_wait3A_238] : memref<200x160xbf16, #tpu.memory_space<vmem>> -> memref<80x160xbf16, #tpu.memory_space<vmem>>
      %dma_wait3A_240 = arith.constant 0 : i32
      %dma_wait3A_241 = tpu.memref_slice %arg4[%add3A_226, %dma_wait3A_240] : memref<10000x160xbf16, #tpu.memory_space<hbm>> -> memref<80x160xbf16, #tpu.memory_space<hbm>>
      %dma_wait3A_242 = arith.constant 80 : i32
      %dma_wait3A_243 = arith.constant 0 : i32
      %dma_wait3A_244 = tpu.memref_slice %arg10[%dma_wait3A_242, %dma_wait3A_243] : memref<200x160xbf16, #tpu.memory_space<vmem>> -> memref<80x160xbf16, #tpu.memory_space<vmem>>
      %dma_wait3A_245 = arith.constant 0 : i32
      %dma_wait3A_246 = tpu.memref_slice %arg4[%add3A_226, %dma_wait3A_245] : memref<10000x160xbf16, #tpu.memory_space<hbm>> -> memref<80x160xbf16, #tpu.memory_space<hbm>>
      tpu.wait_dma2 semaphore(%arg14 : memref<!tpu.dma_semaphore, #tpu.memory_space<semaphore_mem>>) src(%dma_wait3A_246 : memref<80x160xbf16, #tpu.memory_space<hbm>>) dst(%dma_wait3A_244 : memref<80x160xbf16, #tpu.memory_space<vmem>>)
      %mul3A_247 = arith.constant 640 : i32
      %mul3A_248 = arith.muli %arg1, %mul3A_247 : i32
      %add3A_249 = arith.constant 320 : i32
      %add3A_250 = arith.addi %mul3A_248, %add3A_249 : i32
      %dma_start3A_251 = arith.constant 0 : i32
      %dma_start3A_252 = arith.constant 0 : i32
      %dma_start3A_253 = tpu.memref_slice %arg9[%dma_start3A_251, %dma_start3A_252] : memref<200x160xbf16, #tpu.memory_space<vmem>> -> memref<80x160xbf16, #tpu.memory_space<vmem>>
      %dma_start3A_254 = arith.constant 0 : i32
      %dma_start3A_255 = tpu.memref_slice %arg12[%add3A_250, %dma_start3A_254] : memref<10240x160xbf16, #tpu.memory_space<vmem_shared>> -> memref<80x160xbf16, #tpu.memory_space<vmem_shared>>
      %dma_start3A_256 = arith.constant 0 : i32
      %dma_start3A_257 = arith.constant 0 : i32
      %dma_start3A_258 = tpu.memref_slice %arg9[%dma_start3A_256, %dma_start3A_257] : memref<200x160xbf16, #tpu.memory_space<vmem>> -> memref<80x160xbf16, #tpu.memory_space<vmem>>
      %dma_start3A_259 = arith.constant 0 : i32
      %dma_start3A_260 = tpu.memref_slice %arg12[%add3A_250, %dma_start3A_259] : memref<10240x160xbf16, #tpu.memory_space<vmem_shared>> -> memref<80x160xbf16, #tpu.memory_space<vmem_shared>>
      tpu.enqueue_dma source(%dma_start3A_260 : memref<80x160xbf16, #tpu.memory_space<vmem_shared>>) target(%dma_start3A_258 : memref<80x160xbf16, #tpu.memory_space<vmem>>) target_semaphore(%arg13 : memref<!tpu.dma_semaphore, #tpu.memory_space<semaphore_mem>>)
      %dma_start3A_261 = arith.constant 0 : i32
      %dma_start3A_262 = arith.constant 0 : i32
      %dma_start3A_263 = tpu.memref_slice %arg10[%dma_start3A_261, %dma_start3A_262] : memref<200x160xbf16, #tpu.memory_space<vmem>> -> memref<80x160xbf16, #tpu.memory_space<vmem>>
      %dma_start3A_264 = arith.constant 0 : i32
      %dma_start3A_265 = tpu.memref_slice %arg4[%add3A_250, %dma_start3A_264] : memref<10000x160xbf16, #tpu.memory_space<hbm>> -> memref<80x160xbf16, #tpu.memory_space<hbm>>
      %dma_start3A_266 = arith.constant 0 : i32
      %dma_start3A_267 = arith.constant 0 : i32
      %dma_start3A_268 = tpu.memref_slice %arg10[%dma_start3A_266, %dma_start3A_267] : memref<200x160xbf16, #tpu.memory_space<vmem>> -> memref<80x160xbf16, #tpu.memory_space<vmem>>
      %dma_start3A_269 = arith.constant 0 : i32
      %dma_start3A_270 = tpu.memref_slice %arg4[%add3A_250, %dma_start3A_269] : memref<10000x160xbf16, #tpu.memory_space<hbm>> -> memref<80x160xbf16, #tpu.memory_space<hbm>>
      tpu.enqueue_dma source(%dma_start3A_270 : memref<80x160xbf16, #tpu.memory_space<hbm>>) target(%dma_start3A_268 : memref<80x160xbf16, #tpu.memory_space<vmem>>) target_semaphore(%arg14 : memref<!tpu.dma_semaphore, #tpu.memory_space<semaphore_mem>>)
      %scan3A_271 = arith.constant 0 : i32
      %scan3A_272 = arith.constant 0 : i32
      %scan3A_273 = arith.constant 80 : i32
      %scan3A_274 = arith.addi %scan3A_272, %scan3A_273 : i32
      %scan3A_275 = arith.constant 1 : i32
      scf.for %scan3A_307 = %scan3A_272 to %scan3A_274 step %scan3A_275  : i32 {
        %broadcast_in_dim3A = arith.constant 0.000000e+00 : f32
        %broadcast_in_dim3A_308 = vector.broadcast %broadcast_in_dim3A : f32 to vector<16xf32>
        %add3A_309 = arith.constant 80 : i32
        %add3A_310 = arith.addi %add3A_309, %scan3A_307 : i32
        %get3A = arith.index_cast %add3A_310 : i32 to index
        %get3A_311 = arith.constant 0 : index
        %get3A_312 = tpu.vector_load %arg9[%get3A, %get3A_311] {strides = array<i32>} : memref<200x160xbf16, #tpu.memory_space<vmem>>, vector<32xbf16>,
        %add3A_313 = arith.constant 80 : i32
        %add3A_314 = arith.addi %add3A_313, %scan3A_307 : i32
        %get3A_315 = arith.index_cast %add3A_314 : i32 to index
        %get3A_316 = arith.constant 0 : index
        %get3A_317 = tpu.vector_load %arg10[%get3A_315, %get3A_316] {strides = array<i32>} : memref<200x160xbf16, #tpu.memory_space<vmem>>, vector<32xbf16>,
        %mul3A_318 = arith.mulf %get3A_312, %get3A_317 : vector<32xbf16>
        %unpack3A = tpu.unpack_subelements %mul3A_318, 0 {pack_format = #tpu.pack_format<interleaved>} : vector<32xbf16> -> vector<16xf32>
        %unpack3A_319 = tpu.unpack_subelements %mul3A_318, 1 {pack_format = #tpu.pack_format<interleaved>} : vector<32xbf16> -> vector<16xf32>
        %add3A_320 = arith.addf %broadcast_in_dim3A_308, %unpack3A : vector<16xf32>
        %add3A_321 = arith.addf %add3A_320, %unpack3A_319 : vector<16xf32>
        %add3A_322 = arith.constant 80 : i32
        %add3A_323 = arith.addi %add3A_322, %scan3A_307 : i32
        %get3A_324 = arith.index_cast %add3A_323 : i32 to index
        %get3A_325 = arith.constant 32 : index
        %get3A_326 = tpu.vector_load %arg9[%get3A_324, %get3A_325] {strides = array<i32>} : memref<200x160xbf16, #tpu.memory_space<vmem>>, vector<32xbf16>,
        %add3A_327 = arith.constant 80 : i32
        %add3A_328 = arith.addi %add3A_327, %scan3A_307 : i32
        %get3A_329 = arith.index_cast %add3A_328 : i32 to index
        %get3A_330 = arith.constant 32 : index
        %get3A_331 = tpu.vector_load %arg10[%get3A_329, %get3A_330] {strides = array<i32>} : memref<200x160xbf16, #tpu.memory_space<vmem>>, vector<32xbf16>,
        %mul3A_332 = arith.mulf %get3A_326, %get3A_331 : vector<32xbf16>
        %unpack3A_333 = tpu.unpack_subelements %mul3A_332, 0 {pack_format = #tpu.pack_format<interleaved>} : vector<32xbf16> -> vector<16xf32>
        %unpack3A_334 = tpu.unpack_subelements %mul3A_332, 1 {pack_format = #tpu.pack_format<interleaved>} : vector<32xbf16> -> vector<16xf32>
        %add3A_335 = arith.addf %add3A_321, %unpack3A_333 : vector<16xf32>
        %add3A_336 = arith.addf %add3A_335, %unpack3A_334 : vector<16xf32>
        %add3A_337 = arith.constant 80 : i32
        %add3A_338 = arith.addi %add3A_337, %scan3A_307 : i32
        %get3A_339 = arith.index_cast %add3A_338 : i32 to index
        %get3A_340 = arith.constant 64 : index
        %get3A_341 = tpu.vector_load %arg9[%get3A_339, %get3A_340] {strides = array<i32>} : memref<200x160xbf16, #tpu.memory_space<vmem>>, vector<32xbf16>,
        %add3A_342 = arith.constant 80 : i32
        %add3A_343 = arith.addi %add3A_342, %scan3A_307 : i32
        %get3A_344 = arith.index_cast %add3A_343 : i32 to index
        %get3A_345 = arith.constant 64 : index
        %get3A_346 = tpu.vector_load %arg10[%get3A_344, %get3A_345] {strides = array<i32>} : memref<200x160xbf16, #tpu.memory_space<vmem>>, vector<32xbf16>,
        %mul3A_347 = arith.mulf %get3A_341, %get3A_346 : vector<32xbf16>
        %unpack3A_348 = tpu.unpack_subelements %mul3A_347, 0 {pack_format = #tpu.pack_format<interleaved>} : vector<32xbf16> -> vector<16xf32>
        %unpack3A_349 = tpu.unpack_subelements %mul3A_347, 1 {pack_format = #tpu.pack_format<interleaved>} : vector<32xbf16> -> vector<16xf32>
        %add3A_350 = arith.addf %add3A_336, %unpack3A_348 : vector<16xf32>
        %add3A_351 = arith.addf %add3A_350, %unpack3A_349 : vector<16xf32>
        %add3A_352 = arith.constant 80 : i32
        %add3A_353 = arith.addi %add3A_352, %scan3A_307 : i32
        %get3A_354 = arith.index_cast %add3A_353 : i32 to index
        %get3A_355 = arith.constant 96 : index
        %get3A_356 = tpu.vector_load %arg9[%get3A_354, %get3A_355] {strides = array<i32>} : memref<200x160xbf16, #tpu.memory_space<vmem>>, vector<32xbf16>,
        %add3A_357 = arith.constant 80 : i32
        %add3A_358 = arith.addi %add3A_357, %scan3A_307 : i32
        %get3A_359 = arith.index_cast %add3A_358 : i32 to index
        %get3A_360 = arith.constant 96 : index
        %get3A_361 = tpu.vector_load %arg10[%get3A_359, %get3A_360] {strides = array<i32>} : memref<200x160xbf16, #tpu.memory_space<vmem>>, vector<32xbf16>,
        %mul3A_362 = arith.mulf %get3A_356, %get3A_361 : vector<32xbf16>
        %unpack3A_363 = tpu.unpack_subelements %mul3A_362, 0 {pack_format = #tpu.pack_format<interleaved>} : vector<32xbf16> -> vector<16xf32>
        %unpack3A_364 = tpu.unpack_subelements %mul3A_362, 1 {pack_format = #tpu.pack_format<interleaved>} : vector<32xbf16> -> vector<16xf32>
        %add3A_365 = arith.addf %add3A_351, %unpack3A_363 : vector<16xf32>
        %add3A_366 = arith.addf %add3A_365, %unpack3A_364 : vector<16xf32>
        %add3A_367 = arith.constant 80 : i32
        %add3A_368 = arith.addi %add3A_367, %scan3A_307 : i32
        %get3A_369 = arith.index_cast %add3A_368 : i32 to index
        %get3A_370 = arith.constant 128 : index
        %get3A_371 = tpu.vector_load %arg9[%get3A_369, %get3A_370] {strides = array<i32>} : memref<200x160xbf16, #tpu.memory_space<vmem>>, vector<32xbf16>,
        %unpack3A_372 = tpu.unpack_subelements %get3A_371, 0 {pack_format = #tpu.pack_format<interleaved>} : vector<32xbf16> -> vector<16xf32>
        %unpack3A_373 = tpu.unpack_subelements %get3A_371, 1 {pack_format = #tpu.pack_format<interleaved>} : vector<32xbf16> -> vector<16xf32>
        %pack3A = tpu.pack_subelements %add3A_366, %unpack3A_372 {pack_format = #tpu.pack_format<interleaved>, positions = array<i32: 0, 1>} : vector<16xf32>, vector<16xf32> -> vector<32xbf16>
        %add3A_374 = arith.constant 240 : i32
        %add3A_375 = arith.addi %add3A_374, %scan3A_307 : i32
        %swap3A = arith.index_cast %add3A_375 : i32 to index
        %swap3A_376 = arith.constant 0 : index
        %swap3A_377 = tpu.vector_load %arg11[%swap3A, %swap3A_376] {strides = array<i32>} : memref<640x32xbf16, #tpu.memory_space<vmem>>, vector<32xbf16>,
        tpu.vector_store %arg11[%swap3A, %swap3A_376], %pack3A {strides = array<i32>} : memref<640x32xbf16, #tpu.memory_space<vmem>>, vector<32xbf16>,
      }
      %scan3A_276 = arith.constant 80 : i32
      %mul3A_277 = arith.constant 640 : i32
      %mul3A_278 = arith.muli %arg1, %mul3A_277 : i32
      %add3A_279 = arith.constant 320 : i32
      %add3A_280 = arith.addi %mul3A_278, %add3A_279 : i32
      %dma_wait3A_281 = arith.constant 0 : i32
      %dma_wait3A_282 = arith.constant 0 : i32
      %dma_wait3A_283 = tpu.memref_slice %arg9[%dma_wait3A_281, %dma_wait3A_282] : memref<200x160xbf16, #tpu.memory_space<vmem>> -> memref<80x160xbf16, #tpu.memory_space<vmem>>
      %dma_wait3A_284 = arith.constant 0 : i32
      %dma_wait3A_285 = tpu.memref_slice %arg12[%add3A_280, %dma_wait3A_284] : memref<10240x160xbf16, #tpu.memory_space<vmem_shared>> -> memref<80x160xbf16, #tpu.memory_space<vmem_shared>>
      %dma_wait3A_286 = arith.constant 0 : i32
      %dma_wait3A_287 = arith.constant 0 : i32
      %dma_wait3A_288 = tpu.memref_slice %arg9[%dma_wait3A_286, %dma_wait3A_287] : memref<200x160xbf16, #tpu.memory_space<vmem>> -> memref<80x160xbf16, #tpu.memory_space<vmem>>
      %dma_wait3A_289 = arith.constant 0 : i32
      %dma_wait3A_290 = tpu.memref_slice %arg12[%add3A_280, %dma_wait3A_289] : memref<10240x160xbf16, #tpu.memory_space<vmem_shared>> -> memref<80x160xbf16, #tpu.memory_space<vmem_shared>>
      tpu.wait_dma2 semaphore(%arg13 : memref<!tpu.dma_semaphore, #tpu.memory_space<semaphore_mem>>) src(%dma_wait3A_290 : memref<80x160xbf16, #tpu.memory_space<vmem_shared>>) dst(%dma_wait3A_288 : memref<80x160xbf16, #tpu.memory_space<vmem>>)
      %dma_wait3A_291 = arith.constant 0 : i32
      %dma_wait3A_292 = arith.constant 0 : i32
      %dma_wait3A_293 = tpu.memref_slice %arg10[%dma_wait3A_291, %dma_wait3A_292] : memref<200x160xbf16, #tpu.memory_space<vmem>> -> memref<80x160xbf16, #tpu.memory_space<vmem>>
      %dma_wait3A_294 = arith.constant 0 : i32
      %dma_wait3A_295 = tpu.memref_slice %arg4[%add3A_280, %dma_wait3A_294] : memref<10000x160xbf16, #tpu.memory_space<hbm>> -> memref<80x160xbf16, #tpu.memory_space<hbm>>
      %dma_wait3A_296 = arith.constant 0 : i32
      %dma_wait3A_297 = arith.constant 0 : i32
      %dma_wait3A_298 = tpu.memref_slice %arg10[%dma_wait3A_296, %dma_wait3A_297] : memref<200x160xbf16, #tpu.memory_space<vmem>> -> memref<80x160xbf16, #tpu.memory_space<vmem>>
      %dma_wait3A_299 = arith.constant 0 : i32
      %dma_wait3A_300 = tpu.memref_slice %arg4[%add3A_280, %dma_wait3A_299] : memref<10000x160xbf16, #tpu.memory_space<hbm>> -> memref<80x160xbf16, #tpu.memory_space<hbm>>
      tpu.wait_dma2 semaphore(%arg14 : memref<!tpu.dma_semaphore, #tpu.memory_space<semaphore_mem>>) src(%dma_wait3A_300 : memref<80x160xbf16, #tpu.memory_space<hbm>>) dst(%dma_wait3A_298 : memref<80x160xbf16, #tpu.memory_space<vmem>>)
      %scan3A_301 = arith.constant 0 : i32
      %scan3A_302 = arith.constant 0 : i32
      %scan3A_303 = arith.constant 80 : i32
      %scan3A_304 = arith.addi %scan3A_302, %scan3A_303 : i32
      %scan3A_305 = arith.constant 1 : i32
      scf.for %scan3A_307 = %scan3A_302 to %scan3A_304 step %scan3A_305  : i32 {
        %broadcast_in_dim3A = arith.constant 0.000000e+00 : f32
        %broadcast_in_dim3A_308 = vector.broadcast %broadcast_in_dim3A : f32 to vector<16xf32>
        %add3A_309 = arith.constant 0 : i32
        %add3A_310 = arith.addi %add3A_309, %scan3A_307 : i32
        %get3A = arith.index_cast %add3A_310 : i32 to index
        %get3A_311 = arith.constant 0 : index
        %get3A_312 = tpu.vector_load %arg9[%get3A, %get3A_311] {strides = array<i32>} : memref<200x160xbf16, #tpu.memory_space<vmem>>, vector<32xbf16>,
        %add3A_313 = arith.constant 0 : i32
        %add3A_314 = arith.addi %add3A_313, %scan3A_307 : i32
        %get3A_315 = arith.index_cast %add3A_314 : i32 to index
        %get3A_316 = arith.constant 0 : index
        %get3A_317 = tpu.vector_load %arg10[%get3A_315, %get3A_316] {strides = array<i32>} : memref<200x160xbf16, #tpu.memory_space<vmem>>, vector<32xbf16>,
        %mul3A_318 = arith.mulf %get3A_312, %get3A_317 : vector<32xbf16>
        %unpack3A = tpu.unpack_subelements %mul3A_318, 0 {pack_format = #tpu.pack_format<interleaved>} : vector<32xbf16> -> vector<16xf32>
        %unpack3A_319 = tpu.unpack_subelements %mul3A_318, 1 {pack_format = #tpu.pack_format<interleaved>} : vector<32xbf16> -> vector<16xf32>
        %add3A_320 = arith.addf %broadcast_in_dim3A_308, %unpack3A : vector<16xf32>
        %add3A_321 = arith.addf %add3A_320, %unpack3A_319 : vector<16xf32>
        %add3A_322 = arith.constant 0 : i32
        %add3A_323 = arith.addi %add3A_322, %scan3A_307 : i32
        %get3A_324 = arith.index_cast %add3A_323 : i32 to index
        %get3A_325 = arith.constant 32 : index
        %get3A_326 = tpu.vector_load %arg9[%get3A_324, %get3A_325] {strides = array<i32>} : memref<200x160xbf16, #tpu.memory_space<vmem>>, vector<32xbf16>,
        %add3A_327 = arith.constant 0 : i32
        %add3A_328 = arith.addi %add3A_327, %scan3A_307 : i32
        %get3A_329 = arith.index_cast %add3A_328 : i32 to index
        %get3A_330 = arith.constant 32 : index
        %get3A_331 = tpu.vector_load %arg10[%get3A_329, %get3A_330] {strides = array<i32>} : memref<200x160xbf16, #tpu.memory_space<vmem>>, vector<32xbf16>,
        %mul3A_332 = arith.mulf %get3A_326, %get3A_331 : vector<32xbf16>
        %unpack3A_333 = tpu.unpack_subelements %mul3A_332, 0 {pack_format = #tpu.pack_format<interleaved>} : vector<32xbf16> -> vector<16xf32>
        %unpack3A_334 = tpu.unpack_subelements %mul3A_332, 1 {pack_format = #tpu.pack_format<interleaved>} : vector<32xbf16> -> vector<16xf32>
        %add3A_335 = arith.addf %add3A_321, %unpack3A_333 : vector<16xf32>
        %add3A_336 = arith.addf %add3A_335, %unpack3A_334 : vector<16xf32>
        %add3A_337 = arith.constant 0 : i32
        %add3A_338 = arith.addi %add3A_337, %scan3A_307 : i32
        %get3A_339 = arith.index_cast %add3A_338 : i32 to index
        %get3A_340 = arith.constant 64 : index
        %get3A_341 = tpu.vector_load %arg9[%get3A_339, %get3A_340] {strides = array<i32>} : memref<200x160xbf16, #tpu.memory_space<vmem>>, vector<32xbf16>,
        %add3A_342 = arith.constant 0 : i32
        %add3A_343 = arith.addi %add3A_342, %scan3A_307 : i32
        %get3A_344 = arith.index_cast %add3A_343 : i32 to index
        %get3A_345 = arith.constant 64 : index
        %get3A_346 = tpu.vector_load %arg10[%get3A_344, %get3A_345] {strides = array<i32>} : memref<200x160xbf16, #tpu.memory_space<vmem>>, vector<32xbf16>,
        %mul3A_347 = arith.mulf %get3A_341, %get3A_346 : vector<32xbf16>
        %unpack3A_348 = tpu.unpack_subelements %mul3A_347, 0 {pack_format = #tpu.pack_format<interleaved>} : vector<32xbf16> -> vector<16xf32>
        %unpack3A_349 = tpu.unpack_subelements %mul3A_347, 1 {pack_format = #tpu.pack_format<interleaved>} : vector<32xbf16> -> vector<16xf32>
        %add3A_350 = arith.addf %add3A_336, %unpack3A_348 : vector<16xf32>
        %add3A_351 = arith.addf %add3A_350, %unpack3A_349 : vector<16xf32>
        %add3A_352 = arith.constant 0 : i32
        %add3A_353 = arith.addi %add3A_352, %scan3A_307 : i32
        %get3A_354 = arith.index_cast %add3A_353 : i32 to index
        %get3A_355 = arith.constant 96 : index
        %get3A_356 = tpu.vector_load %arg9[%get3A_354, %get3A_355] {strides = array<i32>} : memref<200x160xbf16, #tpu.memory_space<vmem>>, vector<32xbf16>,
        %add3A_357 = arith.constant 0 : i32
        %add3A_358 = arith.addi %add3A_357, %scan3A_307 : i32
        %get3A_359 = arith.index_cast %add3A_358 : i32 to index
        %get3A_360 = arith.constant 96 : index
        %get3A_361 = tpu.vector_load %arg10[%get3A_359, %get3A_360] {strides = array<i32>} : memref<200x160xbf16, #tpu.memory_space<vmem>>, vector<32xbf16>,
        %mul3A_362 = arith.mulf %get3A_356, %get3A_361 : vector<32xbf16>
        %unpack3A_363 = tpu.unpack_subelements %mul3A_362, 0 {pack_format = #tpu.pack_format<interleaved>} : vector<32xbf16> -> vector<16xf32>
        %unpack3A_364 = tpu.unpack_subelements %mul3A_362, 1 {pack_format = #tpu.pack_format<interleaved>} : vector<32xbf16> -> vector<16xf32>
        %add3A_365 = arith.addf %add3A_351, %unpack3A_363 : vector<16xf32>
        %add3A_366 = arith.addf %add3A_365, %unpack3A_364 : vector<16xf32>
        %add3A_367 = arith.constant 0 : i32
        %add3A_368 = arith.addi %add3A_367, %scan3A_307 : i32
        %get3A_369 = arith.index_cast %add3A_368 : i32 to index
        %get3A_370 = arith.constant 128 : index
        %get3A_371 = tpu.vector_load %arg9[%get3A_369, %get3A_370] {strides = array<i32>} : memref<200x160xbf16, #tpu.memory_space<vmem>>, vector<32xbf16>,
        %unpack3A_372 = tpu.unpack_subelements %get3A_371, 0 {pack_format = #tpu.pack_format<interleaved>} : vector<32xbf16> -> vector<16xf32>
        %unpack3A_373 = tpu.unpack_subelements %get3A_371, 1 {pack_format = #tpu.pack_format<interleaved>} : vector<32xbf16> -> vector<16xf32>
        %pack3A = tpu.pack_subelements %add3A_366, %unpack3A_372 {pack_format = #tpu.pack_format<interleaved>, positions = array<i32: 0, 1>} : vector<16xf32>, vector<16xf32> -> vector<32xbf16>
        %add3A_374 = arith.constant 320 : i32
        %add3A_375 = arith.addi %add3A_374, %scan3A_307 : i32
        %swap3A = arith.index_cast %add3A_375 : i32 to index
        %swap3A_376 = arith.constant 0 : index
        %swap3A_377 = tpu.vector_load %arg11[%swap3A, %swap3A_376] {strides = array<i32>} : memref<640x32xbf16, #tpu.memory_space<vmem>>, vector<32xbf16>,
        tpu.vector_store %arg11[%swap3A, %swap3A_376], %pack3A {strides = array<i32>} : memref<640x32xbf16, #tpu.memory_space<vmem>>, vector<32xbf16>,
      }
      %scan3A_306 = arith.constant 80 : i32
      "tpu.region"() ({
        %run_scoped3A = tpu.sem_alloc : memref<!tpu.dma_semaphore, #tpu.memory_space<semaphore_mem>>
        %dma_start3A_307 = arith.constant 0 : i32
        %dma_start3A_308 = arith.constant 0 : i32
        %dma_start3A_309 = tpu.memref_slice %arg11[%dma_start3A_307, %dma_start3A_308] : memref<640x32xbf16, #tpu.memory_space<vmem>> -> memref<400x32xbf16, #tpu.memory_space<vmem>>
        %dma_start3A_310 = arith.constant 9600 : i32
        %dma_start3A_311 = arith.constant 0 : i32
        %dma_start3A_312 = tpu.memref_slice %arg6[%arg0, %dma_start3A_310, %dma_start3A_311] : memref<2x10240x32xbf16, #tpu.memory_space<hbm>> -> memref<1x400x32xbf16, #tpu.memory_space<hbm>>
        %dma_start3A_313 = tpu.memref_squeeze %dma_start3A_312 : memref<1x400x32xbf16, #tpu.memory_space<hbm>> -> memref<400x32xbf16, #tpu.memory_space<hbm>>
        %dma_start3A_314 = arith.constant 9600 : i32
        %dma_start3A_315 = arith.constant 0 : i32
        %dma_start3A_316 = tpu.memref_slice %arg6[%arg0, %dma_start3A_314, %dma_start3A_315] : memref<2x10240x32xbf16, #tpu.memory_space<hbm>> -> memref<1x400x32xbf16, #tpu.memory_space<hbm>>
        %dma_start3A_317 = tpu.memref_squeeze %dma_start3A_316 : memref<1x400x32xbf16, #tpu.memory_space<hbm>> -> memref<400x32xbf16, #tpu.memory_space<hbm>>
        %dma_start3A_318 = arith.constant 0 : i32
        %dma_start3A_319 = arith.constant 0 : i32
        %dma_start3A_320 = tpu.memref_slice %arg11[%dma_start3A_318, %dma_start3A_319] : memref<640x32xbf16, #tpu.memory_space<vmem>> -> memref<400x32xbf16, #tpu.memory_space<vmem>>
        tpu.enqueue_dma source(%dma_start3A_320 : memref<400x32xbf16, #tpu.memory_space<vmem>>) target(%dma_start3A_317 : memref<400x32xbf16, #tpu.memory_space<hbm>>) target_semaphore(%run_scoped3A : memref<!tpu.dma_semaphore, #tpu.memory_space<semaphore_mem>>)
        %dma_wait3A_321 = arith.constant 0 : i32
        %dma_wait3A_322 = arith.constant 0 : i32
        %dma_wait3A_323 = tpu.memref_slice %arg11[%dma_wait3A_321, %dma_wait3A_322] : memref<640x32xbf16, #tpu.memory_space<vmem>> -> memref<400x32xbf16, #tpu.memory_space<vmem>>
        %dma_wait3A_324 = arith.constant 9600 : i32
        %dma_wait3A_325 = arith.constant 0 : i32
        %dma_wait3A_326 = tpu.memref_slice %arg6[%arg0, %dma_wait3A_324, %dma_wait3A_325] : memref<2x10240x32xbf16, #tpu.memory_space<hbm>> -> memref<1x400x32xbf16, #tpu.memory_space<hbm>>
        %dma_wait3A_327 = tpu.memref_squeeze %dma_wait3A_326 : memref<1x400x32xbf16, #tpu.memory_space<hbm>> -> memref<400x32xbf16, #tpu.memory_space<hbm>>
        %dma_wait3A_328 = arith.constant 9600 : i32
        %dma_wait3A_329 = arith.constant 0 : i32
        %dma_wait3A_330 = tpu.memref_slice %arg6[%arg0, %dma_wait3A_328, %dma_wait3A_329] : memref<2x10240x32xbf16, #tpu.memory_space<hbm>> -> memref<1x400x32xbf16, #tpu.memory_space<hbm>>
        %dma_wait3A_331 = tpu.memref_squeeze %dma_wait3A_330 : memref<1x400x32xbf16, #tpu.memory_space<hbm>> -> memref<400x32xbf16, #tpu.memory_space<hbm>>
        %dma_wait3A_332 = arith.constant 0 : i32
        %dma_wait3A_333 = arith.constant 0 : i32
        %dma_wait3A_334 = tpu.memref_slice %arg11[%dma_wait3A_332, %dma_wait3A_333] : memref<640x32xbf16, #tpu.memory_space<vmem>> -> memref<400x32xbf16, #tpu.memory_space<vmem>>
        tpu.wait_dma2 semaphore(%run_scoped3A : memref<!tpu.dma_semaphore, #tpu.memory_space<semaphore_mem>>) src(%dma_wait3A_334 : memref<400x32xbf16, #tpu.memory_space<vmem>>) dst(%dma_wait3A_331 : memref<400x32xbf16, #tpu.memory_space<hbm>>)
        tpu.yield
      }) : () -> ()
    } else {
    }
    return
  }
}

module attributes {stable_mosaic.version = 14 : i64} {
  func.func @_prep_body(%arg0: i32, %arg1: memref<5000x16xf32, #tpu.memory_space<vmem>>, %arg2: memref<5000x128xf32, #tpu.memory_space<vmem>>, %arg3: memref<5000x128xf32, #tpu.memory_space<vmem>>, %arg4: memref<5000x128xf32, #tpu.memory_space<vmem>>, %arg5: memref<5000x128xf32, #tpu.memory_space<vmem>>, %arg6: memref<5000x160xbf16, #tpu.memory_space<vmem>>, %arg7: memref<48x128xf32, #tpu.memory_space<vmem>>, %arg8: memref<48x128xf32, #tpu.memory_space<vmem>>, %arg9: memref<8x128xf32, #tpu.memory_space<vmem>>) attributes {dimension_semantics = [#tpu.dimension_semantics<arbitrary>], iteration_bounds = array<i64: 2>, scalar_prefetch = 0 : i64, scratch_operands = 0 : i64, tpu.core_type = #tpu.core_type<tc>, window_params = [{transform_indices = @transform_0, window_bounds = array<i64: 5000, 16>}, {transform_indices = @transform_1, window_bounds = array<i64: 5000, 128>}, {transform_indices = @transform_2, window_bounds = array<i64: 5000, 128>}, {transform_indices = @transform_3, window_bounds = array<i64: 5000, 128>}, {transform_indices = @transform_4, window_bounds = array<i64: 5000, 128>}, {transform_indices = @transform_5, window_bounds = array<i64: 5000, 160>}, {pipeline_mode = #tpu.pipeline_mode<synchronous>, transform_indices = @transform_6, window_bounds = array<i64: 48, 128>}, {pipeline_mode = #tpu.pipeline_mode<synchronous>, transform_indices = @transform_7, window_bounds = array<i64: 48, 128>}, {pipeline_mode = #tpu.pipeline_mode<synchronous>, transform_indices = @transform_8, window_bounds = array<i64: 8, 128>}]} {
    %get3A = arith.constant 0 : index
    %get3A_0 = arith.constant 0 : index
    %get3A_1 = vector.load %arg1[%get3A, %get3A_0] : memref<5000x16xf32, #tpu.memory_space<vmem>>, vector<5000x16xf32>
    %get3A_2 = arith.constant 0 : index
    %get3A_3 = arith.constant 0 : index
    %get3A_4 = vector.load %arg2[%get3A_2, %get3A_3] : memref<5000x128xf32, #tpu.memory_space<vmem>>, vector<5000x128xf32>
    %mul3A = arith.mulf %get3A_4, %get3A_4 : vector<5000x128xf32>
    %reduce_sum3A = arith.constant dense<0.000000e+00> : vector<5000xf32>
    %reduce_sum3A_5 = vector.multi_reduction <add>, %mul3A, %reduce_sum3A [1] : vector<5000x128xf32> to vector<5000xf32>
    %broadcast_in_dim3A = vector.shape_cast %reduce_sum3A_5 : vector<5000xf32> to vector<5000x1xf32>
    %sqrt3A = math.sqrt %broadcast_in_dim3A : vector<5000x1xf32>
    %max3A = arith.constant 9.99999993E-9 : f32
    %max3A_6 = vector.broadcast %max3A : f32 to vector<5000x1xf32>
    %max3A_7 = arith.maximumf %sqrt3A, %max3A_6 : vector<5000x1xf32>
    %div3A = vector.broadcast %max3A_7 : vector<5000x1xf32> to vector<5000x128xf32>
    %div3A_8 = arith.divf %get3A_4, %div3A : vector<5000x128xf32>
    %broadcast_in_dim3A_9 = arith.constant 1.000000e+00 : f32
    %broadcast_in_dim3A_10 = vector.broadcast %broadcast_in_dim3A_9 : f32 to vector<5000x1xf32>
    %broadcast_in_dim3A_11 = arith.constant 0.000000e+00 : f32
    %broadcast_in_dim3A_12 = vector.broadcast %broadcast_in_dim3A_11 : f32 to vector<5000x31xf32>
    %concatenate3A = tpu.concatenate %div3A_8, %broadcast_in_dim3A_10, %broadcast_in_dim3A_12 in 1 : vector<5000x128xf32>, vector<5000x1xf32>, vector<5000x31xf32> -> vector<5000x160xf32>
    %convert_element_type3A = arith.truncf %concatenate3A : vector<5000x160xf32> to vector<5000x160xbf16>
    %swap3A = arith.constant 0 : index
    %swap3A_13 = arith.constant 0 : index
    %swap3A_14 = vector.load %arg6[%swap3A, %swap3A_13] : memref<5000x160xbf16, #tpu.memory_space<vmem>>, vector<5000x160xbf16>
    tpu.vector_store %arg6[%swap3A, %swap3A_13], %convert_element_type3A {strides = array<i32>} : memref<5000x160xbf16, #tpu.memory_space<vmem>>, vector<5000x160xbf16>,
    %eq3A = arith.constant 0 : i32
    %eq3A_15 = arith.cmpi eq, %arg0, %eq3A : i32
    %convert_element_type3A_16 = arith.extui %eq3A_15 : i1 to i32
    %cond3A = arith.constant 0 : i32
    %cond3A_17 = arith.cmpi ne, %convert_element_type3A_16, %cond3A : i32
    scf.if %cond3A_17 {
      %broadcast_in_dim3A_121 = arith.constant 0.000000e+00 : f32
      %broadcast_in_dim3A_122 = vector.broadcast %broadcast_in_dim3A_121 : f32 to vector<48x128xf32>
      %swap3A_123 = arith.constant 0 : index
      %swap3A_124 = arith.constant 0 : index
      %swap3A_125 = vector.load %arg7[%swap3A_123, %swap3A_124] : memref<48x128xf32, #tpu.memory_space<vmem>>, vector<48x128xf32>
      tpu.vector_store %arg7[%swap3A_123, %swap3A_124], %broadcast_in_dim3A_122 {strides = array<i32>} : memref<48x128xf32, #tpu.memory_space<vmem>>, vector<48x128xf32>,
      %broadcast_in_dim3A_126 = arith.constant 0.000000e+00 : f32
      %broadcast_in_dim3A_127 = vector.broadcast %broadcast_in_dim3A_126 : f32 to vector<48x128xf32>
      %swap3A_128 = arith.constant 0 : index
      %swap3A_129 = arith.constant 0 : index
      %swap3A_130 = vector.load %arg8[%swap3A_128, %swap3A_129] : memref<48x128xf32, #tpu.memory_space<vmem>>, vector<48x128xf32>
      tpu.vector_store %arg8[%swap3A_128, %swap3A_129], %broadcast_in_dim3A_127 {strides = array<i32>} : memref<48x128xf32, #tpu.memory_space<vmem>>, vector<48x128xf32>,
      %broadcast_in_dim3A_131 = arith.constant 0.000000e+00 : f32
      %broadcast_in_dim3A_132 = vector.broadcast %broadcast_in_dim3A_131 : f32 to vector<8x128xf32>
      %swap3A_133 = arith.constant 0 : index
      %swap3A_134 = arith.constant 0 : index
      %swap3A_135 = vector.load %arg9[%swap3A_133, %swap3A_134] : memref<8x128xf32, #tpu.memory_space<vmem>>, vector<8x128xf32>
      tpu.vector_store %arg9[%swap3A_133, %swap3A_134], %broadcast_in_dim3A_132 {strides = array<i32>} : memref<8x128xf32, #tpu.memory_space<vmem>>, vector<8x128xf32>,
    } else {
    }
    %mul3A_18 = arith.mulf %get3A_1, %get3A_1 : vector<5000x16xf32>
    %get3A_19 = arith.constant 0 : index
    %get3A_20 = arith.constant 0 : index
    %get3A_21 = vector.load %arg3[%get3A_19, %get3A_20] : memref<5000x128xf32, #tpu.memory_space<vmem>>, vector<5000x128xf32>
    %dot_general3A = arith.constant dense<0.000000e+00> : vector<16x128xf32>
    %dot_general3A_22 = tpu.matmul %get3A_1, %get3A_21, %dot_general3A {dimension_numbers = #tpu.dot_dimension_numbers<[0], [0], [1], [1], [0, 1, 1, 1], [], []>, transpose_lhs_hint = false} : vector<5000x16xf32>, vector<5000x128xf32>, vector<16x128xf32> -> vector<16x128xf32>
    %mul3A_23 = arith.mulf %get3A_21, %get3A_21 : vector<5000x128xf32>
    %dot_general3A_24 = arith.constant dense<0.000000e+00> : vector<16x128xf32>
    %dot_general3A_25 = tpu.matmul %mul3A_18, %mul3A_23, %dot_general3A_24 {dimension_numbers = #tpu.dot_dimension_numbers<[0], [0], [1], [1], [0, 1, 1, 1], [], []>, transpose_lhs_hint = false} : vector<5000x16xf32>, vector<5000x128xf32>, vector<16x128xf32> -> vector<16x128xf32>
    %mul3A_26 = arith.mulf %get3A_21, %get3A_21 : vector<5000x128xf32>
    %reduce_sum3A_27 = arith.constant dense<0.000000e+00> : vector<5000xf32>
    %reduce_sum3A_28 = vector.multi_reduction <add>, %mul3A_26, %reduce_sum3A_27 [1] : vector<5000x128xf32> to vector<5000xf32>
    %sqrt3A_29 = math.sqrt %reduce_sum3A_28 : vector<5000xf32>
    %reduce_sum3A_30 = vector.shape_cast %sqrt3A_29 : vector<5000xf32> to vector<1x5000xf32>
    %reduce_sum3A_31 = arith.constant dense<0.000000e+00> : vector<1xf32>
    %reduce_sum3A_32 = vector.multi_reduction <add>, %reduce_sum3A_30, %reduce_sum3A_31 [1] : vector<1x5000xf32> to vector<1xf32>
    %reduce_sum3A_33 = vector.shape_cast %reduce_sum3A_32 : vector<1xf32> to vector<1x1xf32>
    %reduce_sum3A_34 = vector.extract %reduce_sum3A_33[0, 0] : f32 from vector<1x1xf32>
    %get3A_35 = arith.constant 0 : index
    %get3A_36 = arith.constant 0 : index
    %get3A_37 = vector.load %arg4[%get3A_35, %get3A_36] : memref<5000x128xf32, #tpu.memory_space<vmem>>, vector<5000x128xf32>
    %dot_general3A_38 = arith.constant dense<0.000000e+00> : vector<16x128xf32>
    %dot_general3A_39 = tpu.matmul %get3A_1, %get3A_37, %dot_general3A_38 {dimension_numbers = #tpu.dot_dimension_numbers<[0], [0], [1], [1], [0, 1, 1, 1], [], []>, transpose_lhs_hint = false} : vector<5000x16xf32>, vector<5000x128xf32>, vector<16x128xf32> -> vector<16x128xf32>
    %mul3A_40 = arith.mulf %get3A_37, %get3A_37 : vector<5000x128xf32>
    %dot_general3A_41 = arith.constant dense<0.000000e+00> : vector<16x128xf32>
    %dot_general3A_42 = tpu.matmul %mul3A_18, %mul3A_40, %dot_general3A_41 {dimension_numbers = #tpu.dot_dimension_numbers<[0], [0], [1], [1], [0, 1, 1, 1], [], []>, transpose_lhs_hint = false} : vector<5000x16xf32>, vector<5000x128xf32>, vector<16x128xf32> -> vector<16x128xf32>
    %mul3A_43 = arith.mulf %get3A_37, %get3A_37 : vector<5000x128xf32>
    %reduce_sum3A_44 = arith.constant dense<0.000000e+00> : vector<5000xf32>
    %reduce_sum3A_45 = vector.multi_reduction <add>, %mul3A_43, %reduce_sum3A_44 [1] : vector<5000x128xf32> to vector<5000xf32>
    %sqrt3A_46 = math.sqrt %reduce_sum3A_45 : vector<5000xf32>
    %reduce_sum3A_47 = vector.shape_cast %sqrt3A_46 : vector<5000xf32> to vector<1x5000xf32>
    %reduce_sum3A_48 = arith.constant dense<0.000000e+00> : vector<1xf32>
    %reduce_sum3A_49 = vector.multi_reduction <add>, %reduce_sum3A_47, %reduce_sum3A_48 [1] : vector<1x5000xf32> to vector<1xf32>
    %reduce_sum3A_50 = vector.shape_cast %reduce_sum3A_49 : vector<1xf32> to vector<1x1xf32>
    %reduce_sum3A_51 = vector.extract %reduce_sum3A_50[0, 0] : f32 from vector<1x1xf32>
    %get3A_52 = arith.constant 0 : index
    %get3A_53 = arith.constant 0 : index
    %get3A_54 = vector.load %arg5[%get3A_52, %get3A_53] : memref<5000x128xf32, #tpu.memory_space<vmem>>, vector<5000x128xf32>
    %dot_general3A_55 = arith.constant dense<0.000000e+00> : vector<16x128xf32>
    %dot_general3A_56 = tpu.matmul %get3A_1, %get3A_54, %dot_general3A_55 {dimension_numbers = #tpu.dot_dimension_numbers<[0], [0], [1], [1], [0, 1, 1, 1], [], []>, transpose_lhs_hint = false} : vector<5000x16xf32>, vector<5000x128xf32>, vector<16x128xf32> -> vector<16x128xf32>
    %mul3A_57 = arith.mulf %get3A_54, %get3A_54 : vector<5000x128xf32>
    %dot_general3A_58 = arith.constant dense<0.000000e+00> : vector<16x128xf32>
    %dot_general3A_59 = tpu.matmul %mul3A_18, %mul3A_57, %dot_general3A_58 {dimension_numbers = #tpu.dot_dimension_numbers<[0], [0], [1], [1], [0, 1, 1, 1], [], []>, transpose_lhs_hint = false} : vector<5000x16xf32>, vector<5000x128xf32>, vector<16x128xf32> -> vector<16x128xf32>
    %mul3A_60 = arith.mulf %get3A_54, %get3A_54 : vector<5000x128xf32>
    %reduce_sum3A_61 = arith.constant dense<0.000000e+00> : vector<5000xf32>
    %reduce_sum3A_62 = vector.multi_reduction <add>, %mul3A_60, %reduce_sum3A_61 [1] : vector<5000x128xf32> to vector<5000xf32>
    %sqrt3A_63 = math.sqrt %reduce_sum3A_62 : vector<5000xf32>
    %reduce_sum3A_64 = vector.shape_cast %sqrt3A_63 : vector<5000xf32> to vector<1x5000xf32>
    %reduce_sum3A_65 = arith.constant dense<0.000000e+00> : vector<1xf32>
    %reduce_sum3A_66 = vector.multi_reduction <add>, %reduce_sum3A_64, %reduce_sum3A_65 [1] : vector<1x5000xf32> to vector<1xf32>
    %reduce_sum3A_67 = vector.shape_cast %reduce_sum3A_66 : vector<1xf32> to vector<1x1xf32>
    %reduce_sum3A_68 = vector.extract %reduce_sum3A_67[0, 0] : f32 from vector<1x1xf32>
    %get3A_69 = arith.constant 0 : index
    %get3A_70 = arith.constant 0 : index
    %get3A_71 = vector.load %arg7[%get3A_69, %get3A_70] : memref<48x128xf32, #tpu.memory_space<vmem>>, vector<48x128xf32>
    %concatenate3A_72 = tpu.concatenate %dot_general3A_22, %dot_general3A_39, %dot_general3A_56 in 0 : vector<16x128xf32>, vector<16x128xf32>, vector<16x128xf32> -> vector<48x128xf32>
    %add3A = arith.addf %get3A_71, %concatenate3A_72 : vector<48x128xf32>
    %swap3A_73 = arith.constant 0 : index
    %swap3A_74 = arith.constant 0 : index
    %swap3A_75 = vector.load %arg7[%swap3A_73, %swap3A_74] : memref<48x128xf32, #tpu.memory_space<vmem>>, vector<48x128xf32>
    tpu.vector_store %arg7[%swap3A_73, %swap3A_74], %add3A {strides = array<i32>} : memref<48x128xf32, #tpu.memory_space<vmem>>, vector<48x128xf32>,
    %get3A_76 = arith.constant 0 : index
    %get3A_77 = arith.constant 0 : index
    %get3A_78 = vector.load %arg8[%get3A_76, %get3A_77] : memref<48x128xf32, #tpu.memory_space<vmem>>, vector<48x128xf32>
    %concatenate3A_79 = tpu.concatenate %dot_general3A_25, %dot_general3A_42, %dot_general3A_59 in 0 : vector<16x128xf32>, vector<16x128xf32>, vector<16x128xf32> -> vector<48x128xf32>
    %add3A_80 = arith.addf %get3A_78, %concatenate3A_79 : vector<48x128xf32>
    %swap3A_81 = arith.constant 0 : index
    %swap3A_82 = arith.constant 0 : index
    %swap3A_83 = vector.load %arg8[%swap3A_81, %swap3A_82] : memref<48x128xf32, #tpu.memory_space<vmem>>, vector<48x128xf32>
    tpu.vector_store %arg8[%swap3A_81, %swap3A_82], %add3A_80 {strides = array<i32>} : memref<48x128xf32, #tpu.memory_space<vmem>>, vector<48x128xf32>,
    %reduce_sum3A_84 = arith.constant dense<0.000000e+00> : vector<16xf32>
    %reduce_sum3A_85 = vector.multi_reduction <add>, %get3A_1, %reduce_sum3A_84 [0] : vector<5000x16xf32> to vector<16xf32>
    %broadcast_in_dim3A_86 = vector.shape_cast %reduce_sum3A_85 : vector<16xf32> to vector<1x16xf32>
    %broadcast_in_dim3A_87 = arith.constant 0.000000e+00 : f32
    %broadcast_in_dim3A_88 = vector.broadcast %broadcast_in_dim3A_87 : f32 to vector<1x112xf32>
    %concatenate3A_89 = tpu.concatenate %broadcast_in_dim3A_86, %broadcast_in_dim3A_88 in 1 : vector<1x16xf32>, vector<1x112xf32> -> vector<1x128xf32>
    %iota3A = tpu.iota {dimensions = array<i32: 1>} : vector<1x128xi32>
    %eq3A_90 = arith.constant 0 : i32
    %eq3A_91 = vector.broadcast %eq3A_90 : i32 to vector<1x128xi32>
    %eq3A_92 = arith.cmpi eq, %iota3A, %eq3A_91 : vector<1x128xi32>
    %jit3A = arith.constant 0.000000e+00 : f32
    %broadcast_in_dim3A_93 = vector.broadcast %reduce_sum3A_34 : f32 to vector<1x128xf32>
    %broadcast_in_dim3A_94 = vector.broadcast %jit3A : f32 to vector<1x128xf32>
    %select_n3A = arith.select %eq3A_92, %broadcast_in_dim3A_93, %broadcast_in_dim3A_94 : vector<1x128xi1>, vector<1x128xf32>
    %eq3A_95 = arith.constant 1 : i32
    %eq3A_96 = vector.broadcast %eq3A_95 : i32 to vector<1x128xi32>
    %eq3A_97 = arith.cmpi eq, %iota3A, %eq3A_96 : vector<1x128xi32>
    %jit3A_98 = arith.constant 0.000000e+00 : f32
    %broadcast_in_dim3A_99 = vector.broadcast %reduce_sum3A_51 : f32 to vector<1x128xf32>
    %broadcast_in_dim3A_100 = vector.broadcast %jit3A_98 : f32 to vector<1x128xf32>
    %select_n3A_101 = arith.select %eq3A_97, %broadcast_in_dim3A_99, %broadcast_in_dim3A_100 : vector<1x128xi1>, vector<1x128xf32>
    %add3A_102 = arith.addf %select_n3A, %select_n3A_101 : vector<1x128xf32>
    %eq3A_103 = arith.constant 2 : i32
    %eq3A_104 = vector.broadcast %eq3A_103 : i32 to vector<1x128xi32>
    %eq3A_105 = arith.cmpi eq, %iota3A, %eq3A_104 : vector<1x128xi32>
    %jit3A_106 = arith.constant 0.000000e+00 : f32
    %broadcast_in_dim3A_107 = vector.broadcast %reduce_sum3A_68 : f32 to vector<1x128xf32>
    %broadcast_in_dim3A_108 = vector.broadcast %jit3A_106 : f32 to vector<1x128xf32>
    %select_n3A_109 = arith.select %eq3A_105, %broadcast_in_dim3A_107, %broadcast_in_dim3A_108 : vector<1x128xi1>, vector<1x128xf32>
    %add3A_110 = arith.addf %add3A_102, %select_n3A_109 : vector<1x128xf32>
    %get3A_111 = arith.constant 0 : index
    %get3A_112 = arith.constant 0 : index
    %get3A_113 = vector.load %arg9[%get3A_111, %get3A_112] : memref<8x128xf32, #tpu.memory_space<vmem>>, vector<8x128xf32>
    %broadcast_in_dim3A_114 = arith.constant 0.000000e+00 : f32
    %broadcast_in_dim3A_115 = vector.broadcast %broadcast_in_dim3A_114 : f32 to vector<6x128xf32>
    %concatenate3A_116 = tpu.concatenate %concatenate3A_89, %add3A_110, %broadcast_in_dim3A_115 in 0 : vector<1x128xf32>, vector<1x128xf32>, vector<6x128xf32> -> vector<8x128xf32>
    %add3A_117 = arith.addf %get3A_113, %concatenate3A_116 : vector<8x128xf32>
    %swap3A_118 = arith.constant 0 : index
    %swap3A_119 = arith.constant 0 : index
    %swap3A_120 = vector.load %arg9[%swap3A_118, %swap3A_119] : memref<8x128xf32, #tpu.memory_space<vmem>>, vector<8x128xf32>
    tpu.vector_store %arg9[%swap3A_118, %swap3A_119], %add3A_117 {strides = array<i32>} : memref<8x128xf32, #tpu.memory_space<vmem>>, vector<8x128xf32>,
    return
  }
  func.func @transform_0(%arg0: i32) -> (i32, i32) {
    %c0_i32 = arith.constant 0 : i32
    %c0_i32_0 = arith.constant 0 : i32
    return %arg0, %c0_i32 : i32, i32
  }
  func.func @transform_1(%arg0: i32) -> (i32, i32) {
    %c0_i32 = arith.constant 0 : i32
    %c0_i32_0 = arith.constant 0 : i32
    return %arg0, %c0_i32 : i32, i32
  }
  func.func @transform_2(%arg0: i32) -> (i32, i32) {
    %c0_i32 = arith.constant 0 : i32
    %c0_i32_0 = arith.constant 0 : i32
    return %arg0, %c0_i32 : i32, i32
  }
  func.func @transform_3(%arg0: i32) -> (i32, i32) {
    %c0_i32 = arith.constant 0 : i32
    %c0_i32_0 = arith.constant 0 : i32
    return %arg0, %c0_i32 : i32, i32
  }
  func.func @transform_4(%arg0: i32) -> (i32, i32) {
    %c0_i32 = arith.constant 0 : i32
    %c0_i32_0 = arith.constant 0 : i32
    return %arg0, %c0_i32 : i32, i32
  }
  func.func @transform_5(%arg0: i32) -> (i32, i32) {
    %c0_i32 = arith.constant 0 : i32
    %c0_i32_0 = arith.constant 0 : i32
    return %arg0, %c0_i32 : i32, i32
  }
  func.func @transform_6(%arg0: i32) -> (i32, i32) {
    %c0_i32 = arith.constant 0 : i32
    %c0_i32_0 = arith.constant 0 : i32
    %c0_i32_1 = arith.constant 0 : i32
    return %c0_i32, %c0_i32_0 : i32, i32
  }
  func.func @transform_7(%arg0: i32) -> (i32, i32) {
    %c0_i32 = arith.constant 0 : i32
    %c0_i32_0 = arith.constant 0 : i32
    %c0_i32_1 = arith.constant 0 : i32
    return %c0_i32, %c0_i32_0 : i32, i32
  }
  func.func @transform_8(%arg0: i32) -> (i32, i32) {
    %c0_i32 = arith.constant 0 : i32
    %c0_i32_0 = arith.constant 0 : i32
    %c0_i32_1 = arith.constant 0 : i32
    return %c0_i32, %c0_i32_0 : i32, i32
  }
}

module attributes {stable_mosaic.version = 14 : i64} {
  func.func @_combine_body(%arg0: i32, %arg1: memref<2x2000x32xbf16, #tpu.memory_space<vmem>>, %arg2: memref<2000x16xf32, #tpu.memory_space<vmem>>, %arg3: memref<48x128xf32, #tpu.memory_space<vmem>>, %arg4: memref<48x128xf32, #tpu.memory_space<vmem>>, %arg5: memref<8x128xf32, #tpu.memory_space<vmem>>, %arg6: memref<1x1xf32, #tpu.memory_space<vmem>>, %arg7: memref<1x16xf32, #tpu.memory_space<vmem>>) attributes {dimension_semantics = [#tpu.dimension_semantics<arbitrary>], iteration_bounds = array<i64: 5>, scalar_prefetch = 0 : i64, scratch_operands = 1 : i64, tpu.core_type = #tpu.core_type<tc>, window_params = [{transform_indices = @transform_0, window_bounds = array<i64: 2, 2000, 32>}, {transform_indices = @transform_1, window_bounds = array<i64: 2000, 16>}, {pipeline_mode = #tpu.pipeline_mode<synchronous>, transform_indices = @transform_2, window_bounds = array<i64: 48, 128>}, {pipeline_mode = #tpu.pipeline_mode<synchronous>, transform_indices = @transform_3, window_bounds = array<i64: 48, 128>}, {pipeline_mode = #tpu.pipeline_mode<synchronous>, transform_indices = @transform_4, window_bounds = array<i64: 8, 128>}, {pipeline_mode = #tpu.pipeline_mode<synchronous>, transform_indices = @transform_5, window_bounds = array<i64: 1, 1>}]} {
    %eq3A = arith.constant 0 : i32
    %eq3A_0 = arith.cmpi eq, %arg0, %eq3A : i32
    %convert_element_type3A = arith.extui %eq3A_0 : i1 to i32
    %cond3A = arith.constant 0 : i32
    %cond3A_1 = arith.cmpi ne, %convert_element_type3A, %cond3A : i32
    scf.if %cond3A_1 {
      %broadcast_in_dim3A_55 = arith.constant 0.000000e+00 : f32
      %broadcast_in_dim3A_56 = vector.broadcast %broadcast_in_dim3A_55 : f32 to vector<1x16xf32>
      %swap3A_57 = arith.constant 0 : index
      %swap3A_58 = arith.constant 0 : index
      %swap3A_59 = vector.load %arg7[%swap3A_57, %swap3A_58] : memref<1x16xf32, #tpu.memory_space<vmem>>, vector<1x16xf32>
      tpu.vector_store %arg7[%swap3A_57, %swap3A_58], %broadcast_in_dim3A_56 {strides = array<i32>} : memref<1x16xf32, #tpu.memory_space<vmem>>, vector<1x16xf32>,
    } else {
    }
    %get3A = arith.constant 0 : index
    %get3A_2 = arith.constant 0 : index
    %get3A_3 = arith.constant 0 : index
    %get3A_4 = vector.load %arg1[%get3A, %get3A_2, %get3A_3] : memref<2x2000x32xbf16, #tpu.memory_space<vmem>>, vector<2x2000x32xbf16>
    %convert_element_type3A_5 = arith.extf %get3A_4 : vector<2x2000x32xbf16> to vector<2x2000x32xf32>
    %slice3A = vector.extract_strided_slice %convert_element_type3A_5 {offsets = [0, 0, 0], sizes = [1, 2000, 32], strides = [1, 1, 1]} : vector<2x2000x32xf32> to vector<1x2000x32xf32>
    %squeeze3A = vector.shape_cast %slice3A : vector<1x2000x32xf32> to vector<2000x32xf32>
    %slice3A_6 = vector.extract_strided_slice %convert_element_type3A_5 {offsets = [1, 0, 0], sizes = [1, 2000, 32], strides = [1, 1, 1]} : vector<2x2000x32xf32> to vector<1x2000x32xf32>
    %squeeze3A_7 = vector.shape_cast %slice3A_6 : vector<1x2000x32xf32> to vector<2000x32xf32>
    %add3A = arith.addf %squeeze3A, %squeeze3A_7 : vector<2000x32xf32>
    %iota3A = tpu.iota {dimensions = array<i32: 1>} : vector<2000x32xi32>
    %jit3A = arith.constant 2 : i32
    %eq3A_8 = arith.constant 0 : i32
    %eq3A_9 = arith.cmpi eq, %jit3A, %eq3A_8 : i32
    %jit3A_10 = arith.constant 1 : i32
    %select_n3A = arith.select %eq3A_9, %jit3A_10, %jit3A : i32
    %rem3A = vector.broadcast %select_n3A : i32 to vector<2000x32xi32>
    %rem3A_11 = arith.remsi %iota3A, %rem3A : vector<2000x32xi32>
    %ne3A = arith.constant 0 : i32
    %ne3A_12 = vector.broadcast %ne3A : i32 to vector<2000x32xi32>
    %ne3A_13 = arith.cmpi ne, %rem3A_11, %ne3A_12 : vector<2000x32xi32>
    %lt3A = arith.constant 0 : i32
    %lt3A_14 = vector.broadcast %lt3A : i32 to vector<2000x32xi32>
    %lt3A_15 = arith.cmpi slt, %rem3A_11, %lt3A_14 : vector<2000x32xi32>
    %lt3A_16 = arith.constant 0 : i32
    %lt3A_17 = arith.cmpi slt, %select_n3A, %lt3A_16 : i32
    %ne3A_18 = vector.broadcast %lt3A_17 : i1 to vector<2000x32xi1>
    %ne3A_19 = vector.broadcast %ne3A_18 : vector<2000x32xi1> to vector<2000x32xi1>
    %ne3A_20 = arith.xori %lt3A_15, %ne3A_19 : vector<2000x32xi1>
    %and3A = arith.andi %ne3A_20, %ne3A_13 : vector<2000x32xi1>
    %add3A_21 = vector.broadcast %select_n3A : i32 to vector<2000x32xi32>
    %add3A_22 = arith.addi %rem3A_11, %add3A_21 : vector<2000x32xi32>
    %select_n3A_23 = arith.select %and3A, %add3A_22, %rem3A_11 : vector<2000x32xi1>, vector<2000x32xi32>
    %eq3A_24 = arith.constant 0 : i32
    %eq3A_25 = vector.broadcast %eq3A_24 : i32 to vector<2000x32xi32>
    %eq3A_26 = arith.cmpi eq, %select_n3A_23, %eq3A_25 : vector<2000x32xi32>
    %jit3A_27 = arith.constant 0.000000e+00 : f32
    %broadcast_in_dim3A = vector.broadcast %jit3A_27 : f32 to vector<2000x32xf32>
    %select_n3A_28 = arith.select %eq3A_26, %add3A, %broadcast_in_dim3A : vector<2000x32xi1>, vector<2000x32xf32>
    %reduce_sum3A = arith.constant dense<0.000000e+00> : vector<2000xf32>
    %reduce_sum3A_29 = vector.multi_reduction <add>, %select_n3A_28, %reduce_sum3A [1] : vector<2000x32xf32> to vector<2000xf32>
    %broadcast_in_dim3A_30 = vector.shape_cast %reduce_sum3A_29 : vector<2000xf32> to vector<2000x1xf32>
    %jit3A_31 = arith.constant 0.000000e+00 : f32
    %broadcast_in_dim3A_32 = vector.broadcast %jit3A_31 : f32 to vector<2000x32xf32>
    %select_n3A_33 = arith.select %eq3A_26, %broadcast_in_dim3A_32, %add3A : vector<2000x32xi1>, vector<2000x32xf32>
    %reduce_sum3A_34 = arith.constant dense<0.000000e+00> : vector<2000xf32>
    %reduce_sum3A_35 = vector.multi_reduction <add>, %select_n3A_33, %reduce_sum3A_34 [1] : vector<2000x32xf32> to vector<2000xf32>
    %broadcast_in_dim3A_36 = vector.shape_cast %reduce_sum3A_35 : vector<2000xf32> to vector<2000x1xf32>
    %add3A_37 = arith.constant 9.99999993E-9 : f32
    %add3A_38 = vector.broadcast %add3A_37 : f32 to vector<2000x1xf32>
    %add3A_39 = arith.addf %broadcast_in_dim3A_36, %add3A_38 : vector<2000x1xf32>
    %div3A = arith.divf %broadcast_in_dim3A_30, %add3A_39 : vector<2000x1xf32>
    %get3A_40 = arith.constant 0 : index
    %get3A_41 = arith.constant 0 : index
    %get3A_42 = vector.load %arg7[%get3A_40, %get3A_41] : memref<1x16xf32, #tpu.memory_space<vmem>>, vector<1x16xf32>
    %get3A_43 = arith.constant 0 : index
    %get3A_44 = arith.constant 0 : index
    %get3A_45 = vector.load %arg2[%get3A_43, %get3A_44] : memref<2000x16xf32, #tpu.memory_space<vmem>>, vector<2000x16xf32>
    %dot_general3A = arith.constant dense<0.000000e+00> : vector<1x16xf32>
    %dot_general3A_46 = tpu.matmul %div3A, %get3A_45, %dot_general3A {dimension_numbers = #tpu.dot_dimension_numbers<[0], [0], [1], [1], [0, 1, 1, 1], [], []>, transpose_lhs_hint = false} : vector<2000x1xf32>, vector<2000x16xf32>, vector<1x16xf32> -> vector<1x16xf32>
    %add3A_47 = arith.addf %get3A_42, %dot_general3A_46 : vector<1x16xf32>
    %swap3A = arith.constant 0 : index
    %swap3A_48 = arith.constant 0 : index
    %swap3A_49 = vector.load %arg7[%swap3A, %swap3A_48] : memref<1x16xf32, #tpu.memory_space<vmem>>, vector<1x16xf32>
    tpu.vector_store %arg7[%swap3A, %swap3A_48], %add3A_47 {strides = array<i32>} : memref<1x16xf32, #tpu.memory_space<vmem>>, vector<1x16xf32>,
    %eq3A_50 = arith.constant 4 : i32
    %eq3A_51 = arith.cmpi eq, %arg0, %eq3A_50 : i32
    %convert_element_type3A_52 = arith.extui %eq3A_51 : i1 to i32
    %cond3A_53 = arith.constant 0 : i32
    %cond3A_54 = arith.cmpi ne, %convert_element_type3A_52, %cond3A_53 : i32
    scf.if %cond3A_54 {
      %get3A_55 = arith.constant 0 : index
      %get3A_56 = arith.constant 0 : index
      %get3A_57 = vector.load %arg3[%get3A_55, %get3A_56] : memref<48x128xf32, #tpu.memory_space<vmem>>, vector<48x128xf32>
      %get3A_58 = arith.constant 0 : index
      %get3A_59 = arith.constant 0 : index
      %get3A_60 = vector.load %arg4[%get3A_58, %get3A_59] : memref<48x128xf32, #tpu.memory_space<vmem>>, vector<48x128xf32>
      %mul3A = arith.mulf %get3A_57, %get3A_57 : vector<48x128xf32>
      %mul3A_61 = arith.constant 9.99999974E-5 : f32
      %mul3A_62 = vector.broadcast %mul3A_61 : f32 to vector<48x128xf32>
      %mul3A_63 = arith.mulf %mul3A, %mul3A_62 : vector<48x128xf32>
      %sub3A = arith.subf %get3A_60, %mul3A_63 : vector<48x128xf32>
      %mul3A_64 = arith.constant 1.000100e-04 : f32
      %mul3A_65 = vector.broadcast %mul3A_64 : f32 to vector<48x128xf32>
      %mul3A_66 = arith.mulf %sub3A, %mul3A_65 : vector<48x128xf32>
      %reduce_sum3A_67 = arith.constant dense<0.000000e+00> : vector<48xf32>
      %reduce_sum3A_68 = vector.multi_reduction <add>, %mul3A_66, %reduce_sum3A_67 [1] : vector<48x128xf32> to vector<48xf32>
      %broadcast_in_dim3A_69 = vector.shape_cast %reduce_sum3A_68 : vector<48xf32> to vector<48x1xf32>
      %div3A_70 = arith.constant 1.280000e+02 : f32
      %div3A_71 = vector.broadcast %div3A_70 : f32 to vector<48x1xf32>
      %div3A_72 = arith.divf %broadcast_in_dim3A_69, %div3A_71 : vector<48x1xf32>
      %broadcast_in_dim3A_73 = arith.constant 1.000000e+00 : f32
      %broadcast_in_dim3A_74 = vector.broadcast %broadcast_in_dim3A_73 : f32 to vector<16x1xf32>
      %broadcast_in_dim3A_75 = arith.constant 5.000000e-01 : f32
      %broadcast_in_dim3A_76 = vector.broadcast %broadcast_in_dim3A_75 : f32 to vector<16x1xf32>
      %broadcast_in_dim3A_77 = arith.constant 2.500000e-01 : f32
      %broadcast_in_dim3A_78 = vector.broadcast %broadcast_in_dim3A_77 : f32 to vector<16x1xf32>
      %concatenate3A = tpu.concatenate %broadcast_in_dim3A_74, %broadcast_in_dim3A_76, %broadcast_in_dim3A_78 in 0 : vector<16x1xf32>, vector<16x1xf32>, vector<16x1xf32> -> vector<48x1xf32>
      %add3A_79 = arith.constant 9.99999993E-9 : f32
      %add3A_80 = vector.broadcast %add3A_79 : f32 to vector<48x1xf32>
      %add3A_81 = arith.addf %div3A_72, %add3A_80 : vector<48x1xf32>
      %div3A_82 = arith.divf %concatenate3A, %add3A_81 : vector<48x1xf32>
      %reduce_sum3A_83 = vector.shape_cast %div3A_82 : vector<48x1xf32> to vector<1x48x1xf32>
      %reduce_sum3A_84 = arith.constant dense<0.000000e+00> : vector<1xf32>
      %reduce_sum3A_85 = vector.multi_reduction <add>, %reduce_sum3A_83, %reduce_sum3A_84 [1, 2] : vector<1x48x1xf32> to vector<1xf32>
      %reduce_sum3A_86 = vector.shape_cast %reduce_sum3A_85 : vector<1xf32> to vector<1x1x1xf32>
      %reduce_sum3A_87 = vector.extract %reduce_sum3A_86[0, 0, 0] : f32 from vector<1x1x1xf32>
      %div3A_88 = arith.constant 1.600000e+01 : f32
      %div3A_89 = arith.divf %reduce_sum3A_87, %div3A_88 : f32
      %get3A_90 = arith.constant 0 : index
      %get3A_91 = arith.constant 0 : index
      %get3A_92 = vector.load %arg5[%get3A_90, %get3A_91] : memref<8x128xf32, #tpu.memory_space<vmem>>, vector<8x128xf32>
      %slice3A_93 = vector.extract_strided_slice %get3A_92 {offsets = [0, 0], sizes = [1, 16], strides = [1, 1]} : vector<8x128xf32> to vector<1x16xf32>
      %get3A_94 = arith.constant 0 : index
      %get3A_95 = arith.constant 0 : index
      %get3A_96 = vector.load %arg7[%get3A_94, %get3A_95] : memref<1x16xf32, #tpu.memory_space<vmem>>, vector<1x16xf32>
      %add3A_97 = arith.constant 9.99999993E-9 : f32
      %add3A_98 = vector.broadcast %add3A_97 : f32 to vector<1x16xf32>
      %add3A_99 = arith.addf %slice3A_93, %add3A_98 : vector<1x16xf32>
      %div3A_100 = arith.divf %get3A_96, %add3A_99 : vector<1x16xf32>
      %reduce_sum3A_101 = vector.shape_cast %div3A_100 : vector<1x16xf32> to vector<1x1x16xf32>
      %reduce_sum3A_102 = arith.constant dense<0.000000e+00> : vector<1xf32>
      %reduce_sum3A_103 = vector.multi_reduction <add>, %reduce_sum3A_101, %reduce_sum3A_102 [1, 2] : vector<1x1x16xf32> to vector<1xf32>
      %reduce_sum3A_104 = vector.shape_cast %reduce_sum3A_103 : vector<1xf32> to vector<1x1x1xf32>
      %reduce_sum3A_105 = vector.extract %reduce_sum3A_104[0, 0, 0] : f32 from vector<1x1x1xf32>
      %div3A_106 = arith.constant 1.600000e+01 : f32
      %div3A_107 = arith.divf %reduce_sum3A_105, %div3A_106 : f32
      %slice3A_108 = vector.extract_strided_slice %get3A_92 {offsets = [1, 0], sizes = [1, 1], strides = [1, 1]} : vector<8x128xf32> to vector<1x1xf32>
      %squeeze3A_109 = vector.extract %slice3A_108[0, 0] : f32 from vector<1x1xf32>
      %div3A_110 = arith.constant 1.000000e+04 : f32
      %div3A_111 = arith.divf %squeeze3A_109, %div3A_110 : f32
      %slice3A_112 = vector.extract_strided_slice %get3A_92 {offsets = [1, 1], sizes = [1, 1], strides = [1, 1]} : vector<8x128xf32> to vector<1x1xf32>
      %squeeze3A_113 = vector.extract %slice3A_112[0, 0] : f32 from vector<1x1xf32>
      %div3A_114 = arith.constant 1.000000e+04 : f32
      %div3A_115 = arith.divf %squeeze3A_113, %div3A_114 : f32
      %slice3A_116 = vector.extract_strided_slice %get3A_92 {offsets = [1, 2], sizes = [1, 1], strides = [1, 1]} : vector<8x128xf32> to vector<1x1xf32>
      %squeeze3A_117 = vector.extract %slice3A_116[0, 0] : f32 from vector<1x1xf32>
      %div3A_118 = arith.constant 1.000000e+04 : f32
      %div3A_119 = arith.divf %squeeze3A_117, %div3A_118 : f32
      %sub3A_120 = arith.subf %div3A_115, %div3A_111 : f32
      %max3A = arith.constant 0.000000e+00 : f32
      %max3A_121 = arith.maximumf %sub3A_120, %max3A : f32
      %sub3A_122 = arith.subf %div3A_119, %div3A_115 : f32
      %max3A_123 = arith.constant 0.000000e+00 : f32
      %max3A_124 = arith.maximumf %sub3A_122, %max3A_123 : f32
      %add3A_125 = arith.addf %max3A_121, %max3A_124 : f32
      %mul3A_126 = arith.constant 5.000000e-01 : f32
      %mul3A_127 = arith.mulf %mul3A_126, %div3A_107 : f32
      %add3A_128 = arith.addf %div3A_89, %mul3A_127 : f32
      %add3A_129 = arith.addf %add3A_128, %add3A_125 : f32
      %broadcast_in_dim3A_130 = vector.broadcast %add3A_129 : f32 to vector<1x1xf32>
      %swap3A_131 = arith.constant 0 : index
      %swap3A_132 = arith.constant 0 : index
      %swap3A_133 = vector.load %arg6[%swap3A_131, %swap3A_132] : memref<1x1xf32, #tpu.memory_space<vmem>>, vector<1x1xf32>
      tpu.vector_store %arg6[%swap3A_131, %swap3A_132], %broadcast_in_dim3A_130 {strides = array<i32>} : memref<1x1xf32, #tpu.memory_space<vmem>>, vector<1x1xf32>,
    } else {
    }
    return
  }
  func.func @transform_0(%arg0: i32) -> (i32, i32, i32) {
    %c0_i32 = arith.constant 0 : i32
    %c0_i32_0 = arith.constant 0 : i32
    %c0_i32_1 = arith.constant 0 : i32
    return %c0_i32, %arg0, %c0_i32_0 : i32, i32, i32
  }
  func.func @transform_1(%arg0: i32) -> (i32, i32) {
    %c0_i32 = arith.constant 0 : i32
    %c0_i32_0 = arith.constant 0 : i32
    return %arg0, %c0_i32 : i32, i32
  }
  func.func @transform_2(%arg0: i32) -> (i32, i32) {
    %c0_i32 = arith.constant 0 : i32
    %c0_i32_0 = arith.constant 0 : i32
    %c0_i32_1 = arith.constant 0 : i32
    return %c0_i32, %c0_i32_0 : i32, i32
  }
  func.func @transform_3(%arg0: i32) -> (i32, i32) {
    %c0_i32 = arith.constant 0 : i32
    %c0_i32_0 = arith.constant 0 : i32
    %c0_i32_1 = arith.constant 0 : i32
    return %c0_i32, %c0_i32_0 : i32, i32
  }
  func.func @transform_4(%arg0: i32) -> (i32, i32) {
    %c0_i32 = arith.constant 0 : i32
    %c0_i32_0 = arith.constant 0 : i32
    %c0_i32_1 = arith.constant 0 : i32
    return %c0_i32, %c0_i32_0 : i32, i32
  }
  func.func @transform_5(%arg0: i32) -> (i32, i32) {
    %c0_i32 = arith.constant 0 : i32
    %c0_i32_0 = arith.constant 0 : i32
    %c0_i32_1 = arith.constant 0 : i32
    return %c0_i32, %c0_i32_0 : i32, i32
  }
}

</mosaic_0001>

<sc_bundles>
// kernel: kernel.5.cloned.1.call-start
scs
__scs_entry_jumppad:
0x0: {  	(pc) =	sbr.rel $0x88, $3  }
0x1: {  	(tag) =	ssettag $0x0;
	lr =	simm.s32 $0x1  }
0x2: {  	[smem:$0x3F9B] =	sst lr;
	_ =	strace $0xD0000000  }
0x3: {  	_ = 	snop  }
0x4: {  	_ = 	snop  }
0x5: {  	_ = 	snop  }
0x6: {  	_ = 	snop  }
0x7: {  	_ = 	snop  }
__scs_overlays_trampoline_lowered:
0x8: {  	[smem:$0x3FAA] =	sst s0  }
0x9: {  	[smem:$0x3FAB] =	sst s1  }
0xa: {  	[smem:$0x3FAC] =	sst s2  }
0xb: {  	[smem:$0x3FAD] =	sst s3  }
0xc: {  	[smem:$0x3FAE] =	sst s4  }
0xd: {  	[smem:$0x3FAF] =	sst s5  }
0xe: {  	[smem:$0x3FB0] =	sst s6  }
0xf: {  	[smem:$0x3FB1] =	sst s7  }
0x10: {  	[smem:$0x3FB2] =	sst s8  }
0x11: {  	[smem:$0x3FB3] =	sst s9;
	s0 =	simm.s32 @!p0 $0x0  }
0x12: {  	s1 =	sld [smem:$0x3F99];
	s0 =	simm.s32 @p0 $0x1  }
0x13: {  	[smem:$0x3FB4] =	sst s0;
	s0 =	simm.s32 @!p1 $0x0  }
0x14: {  	s2 =	sld [smem:$0x3F98];
	s0 =	simm.s32 @p1 $0x1  }
0x15: {  	[smem:$0x3FB5] =	sst s0;
	s0 =	simm.s32 @!p2 $0x0  }
0x16: {  	s3 =	sld [smem:$0x3FDB];
	s0 =	simm.s32 @p2 $0x1  }
0x17: {  	s4 =	simm.s32 $0x1BF5;
	[smem:$0x3FB7] =	sst s0  }
0x18: {  	s0 =	sld [smem:$0x3F9A];
	_ =	swait.ge [sflag:s4], $0x0  }
0x19: {  	s7 =	sld [smem:$0x3F9B]  }
0x1a: {  	s8 =	sadd.s32 $0xFFFFE003, lr  }
0x1b: {  	s9 =	sadd.s32 $0xFFFFFEF7, lr;
	s5 =	simm.s32 $0xFFFFFFFF;
	p2 =	slt.u32 s8, $0xFFFFF086  }
0x1c: {  	p1 =	slt.u32 s9, $0xF7A;
	s5 =	simm.s32 @!p2 $0x0  }
0x1d: {  	s5 =	simm.s32 @p1 $0x1;
	p0 =	seq.s32 s7, s2  }
0x1e: {  	s7 =	smul.u32 @!p0 $0xF7A, s2;
	p2 =	seq.s32 @!p0 s5, $0x0  }
0x1f: {  	s9 =	smul.u32 $0xF7A, s1;
	s8 =	simm.s32 @!p0 $0x1BF5;
	p2 =	por !p2, p0  }
0x20: {  	[sflag:s8] =	ssyncset.s32 @!p0 $0xFFFFF086;
	s6 =	sadd.s32 @!p0 s3, s7;
	s7 =	simm.s32 @!p0 $0x108  }
0x21: {  	s3 =	sadd.s32 s3, s9;
	s6 =	sadd.s32 @!p0 $0x88, s6;
	s7 =	simm.s32 @p2 $0x1082  }
0x22: {  	[simem:s7], [sflag:s8] =	dma.local @!p0 [hbm:s6], $0xF7A  }
0x23: {  	s9 =	sor.u32 $0xD0000000, s2;
	s6 =	simm.s32 $0x108;
	_ =	swait.ge @!p0 [sflag:s8], $0x0  }
0x24: {  	s3 =	sadd.s32 $0x88, s3;
	s6 =	simm.s32 @!p1 $0x1082;
	[sflag:s4] =	ssyncset.s32 $0xFFFFF086  }
0x25: {  	[simem:s6], [sflag:s4] =	dma.local [hbm:s3], $0xF7A  }
0x26: {  	[smem:$0x3F9B] =	sst s1;
	(tag) =	ssettag s2;
	_ =	strace s9  }
0x27: {  	s1 =	sld [smem:$0x3FAB]  }
0x28: {  	s2 =	sld [smem:$0x3FAC]  }
0x29: {  	s4 =	sld [smem:$0x3FAE]  }
0x2a: {  	p0 =	seq.s32 s5, $0x0;
	s5 =	sld [smem:$0x3FAF]  }
0x2b: {  	s6 =	sld [smem:$0x3FB0]  }
0x2c: {  	s7 =	sld [smem:$0x3FB1]  }
0x2d: {  	s3 =	simm.s32 $0x108;
	s8 =	sld [smem:$0x3FB2]  }
0x2e: {  	s3 =	simm.s32 @!p0 $0x1082;
	s9 =	sld [smem:$0x3FB3]  }
0x2f: {  	lr =	sadd.s32 s0, s3;
	s0 =	sld [smem:$0x3FAA]  }
0x30: {  	s3 =	sld [smem:$0x3FAD]  }
0x31: {  	[smem:$0x3FB6] =	sst s10  }
0x32: {  	s10 =	sld [smem:$0x3FB4];
	_ =	sdelay $0x3  }
0x33: {  	p0 =	seq.s32 s10, $0x1;
	s10 =	sld [smem:$0x3FB6];
	_ =	sdelay $0x3  }
0x34: {  	[smem:$0x3FB6] =	sst s10  }
0x35: {  	s10 =	sld [smem:$0x3FB5];
	_ =	sdelay $0x3  }
0x36: {  	p1 =	seq.s32 s10, $0x1;
	s10 =	sld [smem:$0x3FB6];
	_ =	sdelay $0x3  }
0x37: {  	[smem:$0x3FB6] =	sst s10  }
0x38: {  	s10 =	sld [smem:$0x3FB7]  }
0x39: {  	_ = 	snop;
	(pc) =	sbr.ind lr, $3  }
0x3a: {  	_ = 	snop  }
0x3b: {  	_ = 	snop  }
0x3c: {  	p2 =	seq.s32 s10, $0x1;
	s10 =	sld [smem:$0x3FB6]  }
0x3d: {  	_ =	shalt  }
0x3e: {  	_ =	shalt  }
0x3f: {  	_ =	shalt  }
0x40: {  	_ =	shalt  }
0x41: {  	_ =	shalt  }
0x42: {  	_ =	shalt  }
0x43: {  	_ =	shalt  }
0x44: {  	_ =	shalt  }
0x45: {  	_ =	shalt  }
0x46: {  	_ =	shalt  }
0x47: {  	_ =	shalt  }
0x48: {  	_ =	shalt  }
0x49: {  	_ =	shalt  }
0x4a: {  	_ =	shalt  }
0x4b: {  	_ =	shalt  }
0x4c: {  	_ =	shalt  }
0x4d: {  	_ =	shalt  }
0x4e: {  	_ =	shalt  }
0x4f: {  	_ =	shalt  }
0x50: {  	_ =	shalt  }
0x51: {  	_ =	shalt  }
0x52: {  	_ =	shalt  }
0x53: {  	_ =	shalt  }
0x54: {  	_ =	shalt  }
0x55: {  	_ =	shalt  }
0x56: {  	_ =	shalt  }
0x57: {  	_ =	shalt  }
0x58: {  	_ =	shalt  }
0x59: {  	_ =	shalt  }
0x5a: {  	_ =	shalt  }
0x5b: {  	_ =	shalt  }
0x5c: {  	_ =	shalt  }
0x5d: {  	_ =	shalt  }
0x5e: {  	_ =	shalt  }
0x5f: {  	_ =	shalt  }
0x60: {  	_ =	shalt  }
0x61: {  	_ =	shalt  }
0x62: {  	_ =	shalt  }
0x63: {  	_ =	shalt  }
0x64: {  	_ =	shalt  }
0x65: {  	_ =	shalt  }
0x66: {  	_ =	shalt  }
0x67: {  	_ =	shalt  }
0x68: {  	_ =	shalt  }
0x69: {  	_ =	shalt  }
0x6a: {  	_ =	shalt  }
0x6b: {  	_ =	shalt  }
0x6c: {  	_ =	shalt  }
0x6d: {  	_ =	shalt  }
0x6e: {  	_ =	shalt  }
0x6f: {  	_ =	shalt  }
0x70: {  	_ =	shalt  }
0x71: {  	_ =	shalt  }
0x72: {  	_ =	shalt  }
0x73: {  	_ =	shalt  }
0x74: {  	_ =	shalt  }
0x75: {  	_ =	shalt  }
0x76: {  	_ =	shalt  }
0x77: {  	_ =	shalt  }
0x78: {  	_ =	shalt  }
0x79: {  	_ =	shalt  }
0x7a: {  	_ =	shalt  }
0x7b: {  	_ =	shalt  }
0x7c: {  	_ =	shalt  }
0x7d: {  	_ =	shalt  }
0x7e: {  	_ =	shalt  }
0x7f: {  	_ =	shalt  }
0x80: {  	_ =	shalt  }
0x81: {  	_ =	shalt  }
0x82: {  	_ =	shalt  }
0x83: {  	_ =	shalt  }
0x84: {  	_ =	shalt  }
0x85: {  	_ =	shalt  }
0x86: {  	_ =	shalt  }
0x87: {  	_ =	shalt  }
.Lfunc_end0:
.L_simem_size_0:
called_computation_lowered:
.L_overlay_start_0:
0x88: {  	s2 =	sld [smem:$0x3FD9]  }
0x89: {  	s3 =	sld [smem:$0x3FFE];
	_ =	sdelay $0x1  }
0x8a: {  	s1 =	srdreg.scid  }
0x8b: {  	s0 =	sand.u32 $0x1, s1  }
0x8c: {  	s16 =	sshll.u32 s0, $0xA;
	s2 =	sadd.s32 s3, s2  }
0x8d: {  	s2 =	sadd.s32 s2, s16  }
0x8e: {  	[smem:$0x3FC2] =	sst s2  }
0x8f: {  	_ = 	snop  }
0x90: {  	(tm) =	ssettm $0x1  }
0x91: {  	s17 =	sld [smem:$0x3FFB];
	_ =	sdelay $0x3  }
0x92: {  	_ =	strace s17  }
0x93: {  	s2 =	sld [smem:$0x3FFC];
	_ =	sdelay $0x3  }
0x94: {  	_ =	strace s2  }
0x95: {  	s2 =	sld [smem:$0x3FFD];
	_ =	sdelay $0x3  }
0x96: {  	_ =	strace s2  }
0x97: {  	_ =	strace $0x8FFFFFFF  }
0x98: {  	s18 =	sld [smem:$0x3FDB];
	_ =	sdelay $0x1  }
0x99: {  	s19 =	simm.s32 $_scs_section_size  }
0x9a: {  	s4 =	simm.s32 $_size__tile_overlayer_lowered;
	s5 =	simm.s32 $_tile_overlayer_lowered  }
0x9b: {  	s22 =	simm.s32 $0x1BFF;
	s21 =	sshll.u32 s5, $0x1;
	s2 =	sadd.s32 s19, s18  }
0x9c: {  	s6 =	simm.s32 $0x0;
	s20 =	sshll.u32 s4, $0x1;
	s4 =	sadd.s32 s21, s2  }
0x9d: {  	[timem:s6], [sflag:s22] =	dma.local [hbm:s4], s20  }
0x9e: {  	_ =	swait.ge [sflag:s22], s20  }
0x9f: {  	s3 =	ssub.s32 $0x0, s20;
	[sflag:s22] =	ssyncset.done $0x0  }
0xa0: {  	[sflag:s22] =	ssyncadd.s32 s3;
	_ =	sdelay $0x1  }
0xa1: {  	s23 =	simm.s32 $0x1B8B  }
0xa2: {  	_ =	swait.ge [sflag:s23], $0x1  }
0xa3: {  	[sflag:s23] =	ssyncset.done $0x0  }
0xa4: {  	s25 =	simm.s32 $0x1B8E;
	s24 =	sld [smem:$0x3FFE];
	[sflag:s23] =	ssyncadd.s32 $0xFFFFFFFF  }
0xa5: {  	s26 =	simm.s32 $execute0_lowered;
	[smem:$0x3FD2] =	sst s25  }
0xa6: {  	s4 =	sshll.u32 s26, $0x1;
	_ =	strace $0x80000046;
	[dreg:$0x1] =	wrdreg $0xFFFFFFFF  }
0xa7: {  	s28 =	simm.s32 $_size_execute0_lowered;
	s2 =	sadd.s32 s2, s4;
	[dreg:$0x0] =	wrdreg $0x0  }
0xa8: {  	s4 =	sshll.u32 s28, $0x1;
	[dreg:$0x2] =	wrdreg s2  }
0xa9: {  	[dreg:$0x3] =	wrdreg s4  }
0xaa: {  	[dreg:$0x4] =	wrdreg $0xC0  }
0xab: {  	_ =	task [dreg:s6], $0x5FFFF  }
0xac: {  	[dreg:$0x1] =	wrdreg $0xFFFFFFFF  }
0xad: {  	[dreg:$0x0] =	wrdreg $0x60  }
0xae: {  	[dreg:$0x2] =	wrdreg s24  }
0xaf: {  	[dreg:$0x3] =	wrdreg $0xF3200  }
0xb0: {  	[dreg:$0x4] =	wrdreg $0x9  }
0xb1: {  	_ =	task.clear_ibuf [dreg:s6], $0x5FFFF;
	_ =	strace $0x90000046  }
0xb2: {  	s29 =	simm.s32 $0x9;
	_ =	strace $0x80000048  }
0xb3: {  	_ =	swait.ge [sflag:s29], $0x1  }
0xb4: {  	[sflag:s29] =	ssyncadd.s32 $0xFFFFFFFF  }
0xb5: {  	_ =	strace $0x90000048  }
0xb6: {  	_ =	sfence  }
0xb7: {  	s30 =	sld [smem:$0x0];
	_ =	sdelay $0x2  }
0xb8: {  	s31 =	sshll.u32 s1, $0xD;
	s1 =	sshrl.u32 s1, $0x2  }
0xb9: {  	s3 =	sand.u32 $0x4000, s31;
	s1 =	sadd.s32 s1, s30  }
0xba: {  	s0 =	sor.u32 s3, s0;
	s1 =	sshll.u32 s1, $0x11  }
0xbb: {  	s0 =	sor.u32 s1, s0  }
0xbc: {  	s0 =	sadd.s32 $0x8F2B, s0  }
0xbd: {  	[sflag:s0] =	ssyncadd.remote.s32 $0x1  }
0xbe: {  	_ =	sfence.sel $0xFFFF  }
0xbf: {  	[dreg:$0x0] =	wrdreg $0xFFFFFFFF;
	(pc) =	sbr.abs _section_cstart, $3  }
0xc0: {  	[dreg:$0x1] =	wrdreg $0xFFFFFFFF  }
0xc1: {  	_ =	task.clear_ibuf [dreg:s6], $0x2FFFF;
	_ =	strace $0x9FFFFFFF  }
0xc2: {  	(tm) =	ssettm $0x7FFFFFFF  }
0xc3: {  	_ =	shalt  }
tec
execute0_lowered:
.L_overlay_start_1:
0x0: {  	(tag) =	ssettag $0x1  }
0x1: {  	s0 =	rddreg [dreg:$0x0];
	s1 =	srdreg.scid  }
0x2: {  	s16 =	stileid.u32;
	s2 =	rddreg [dreg:$0x1];
	s3 =	simm.s32 $0x0  }
0x3: {  	s28 =	simm.s32 $0x3;
	s29 =	simm.s32 $0x2710;
	s30 =	simm.s32 $0xC8  }
0x4: {  	s31 =	simm.s32 $0x4E20;
	s1 =	sand.u32 $0x1, s1;
	s4 =	sshll.u32 s16, $0x1  }
0x5: {  	[smem:$0x7FF] =	sst s3;
	s10 =	smul.u32 $0x19000, s16;
	s5 =	sadd.s32 $0x2C800, s0  }
0x6: {  	s11 =	sadd.s32 $0x2E200, s0;
	s14 =	smul.u32 $0x280, s16;
	s20 =	sadd.s32 $0x17B00, s0  }
0x7: {  	s21 =	sadd.s32 $0xBD100, s2;
	_ =	strace $0x80000047;
	[dreg:$0x7] =	wrdreg s20  }
0x8: {  	s17 =	sshll.u32 s16, $0x6;
	s22 =	sadd.s32 $0x17E20, s0;
	[dreg:$0x8] =	wrdreg s21  }
0x9: {  	s23 =	sadd.s32 $0xBEA00, s2;
	s24 =	sadd.s32 $0x18140, s0;
	[dreg:$0x9] =	wrdreg s22  }
0xa: {  	s25 =	sadd.s32 $0xC0300, s2;
	s26 =	sadd.s32 $0x18460, s0;
	[dreg:$0xa] =	wrdreg s23  }
0xb: {  	p0 =	seq.s32 s16, $0xF;
	s4 =	sor.u32 s1, s4;
	[dreg:$0xb] =	wrdreg s24  }
0xc: {  	s6 =	ssub.s32 $0x2, s1;
	s1 =	smul.u32 $0x50000, s1;
	[dreg:$0xc] =	wrdreg s25  }
0xd: {  	[dreg:$0xd] =	wrdreg s26;
	s23 =	sadd.s32 $0x18780, s0;
	s26 =	sadd.s32 $0xC1C00, s2  }
0xe: {  	s20 =	simm.s32 $0x2580;
	s21 =	simm.s32 $0x2648;
	s22 =	simm.s32 $0xCB20  }
0xf: {  	s4 =	smul.u32 $0x4E2, s4;
	s7 =	sshrl.u32 s6, $0x1;
	s15 =	sshrl.u32 s10, $0x1  }
0x10: {  	s13 =	sshrl.u32 s10, $0x4;
	s10 =	sadd.s32 $0x3200, s10;
	s12 =	ssub.s32 s6, s7  }
0x11: {  	s6 =	sadd.s32 s15, s2;
	s7 =	sor.u32 $0x1C03, s17;
	s15 =	smul.u32 $0x5000, s16  }
0x12: {  	s18 =	sshrl.u32 s10, $0x1;
	s10 =	sshrl.u32 s10, $0x4;
	s9 =	sadd.s32 s4, s0  }
0x13: {  	s4 =	sadd.s32 $0x400, s0;
	s25 =	smax.u32 s12, $0x1;
	s0 =	simm.s32 $0x8CA0  }
0x14: {  	s12 =	simm.s32 $0xA5A0;
	s8 =	sadd.s32 $0x22A00, s9;
	s9 =	sadd.s32 $0x18C00, s9  }
0x15: {  	s13 =	sadd.s32 s4, s13;
	s15 =	sadd.s32 s15, s1;
	s10 =	sadd.s32 s4, s10  }
0x16: {  	s1 =	sshrl.u32 s1, $0x4;
	[dreg:$0x3] =	wrdreg s13;
	s13 =	sadd.s32 s18, s2  }
.Ltmp0:
0x17: {  	[dreg:$0x5] =	wrdreg s10;
	s19 =	sshrl.u32 s15, $0x4;
	(pc) =	sbr.rel .LBB2_1-.Ltmp0, $4  }
0x18: {  	s1 =	sadd.s32 s11, s1;
	s15 =	simm.s32 $0x0;
	[dreg:$0x4] =	wrdreg s13  }
0x19: {  	s13 =	sadd.s32 $0xA0, s14;
	s14 =	sadd.s32 $0xF0, s14;
	s10 =	sadd.s32 s11, s19  }
0x1a: {  	s24 =	sadd.s32 $0x4B00, s1;
	s19 =	simm.s32 $0x27D8;
	s1 =	simm.s32 $0x1  }
0x1b: {  	s11 =	simm.s32 $0x6720;
	[dreg:$0x6] =	wrdreg s10;
	s10 =	simm.s32 $0x2  }
.LBB2_11:
0x1c: {  	s16 =	rddreg [dreg:$0x6];
	s22 =	simm.s32 $0xCB20  }
0x1d: {  	[hbm4b:s16+s3] =	stream.linear.scatter [tilespmem:s22], [sflag:$0x3], $0x2800, $0x38;
	[tilespmem:$0x1BB20] =	vst v63  }
0x1e: {  	_ =	swait.ge [sflag:s28], $0x2800  }
0x1f: {  	s19 =	simm.s32 $0x27D8;
	[sflag:s28] =	ssyncset.done $0x0  }
0x20: {  	s20 =	simm.s32 $0x2580;
	s21 =	simm.s32 $0x2648;
	[sflag:s28] =	ssyncadd.s32 $0xFFFFD800  }
.LBB2_23:
0x21: {  	s15 =	sadd.s32 $0x1, s15  }
0x22: {  	p1 =	sne.s32 s15, s25  }
.Ltmp1:
0x23: {  	_ = 	snop;
	(pc) =	sbr.rel @!p1 .LBB2_24-.Ltmp1, $1  }
0x24: {  	_ =	sdelay $0x3  }
.LBB2_1:
0x25: {  	s16 =	sshrl.u32 s6, $0x3  }
0x26: {  	[spmem:s16], [sflag:s7] =	dma.local [hbm:s5], $0x1900  }
0x27: {  	_ =	swait.ge [sflag:s28], $0x1900  }
0x28: {  	[sflag:s28] =	ssyncset.done $0x0  }
0x29: {  	[sflag:s28] =	ssyncadd.s32 $0xFFFFE700  }
0x2a: {  	[tilespmem:s3], [sflag:$0x3] =	stream.linear.gather [hbm4b:s8+s3], $0x2710, $0x38;
	[tilespmem:$0x1BB20] =	vst v63  }
0x2b: {  	_ =	swait.ge [sflag:s28], $0x2710  }
0x2c: {  	[sflag:s28] =	ssyncset.done $0x0  }
0x2d: {  	[sflag:s28] =	ssyncadd.s32 $0xFFFFD8F0  }
0x2e: {  	[tilespmem:s29], [sflag:$0x3] =	stream.linear.gather [hbm4b:s9+s3], $0x2710, $0x38;
	[tilespmem:$0x1BB20] =	vst v63  }
0x2f: {  	_ =	swait.ge [sflag:s28], $0x2710  }
0x30: {  	[sflag:s28] =	ssyncset.done $0x0  }
0x31: {  	[sflag:s28] =	ssyncadd.s32 $0xFFFFD8F0  }
0x32: {  	[bflag:$0x0] =	sbarrier.arrive $0xFFFF  }
0x33: {  	[tilespmem:s31], [sflag:$0x1] =	stream.indirect.gather [hbm4b:s4+s30], $0x50, s29, s30, $0xb8;
	[tilespmem:$0x1BB20] =	vst v63  }
0x34: {  	_ = 	snop  }
0x35: {  	[tilespmem:s0], [sflag:$0x2] =	stream.indirect.gather [hbm4b:s4+s30], $0x50, s19, s30, $0xb8;
	[tilespmem:$0x1BB20] =	vst v63  }
0x36: {  	_ =	swait.ge [sflag:s1], $0x3E80  }
0x37: {  	[sflag:s1] =	ssyncset.done $0x0  }
0x38: {  	s18 =	simm.s32 $0x0;
	[sflag:s1] =	ssyncadd.s32 $0xFFFFC180  }
0x39: {  	[spmem:s2] =	stream.indirect.scatter.add.bf16 [tilespmem:s31], [sflag:$0x3], $0x50, s18, s30, $0xb8;
	[tilespmem:$0x1BB20] =	vst v63  }
0x3a: {  	_ =	swait.ge [sflag:s28], $0x3E80  }
0x3b: {  	[sflag:s28] =	ssyncset.done $0x0  }
0x3c: {  	s17 =	simm.s32 $0x28A0;
	[sflag:s28] =	ssyncadd.s32 $0xFFFFC180  }
0x3d: {  	[tilespmem:s31], [sflag:$0x1] =	stream.indirect.gather [hbm4b:s4+s30], $0x50, s17, s30, $0xb8;
	[tilespmem:$0x1BB20] =	vst v63  }
0x3e: {  	_ =	swait.ge [sflag:s10], $0x3E80  }
0x3f: {  	[sflag:s10] =	ssyncset.done $0x0  }
0x40: {  	s18 =	simm.s32 $0xC8;
	[sflag:s10] =	ssyncadd.s32 $0xFFFFC180  }
0x41: {  	[spmem:s2] =	stream.indirect.scatter.add.bf16 [tilespmem:s0], [sflag:$0x3], $0x50, s18, s30, $0xb8;
	[tilespmem:$0x1BB20] =	vst v63  }
0x42: {  	_ =	swait.ge [sflag:s28], $0x3E80  }
0x43: {  	[sflag:s28] =	ssyncset.done $0x0  }
0x44: {  	s16 =	simm.s32 $0x640;
	s17 =	simm.s32 $0x2968;
	[sflag:s28] =	ssyncadd.s32 $0xFFFFC180  }
.LBB2_2:
0x45: {  	[tilespmem:s0], [sflag:$0x2] =	stream.indirect.gather [hbm4b:s4+s30], $0x50, s17, s30, $0xb8;
	[tilespmem:$0x1BB20] =	vst v63  }
0x46: {  	s17 =	smov.u32 s16  }
0x47: {  	p1 =	sne.s32 s16, $0x8FC0;
	s16 =	sadd.s32 $0x640, s16;
	_ =	swait.ge [sflag:s1], $0x3E80  }
0x48: {  	[sflag:s1] =	ssyncset.done $0x0  }
0x49: {  	s17 =	sshra.s32 s17, $0x2;
	[sflag:s1] =	ssyncadd.s32 $0xFFFFC180  }
0x4a: {  	[spmem:s2] =	stream.indirect.scatter.add.bf16 [tilespmem:s31], [sflag:$0x3], $0x50, s17, s30, $0xb8;
	[tilespmem:$0x1BB20] =	vst v63  }
0x4b: {  	_ =	swait.ge [sflag:s28], $0x3E80  }
0x4c: {  	[sflag:s28] =	ssyncset.done $0x0  }
0x4d: {  	s18 =	sadd.s32 $0x28A0, s17;
	[sflag:s28] =	ssyncadd.s32 $0xFFFFC180  }
0x4e: {  	[tilespmem:s31], [sflag:$0x1] =	stream.indirect.gather [hbm4b:s4+s30], $0x50, s18, s30, $0xb8;
	[tilespmem:$0x1BB20] =	vst v63  }
0x4f: {  	_ =	swait.ge [sflag:s10], $0x3E80  }
0x50: {  	[sflag:s10] =	ssyncset.done $0x0  }
.Ltmp2:
0x51: {  	s18 =	sadd.s32 $0xC8, s17;
	[sflag:s10] =	ssyncadd.s32 $0xFFFFC180;
	(pc) =	sbr.rel @p1 .LBB2_2-.Ltmp2, $4  }
0x52: {  	[spmem:s2] =	stream.indirect.scatter.add.bf16 [tilespmem:s0], [sflag:$0x3], $0x50, s18, s30, $0xb8;
	[tilespmem:$0x1BB20] =	vst v63  }
0x53: {  	_ =	swait.ge [sflag:s28], $0x3E80  }
0x54: {  	[sflag:s28] =	ssyncset.done $0x0  }
0x55: {  	s17 =	sadd.s32 $0x2968, s17;
	[sflag:s28] =	ssyncadd.s32 $0xFFFFC180  }
0x56: {  	[tilespmem:s0], [sflag:$0x2] =	stream.indirect.gather [hbm4b:s4+s30], $0x50, s17, s30, $0xb8;
	[tilespmem:$0x1BB20] =	vst v63  }
0x57: {  	_ =	swait.ge [sflag:s1], $0x3E80  }
0x58: {  	[sflag:s1] =	ssyncset.done $0x0  }
0x59: {  	[sflag:s1] =	ssyncadd.s32 $0xFFFFC180  }
0x5a: {  	[spmem:s2] =	stream.indirect.scatter.add.bf16 [tilespmem:s31], [sflag:$0x3], $0x50, s20, s30, $0xb8;
	[tilespmem:$0x1BB20] =	vst v63  }
0x5b: {  	_ =	swait.ge [sflag:s28], $0x3E80  }
0x5c: {  	[sflag:s28] =	ssyncset.done $0x0  }
0x5d: {  	[sflag:s28] =	ssyncadd.s32 $0xFFFFC180  }
0x5e: {  	_ =	swait.ge [sflag:s10], $0x3E80  }
0x5f: {  	[sflag:s10] =	ssyncset.done $0x0  }
0x60: {  	[sflag:s10] =	ssyncadd.s32 $0xFFFFC180  }
0x61: {  	[spmem:s2] =	stream.indirect.scatter.add.bf16 [tilespmem:s0], [sflag:$0x3], $0x50, s21, s30, $0xb8;
	[tilespmem:$0x1BB20] =	vst v63  }
.Ltmp3:
0x62: {  	_ =	swait.ge [sflag:s28], $0x3E80;
	(pc) =	sbr.rel @!p0 .LBB2_4-.Ltmp3, $4  }
0x63: {  	[sflag:s28] =	ssyncset.done $0x0  }
0x64: {  	[sflag:s28] =	ssyncadd.s32 $0xFFFFC180  }
0x65: {  	s16 =	simm.s32 $0x0;
	[bflag:$0x0] =	sbarrier.arrive $0xFFFF  }
0x66: {  	[tilespmem:s31], [sflag:$0x1] =	stream.linear.gather [spmem:s6], $0x1900, $0x38;
	[tilespmem:$0x1BB20] =	vst v63  }
0x67: {  	s17 =	rddreg [dreg:$0x7]  }
0x68: {  	[tilespmem:s0], [sflag:$0x2] =	stream.linear.gather [hbm4b:s17+s16], $0x1900, $0x38;
	[tilespmem:$0x1BB20] =	vst v63  }
0x69: {  	_ =	swait.ge [sflag:s1], $0x1900  }
0x6a: {  	[sflag:s1] =	ssyncset.done $0x0  }
0x6b: {  	[sflag:s1] =	ssyncadd.s32 $0xFFFFE700  }
0x6c: {  	_ =	swait.ge [sflag:s10], $0x1900  }
0x6d: {  	[sflag:s10] =	ssyncset.done $0x0  }
0x6e: {  	s18 =	rddreg [dreg:$0x8];
	[sflag:s10] =	ssyncadd.s32 $0xFFFFE700  }
0x6f: {  	[tilespmem:s11], [sflag:$0x1] =	stream.linear.gather [spmem:s18], $0x1900, $0x38;
	[tilespmem:$0x1BB20] =	vst v63  }
0x70: {  	s18 =	rddreg [dreg:$0x9]  }
0x71: {  	[tilespmem:s12], [sflag:$0x2] =	stream.linear.gather [hbm4b:s18+s16], $0x1900, $0x38;
	[tilespmem:$0x1BB20] =	vst v63  }
0x72: {  	s18 =	simm.s32 $0x0  }
0x73: {  	v0 =	vld [tilespmem:s18+$0x8CA0]  }
0x74: {  	v1 =	vld [tilespmem:s18+$0x4E20];
	_ =	sdelay $0x2  }
0x75: {  	v2 =	vld [tilespmem:s18+$0x8CB0]  }
0x76: {  	v3 =	vld [tilespmem:s18+$0x4E30]  }
0x77: {  	v0 =	vmul.bf16 v0, v1;
	_ =	sdelay $0x1  }
0x78: {  	v4 =	vld [tilespmem:s18+$0x8CC0];
	v1 =	vunpack.i.l.bf16.f32 v0  }
0x79: {  	v5 =	vld [tilespmem:s18+$0x4E40];
	v1 =	vadd.f32 $0.0e+00, v1  }
0x7a: {  	v2 =	vmul.bf16 v2, v3;
	v0 =	vunpack.i.u.bf16.f32 v0  }
0x7b: {  	v0 =	vadd.f32 v1, v0  }
0x7c: {  	v3 =	vld [tilespmem:s18+$0x8CD0];
	v1 =	vunpack.i.l.bf16.f32 v2  }
0x7d: {  	v0 =	vadd.f32 v1, v0;
	v1 =	vld [tilespmem:s18+$0x4E50]  }
0x7e: {  	v4 =	vmul.bf16 v4, v5;
	v2 =	vunpack.i.u.bf16.f32 v2  }
0x7f: {  	v0 =	vadd.f32 v0, v2  }
0x80: {  	v2 =	vunpack.i.l.bf16.f32 v4  }
0x81: {  	v0 =	vadd.f32 v2, v0  }
0x82: {  	v2 =	vunpack.i.u.bf16.f32 v4;
	v1 =	vmul.bf16 v3, v1  }
0x83: {  	v0 =	vadd.f32 v0, v2;
	v2 =	vld [tilespmem:s18+$0x4E60]  }
0x84: {  	v3 =	vunpack.i.l.bf16.f32 v1  }
0x85: {  	v0 =	vadd.f32 v3, v0  }
0x86: {  	v1 =	vunpack.i.u.bf16.f32 v1  }
0x87: {  	v0 =	vadd.f32 v0, v1  }
0x88: {  	v1 =	vunpack.i.l.bf16.f32 v2  }
0x89: {  	s16 =	simm.s32 $0xCB20;
	v0 =	vpack.i.f32.bf16 v1, v0  }
0x8a: {  	s17 =	simm.s32 $0x50;
	[tilespmem:s16+$0x0] =	vst v0  }
0x8b: {  	s18 =	simm.s32 $0x280;
	v0 =	vld [tilespmem:s17+$0x8CA0]  }
.LBB2_13:
0x8c: {  	p1 =	sne.s32 s18, $0x62C0;
	v1 =	vld [tilespmem:s17+$0x4E20];
	_ =	sdelay $0x2  }
0x8d: {  	v2 =	vld [tilespmem:s17+$0x8CB0]  }
0x8e: {  	v3 =	vld [tilespmem:s17+$0x4E30]  }
0x8f: {  	v0 =	vmul.bf16 v0, v1;
	_ =	sdelay $0x1  }
0x90: {  	v1 =	vunpack.i.l.bf16.f32 v0;
	v4 =	vld [tilespmem:s17+$0x8CC0]  }
0x91: {  	v1 =	vadd.f32 $0.0e+00, v1;
	v5 =	vld [tilespmem:s17+$0x4E40]  }
0x92: {  	v0 =	vunpack.i.u.bf16.f32 v0;
	v2 =	vmul.bf16 v2, v3  }
0x93: {  	v0 =	vadd.f32 v1, v0  }
0x94: {  	v1 =	vunpack.i.l.bf16.f32 v2;
	v3 =	vld [tilespmem:s17+$0x8CD0]  }
0x95: {  	v0 =	vadd.f32 v1, v0;
	v1 =	vld [tilespmem:s17+$0x4E50]  }
0x96: {  	v2 =	vunpack.i.u.bf16.f32 v2;
	v4 =	vmul.bf16 v4, v5  }
0x97: {  	v0 =	vadd.f32 v0, v2  }
0x98: {  	v2 =	vunpack.i.l.bf16.f32 v4  }
0x99: {  	v0 =	vadd.f32 v2, v0  }
0x9a: {  	v2 =	vunpack.i.u.bf16.f32 v4;
	v1 =	vmul.bf16 v3, v1  }
0x9b: {  	v0 =	vadd.f32 v0, v2;
	v2 =	vld [tilespmem:s17+$0x4E60]  }
0x9c: {  	v3 =	vunpack.i.l.bf16.f32 v1  }
0x9d: {  	v0 =	vadd.f32 v3, v0  }
0x9e: {  	v1 =	vunpack.i.u.bf16.f32 v1  }
.Ltmp4:
0x9f: {  	v0 =	vadd.f32 v0, v1;
	(pc) =	sbr.rel @p1 .LBB2_13-.Ltmp4, $4  }
0xa0: {  	v1 =	vunpack.i.l.bf16.f32 v2  }
0xa1: {  	s16 =	sadd.s32 $0x10, s16;
	v0 =	vpack.i.f32.bf16 v1, v0  }
0xa2: {  	s17 =	sshra.s32 s18, $0x2;
	[tilespmem:s16+$0x0] =	vst v0  }
0xa3: {  	s18 =	sadd.s32 $0x140, s18;
	v0 =	vld [tilespmem:s17+$0x8CA0]  }
0xa4: {  	v1 =	vld [tilespmem:s17+$0x4E20];
	_ =	sdelay $0x2  }
0xa5: {  	v2 =	vld [tilespmem:s17+$0x8CB0]  }
0xa6: {  	v3 =	vld [tilespmem:s17+$0x4E30]  }
0xa7: {  	v0 =	vmul.bf16 v0, v1;
	_ =	sdelay $0x1  }
0xa8: {  	v4 =	vld [tilespmem:s17+$0x8CC0];
	v1 =	vunpack.i.l.bf16.f32 v0  }
0xa9: {  	v5 =	vld [tilespmem:s17+$0x4E40];
	v1 =	vadd.f32 $0.0e+00, v1  }
0xaa: {  	v2 =	vmul.bf16 v2, v3;
	v0 =	vunpack.i.u.bf16.f32 v0  }
0xab: {  	v0 =	vadd.f32 v1, v0  }
0xac: {  	v3 =	vld [tilespmem:s17+$0x8CD0];
	v1 =	vunpack.i.l.bf16.f32 v2  }
0xad: {  	v0 =	vadd.f32 v1, v0;
	v1 =	vld [tilespmem:s17+$0x4E50]  }
0xae: {  	v4 =	vmul.bf16 v4, v5;
	v2 =	vunpack.i.u.bf16.f32 v2  }
0xaf: {  	v0 =	vadd.f32 v0, v2  }
0xb0: {  	v2 =	vunpack.i.l.bf16.f32 v4  }
0xb1: {  	v0 =	vadd.f32 v2, v0  }
0xb2: {  	v2 =	vunpack.i.u.bf16.f32 v4;
	v1 =	vmul.bf16 v3, v1  }
0xb3: {  	v0 =	vadd.f32 v0, v2;
	v2 =	vld [tilespmem:s17+$0x4E60]  }
0xb4: {  	v3 =	vunpack.i.l.bf16.f32 v1  }
0xb5: {  	v0 =	vadd.f32 v3, v0  }
0xb6: {  	v1 =	vunpack.i.u.bf16.f32 v1  }
0xb7: {  	v0 =	vadd.f32 v0, v1  }
0xb8: {  	v1 =	vunpack.i.l.bf16.f32 v2  }
0xb9: {  	s16 =	sadd.s32 $0x10, s16;
	v0 =	vpack.i.f32.bf16 v1, v0  }
0xba: {  	[tilespmem:s16+$0x0] =	vst v0  }
0xbb: {  	_ =	swait.ge [sflag:s1], $0x1900  }
0xbc: {  	[sflag:s1] =	ssyncset.done $0x0  }
0xbd: {  	[sflag:s1] =	ssyncadd.s32 $0xFFFFE700  }
0xbe: {  	_ =	swait.ge [sflag:s10], $0x1900  }
0xbf: {  	[sflag:s10] =	ssyncset.done $0x0  }
0xc0: {  	s18 =	rddreg [dreg:$0xa];
	[sflag:s10] =	ssyncadd.s32 $0xFFFFE700  }
0xc1: {  	[tilespmem:s31], [sflag:$0x1] =	stream.linear.gather [spmem:s18], $0x1900, $0x38;
	[tilespmem:$0x1BB20] =	vst v63  }
0xc2: {  	s17 =	simm.s32 $0x0;
	s18 =	rddreg [dreg:$0xb]  }
0xc3: {  	[tilespmem:s0], [sflag:$0x2] =	stream.linear.gather [hbm4b:s18+s17], $0x1900, $0x38;
	[tilespmem:$0x1BB20] =	vst v63  }
0xc4: {  	s18 =	simm.s32 $0x0  }
0xc5: {  	v0 =	vld [tilespmem:s18+$0xA5A0]  }
0xc6: {  	v1 =	vld [tilespmem:s18+$0x6720];
	_ =	sdelay $0x2  }
0xc7: {  	v2 =	vld [tilespmem:s18+$0xA5B0]  }
0xc8: {  	v3 =	vld [tilespmem:s18+$0x6730]  }
0xc9: {  	v0 =	vmul.bf16 v0, v1;
	_ =	sdelay $0x1  }
0xca: {  	v62 =	vld [tilespmem:s18+$0xA5C0];
	v1 =	vunpack.i.l.bf16.f32 v0  }
0xcb: {  	v63 =	vld [tilespmem:s18+$0x6740];
	v1 =	vadd.f32 $0.0e+00, v1  }
0xcc: {  	v2 =	vmul.bf16 v2, v3;
	v0 =	vunpack.i.u.bf16.f32 v0  }
0xcd: {  	v0 =	vadd.f32 v1, v0  }
0xce: {  	v3 =	vld [tilespmem:s18+$0xA5D0];
	v1 =	vunpack.i.l.bf16.f32 v2  }
0xcf: {  	v0 =	vadd.f32 v1, v0;
	v1 =	vld [tilespmem:s18+$0x6750]  }
0xd0: {  	v4 =	vmul.bf16 v62, v63;
	v2 =	vunpack.i.u.bf16.f32 v2  }
0xd1: {  	v0 =	vadd.f32 v0, v2  }
0xd2: {  	v2 =	vunpack.i.l.bf16.f32 v4  }
0xd3: {  	v0 =	vadd.f32 v2, v0  }
0xd4: {  	v2 =	vunpack.i.u.bf16.f32 v4;
	v1 =	vmul.bf16 v3, v1  }
0xd5: {  	v0 =	vadd.f32 v0, v2;
	v2 =	vld [tilespmem:s18+$0x6760]  }
0xd6: {  	v3 =	vunpack.i.l.bf16.f32 v1  }
0xd7: {  	v0 =	vadd.f32 v3, v0  }
0xd8: {  	v1 =	vunpack.i.u.bf16.f32 v1  }
0xd9: {  	v0 =	vadd.f32 v0, v1  }
0xda: {  	v1 =	vunpack.i.l.bf16.f32 v2  }
0xdb: {  	s16 =	simm.s32 $0xD020;
	v0 =	vpack.i.f32.bf16 v1, v0  }
0xdc: {  	s17 =	simm.s32 $0x50;
	[tilespmem:s16+$0x0] =	vst v0  }
0xdd: {  	s18 =	simm.s32 $0x280;
	v0 =	vld [tilespmem:s17+$0xA5A0]  }
.LBB2_15:
0xde: {  	p1 =	sne.s32 s18, $0x62C0;
	v1 =	vld [tilespmem:s17+$0x6720];
	_ =	sdelay $0x2  }
0xdf: {  	v2 =	vld [tilespmem:s17+$0xA5B0]  }
0xe0: {  	v3 =	vld [tilespmem:s17+$0x6730]  }
0xe1: {  	v0 =	vmul.bf16 v0, v1;
	_ =	sdelay $0x1  }
0xe2: {  	v1 =	vunpack.i.l.bf16.f32 v0;
	v4 =	vld [tilespmem:s17+$0xA5C0]  }
0xe3: {  	v1 =	vadd.f32 $0.0e+00, v1;
	v5 =	vld [tilespmem:s17+$0x6740]  }
0xe4: {  	v0 =	vunpack.i.u.bf16.f32 v0;
	v2 =	vmul.bf16 v2, v3  }
0xe5: {  	v0 =	vadd.f32 v1, v0  }
0xe6: {  	v1 =	vunpack.i.l.bf16.f32 v2;
	v3 =	vld [tilespmem:s17+$0xA5D0]  }
0xe7: {  	v0 =	vadd.f32 v1, v0;
	v1 =	vld [tilespmem:s17+$0x6750]  }
0xe8: {  	v2 =	vunpack.i.u.bf16.f32 v2;
	v4 =	vmul.bf16 v4, v5  }
0xe9: {  	v0 =	vadd.f32 v0, v2  }
0xea: {  	v2 =	vunpack.i.l.bf16.f32 v4  }
0xeb: {  	v0 =	vadd.f32 v2, v0  }
0xec: {  	v2 =	vunpack.i.u.bf16.f32 v4;
	v1 =	vmul.bf16 v3, v1  }
0xed: {  	v0 =	vadd.f32 v0, v2;
	v2 =	vld [tilespmem:s17+$0x6760]  }
0xee: {  	v3 =	vunpack.i.l.bf16.f32 v1  }
0xef: {  	v0 =	vadd.f32 v3, v0  }
0xf0: {  	v1 =	vunpack.i.u.bf16.f32 v1  }
.Ltmp5:
0xf1: {  	v0 =	vadd.f32 v0, v1;
	(pc) =	sbr.rel @p1 .LBB2_15-.Ltmp5, $4  }
0xf2: {  	v1 =	vunpack.i.l.bf16.f32 v2  }
0xf3: {  	s16 =	sadd.s32 $0x10, s16;
	v0 =	vpack.i.f32.bf16 v1, v0  }
0xf4: {  	s17 =	sshra.s32 s18, $0x2;
	[tilespmem:s16+$0x0] =	vst v0  }
0xf5: {  	s18 =	sadd.s32 $0x140, s18;
	v0 =	vld [tilespmem:s17+$0xA5A0]  }
0xf6: {  	v1 =	vld [tilespmem:s17+$0x6720];
	_ =	sdelay $0x2  }
0xf7: {  	v2 =	vld [tilespmem:s17+$0xA5B0]  }
0xf8: {  	v3 =	vld [tilespmem:s17+$0x6730]  }
0xf9: {  	v0 =	vmul.bf16 v0, v1;
	_ =	sdelay $0x1  }
0xfa: {  	v4 =	vld [tilespmem:s17+$0xA5C0];
	v1 =	vunpack.i.l.bf16.f32 v0  }
0xfb: {  	v5 =	vld [tilespmem:s17+$0x6740];
	v1 =	vadd.f32 $0.0e+00, v1  }
0xfc: {  	v2 =	vmul.bf16 v2, v3;
	v0 =	vunpack.i.u.bf16.f32 v0  }
0xfd: {  	v0 =	vadd.f32 v1, v0  }
0xfe: {  	v3 =	vld [tilespmem:s17+$0xA5D0];
	v1 =	vunpack.i.l.bf16.f32 v2  }
0xff: {  	v0 =	vadd.f32 v1, v0;
	v1 =	vld [tilespmem:s17+$0x6750]  }
0x100: {  	v4 =	vmul.bf16 v4, v5;
	v2 =	vunpack.i.u.bf16.f32 v2  }
0x101: {  	v0 =	vadd.f32 v0, v2  }
0x102: {  	v2 =	vunpack.i.l.bf16.f32 v4  }
0x103: {  	v0 =	vadd.f32 v2, v0  }
0x104: {  	v2 =	vunpack.i.u.bf16.f32 v4;
	v1 =	vmul.bf16 v3, v1  }
0x105: {  	v0 =	vadd.f32 v0, v2;
	v2 =	vld [tilespmem:s17+$0x6760]  }
0x106: {  	v3 =	vunpack.i.l.bf16.f32 v1  }
0x107: {  	v0 =	vadd.f32 v3, v0  }
0x108: {  	v1 =	vunpack.i.u.bf16.f32 v1  }
0x109: {  	v0 =	vadd.f32 v0, v1  }
0x10a: {  	v1 =	vunpack.i.l.bf16.f32 v2  }
0x10b: {  	s16 =	sadd.s32 $0x10, s16;
	v0 =	vpack.i.f32.bf16 v1, v0  }
0x10c: {  	[tilespmem:s16+$0x0] =	vst v0  }
0x10d: {  	_ =	swait.ge [sflag:s1], $0x1900  }
0x10e: {  	[sflag:s1] =	ssyncset.done $0x0  }
0x10f: {  	[sflag:s1] =	ssyncadd.s32 $0xFFFFE700  }
0x110: {  	_ =	swait.ge [sflag:s10], $0x1900  }
0x111: {  	[sflag:s10] =	ssyncset.done $0x0  }
0x112: {  	s18 =	rddreg [dreg:$0xc];
	[sflag:s10] =	ssyncadd.s32 $0xFFFFE700  }
0x113: {  	[tilespmem:s11], [sflag:$0x1] =	stream.linear.gather [spmem:s18], $0x1900, $0x38;
	[tilespmem:$0x1BB20] =	vst v63  }
0x114: {  	s17 =	simm.s32 $0x0;
	s18 =	rddreg [dreg:$0xd]  }
0x115: {  	[tilespmem:s12], [sflag:$0x2] =	stream.linear.gather [hbm4b:s18+s17], $0x1900, $0x38;
	[tilespmem:$0x1BB20] =	vst v63  }
0x116: {  	s18 =	simm.s32 $0x0  }
0x117: {  	v0 =	vld [tilespmem:s18+$0x8CA0]  }
0x118: {  	v1 =	vld [tilespmem:s18+$0x4E20];
	_ =	sdelay $0x2  }
0x119: {  	v2 =	vld [tilespmem:s18+$0x8CB0]  }
0x11a: {  	v3 =	vld [tilespmem:s18+$0x4E30]  }
0x11b: {  	v0 =	vmul.bf16 v0, v1;
	_ =	sdelay $0x1  }
0x11c: {  	v62 =	vld [tilespmem:s18+$0x8CC0];
	v1 =	vunpack.i.l.bf16.f32 v0  }
0x11d: {  	v63 =	vld [tilespmem:s18+$0x4E40];
	v1 =	vadd.f32 $0.0e+00, v1  }
0x11e: {  	v2 =	vmul.bf16 v2, v3;
	v0 =	vunpack.i.u.bf16.f32 v0  }
0x11f: {  	v0 =	vadd.f32 v1, v0  }
0x120: {  	v3 =	vld [tilespmem:s18+$0x8CD0];
	v1 =	vunpack.i.l.bf16.f32 v2  }
0x121: {  	v0 =	vadd.f32 v1, v0;
	v1 =	vld [tilespmem:s18+$0x4E50]  }
0x122: {  	v4 =	vmul.bf16 v62, v63;
	v2 =	vunpack.i.u.bf16.f32 v2  }
0x123: {  	v0 =	vadd.f32 v0, v2  }
0x124: {  	v2 =	vunpack.i.l.bf16.f32 v4  }
0x125: {  	v0 =	vadd.f32 v2, v0  }
0x126: {  	v2 =	vunpack.i.u.bf16.f32 v4;
	v1 =	vmul.bf16 v3, v1  }
0x127: {  	v0 =	vadd.f32 v0, v2;
	v2 =	vld [tilespmem:s18+$0x4E60]  }
0x128: {  	v3 =	vunpack.i.l.bf16.f32 v1  }
0x129: {  	v0 =	vadd.f32 v3, v0  }
0x12a: {  	v1 =	vunpack.i.u.bf16.f32 v1  }
0x12b: {  	v0 =	vadd.f32 v0, v1  }
0x12c: {  	v1 =	vunpack.i.l.bf16.f32 v2  }
0x12d: {  	s16 =	simm.s32 $0xD520;
	v0 =	vpack.i.f32.bf16 v1, v0  }
0x12e: {  	s17 =	simm.s32 $0x50;
	[tilespmem:s16+$0x0] =	vst v0  }
0x12f: {  	s18 =	simm.s32 $0x280;
	v0 =	vld [tilespmem:s17+$0x8CA0]  }
.LBB2_17:
0x130: {  	p1 =	sne.s32 s18, $0x62C0;
	v1 =	vld [tilespmem:s17+$0x4E20];
	_ =	sdelay $0x2  }
0x131: {  	v2 =	vld [tilespmem:s17+$0x8CB0]  }
0x132: {  	v3 =	vld [tilespmem:s17+$0x4E30]  }
0x133: {  	v0 =	vmul.bf16 v0, v1;
	_ =	sdelay $0x1  }
0x134: {  	v1 =	vunpack.i.l.bf16.f32 v0;
	v4 =	vld [tilespmem:s17+$0x8CC0]  }
0x135: {  	v1 =	vadd.f32 $0.0e+00, v1;
	v5 =	vld [tilespmem:s17+$0x4E40]  }
0x136: {  	v0 =	vunpack.i.u.bf16.f32 v0;
	v2 =	vmul.bf16 v2, v3  }
0x137: {  	v0 =	vadd.f32 v1, v0  }
0x138: {  	v1 =	vunpack.i.l.bf16.f32 v2;
	v3 =	vld [tilespmem:s17+$0x8CD0]  }
0x139: {  	v0 =	vadd.f32 v1, v0;
	v1 =	vld [tilespmem:s17+$0x4E50]  }
0x13a: {  	v2 =	vunpack.i.u.bf16.f32 v2;
	v4 =	vmul.bf16 v4, v5  }
0x13b: {  	v0 =	vadd.f32 v0, v2  }
0x13c: {  	v2 =	vunpack.i.l.bf16.f32 v4  }
0x13d: {  	v0 =	vadd.f32 v2, v0  }
0x13e: {  	v2 =	vunpack.i.u.bf16.f32 v4;
	v1 =	vmul.bf16 v3, v1  }
0x13f: {  	v0 =	vadd.f32 v0, v2;
	v2 =	vld [tilespmem:s17+$0x4E60]  }
0x140: {  	v3 =	vunpack.i.l.bf16.f32 v1  }
0x141: {  	v0 =	vadd.f32 v3, v0  }
0x142: {  	v1 =	vunpack.i.u.bf16.f32 v1  }
.Ltmp6:
0x143: {  	v0 =	vadd.f32 v0, v1;
	(pc) =	sbr.rel @p1 .LBB2_17-.Ltmp6, $4  }
0x144: {  	v1 =	vunpack.i.l.bf16.f32 v2  }
0x145: {  	s16 =	sadd.s32 $0x10, s16;
	v0 =	vpack.i.f32.bf16 v1, v0  }
0x146: {  	s17 =	sshra.s32 s18, $0x2;
	[tilespmem:s16+$0x0] =	vst v0  }
0x147: {  	s18 =	sadd.s32 $0x140, s18;
	v0 =	vld [tilespmem:s17+$0x8CA0]  }
0x148: {  	v1 =	vld [tilespmem:s17+$0x4E20];
	_ =	sdelay $0x2  }
0x149: {  	v2 =	vld [tilespmem:s17+$0x8CB0]  }
0x14a: {  	v3 =	vld [tilespmem:s17+$0x4E30]  }
0x14b: {  	v0 =	vmul.bf16 v0, v1;
	_ =	sdelay $0x1  }
0x14c: {  	v4 =	vld [tilespmem:s17+$0x8CC0];
	v1 =	vunpack.i.l.bf16.f32 v0  }
0x14d: {  	v5 =	vld [tilespmem:s17+$0x4E40];
	v1 =	vadd.f32 $0.0e+00, v1  }
0x14e: {  	v2 =	vmul.bf16 v2, v3;
	v0 =	vunpack.i.u.bf16.f32 v0  }
0x14f: {  	v0 =	vadd.f32 v1, v0  }
0x150: {  	v3 =	vld [tilespmem:s17+$0x8CD0];
	v1 =	vunpack.i.l.bf16.f32 v2  }
0x151: {  	v0 =	vadd.f32 v1, v0;
	v1 =	vld [tilespmem:s17+$0x4E50]  }
0x152: {  	v4 =	vmul.bf16 v4, v5;
	v2 =	vunpack.i.u.bf16.f32 v2  }
0x153: {  	v0 =	vadd.f32 v0, v2  }
0x154: {  	v2 =	vunpack.i.l.bf16.f32 v4  }
0x155: {  	v0 =	vadd.f32 v2, v0  }
0x156: {  	v2 =	vunpack.i.u.bf16.f32 v4;
	v1 =	vmul.bf16 v3, v1  }
0x157: {  	v0 =	vadd.f32 v0, v2;
	v2 =	vld [tilespmem:s17+$0x4E60]  }
0x158: {  	v3 =	vunpack.i.l.bf16.f32 v1  }
0x159: {  	v0 =	vadd.f32 v3, v0  }
0x15a: {  	v1 =	vunpack.i.u.bf16.f32 v1  }
0x15b: {  	v0 =	vadd.f32 v0, v1  }
0x15c: {  	v1 =	vunpack.i.l.bf16.f32 v2  }
0x15d: {  	s16 =	sadd.s32 $0x10, s16;
	v0 =	vpack.i.f32.bf16 v1, v0  }
0x15e: {  	[tilespmem:s16+$0x0] =	vst v0  }
0x15f: {  	_ =	swait.ge [sflag:s1], $0x1900  }
0x160: {  	[sflag:s1] =	ssyncset.done $0x0  }
0x161: {  	[sflag:s1] =	ssyncadd.s32 $0xFFFFE700  }
0x162: {  	_ =	swait.ge [sflag:s10], $0x1900  }
0x163: {  	[sflag:s10] =	ssyncset.done $0x0  }
0x164: {  	[sflag:s10] =	ssyncadd.s32 $0xFFFFE700  }
0x165: {  	[tilespmem:s31], [sflag:$0x1] =	stream.linear.gather [spmem:s26], $0x1900, $0x38;
	[tilespmem:$0x1BB20] =	vst v63  }
0x166: {  	s18 =	simm.s32 $0x0;
	s17 =	simm.s32 $0x0  }
0x167: {  	[tilespmem:s0], [sflag:$0x2] =	stream.linear.gather [hbm4b:s23+s17], $0x1900, $0x38;
	[tilespmem:$0x1BB20] =	vst v63  }
0x168: {  	v0 =	vld [tilespmem:s18+$0xA5A0]  }
0x169: {  	v1 =	vld [tilespmem:s18+$0x6720];
	_ =	sdelay $0x2  }
0x16a: {  	v2 =	vld [tilespmem:s18+$0xA5B0]  }
0x16b: {  	v3 =	vld [tilespmem:s18+$0x6730]  }
0x16c: {  	v0 =	vmul.bf16 v0, v1;
	_ =	sdelay $0x1  }
0x16d: {  	v62 =	vld [tilespmem:s18+$0xA5C0];
	v1 =	vunpack.i.l.bf16.f32 v0  }
0x16e: {  	v63 =	vld [tilespmem:s18+$0x6740];
	v1 =	vadd.f32 $0.0e+00, v1  }
0x16f: {  	v2 =	vmul.bf16 v2, v3;
	v0 =	vunpack.i.u.bf16.f32 v0  }
0x170: {  	v0 =	vadd.f32 v1, v0  }
0x171: {  	v3 =	vld [tilespmem:s18+$0xA5D0];
	v1 =	vunpack.i.l.bf16.f32 v2  }
0x172: {  	v0 =	vadd.f32 v1, v0;
	v1 =	vld [tilespmem:s18+$0x6750]  }
0x173: {  	v4 =	vmul.bf16 v62, v63;
	v2 =	vunpack.i.u.bf16.f32 v2  }
0x174: {  	v0 =	vadd.f32 v0, v2  }
0x175: {  	v2 =	vunpack.i.l.bf16.f32 v4  }
0x176: {  	v0 =	vadd.f32 v2, v0  }
0x177: {  	v2 =	vunpack.i.u.bf16.f32 v4;
	v1 =	vmul.bf16 v3, v1  }
0x178: {  	v0 =	vadd.f32 v0, v2;
	v2 =	vld [tilespmem:s18+$0x6760]  }
0x179: {  	v3 =	vunpack.i.l.bf16.f32 v1  }
0x17a: {  	v0 =	vadd.f32 v3, v0  }
0x17b: {  	v1 =	vunpack.i.u.bf16.f32 v1  }
0x17c: {  	v0 =	vadd.f32 v0, v1  }
0x17d: {  	v1 =	vunpack.i.l.bf16.f32 v2  }
0x17e: {  	s16 =	simm.s32 $0xDA20;
	v0 =	vpack.i.f32.bf16 v1, v0  }
0x17f: {  	s17 =	simm.s32 $0x50;
	[tilespmem:s16+$0x0] =	vst v0  }
0x180: {  	s18 =	simm.s32 $0x280;
	v0 =	vld [tilespmem:s17+$0xA5A0]  }
.LBB2_19:
0x181: {  	p1 =	sne.s32 s18, $0x62C0;
	v1 =	vld [tilespmem:s17+$0x6720];
	_ =	sdelay $0x2  }
0x182: {  	v2 =	vld [tilespmem:s17+$0xA5B0]  }
0x183: {  	v3 =	vld [tilespmem:s17+$0x6730]  }
0x184: {  	v0 =	vmul.bf16 v0, v1;
	_ =	sdelay $0x1  }
0x185: {  	v1 =	vunpack.i.l.bf16.f32 v0;
	v4 =	vld [tilespmem:s17+$0xA5C0]  }
0x186: {  	v1 =	vadd.f32 $0.0e+00, v1;
	v5 =	vld [tilespmem:s17+$0x6740]  }
0x187: {  	v0 =	vunpack.i.u.bf16.f32 v0;
	v2 =	vmul.bf16 v2, v3  }
0x188: {  	v0 =	vadd.f32 v1, v0  }
0x189: {  	v1 =	vunpack.i.l.bf16.f32 v2;
	v3 =	vld [tilespmem:s17+$0xA5D0]  }
0x18a: {  	v0 =	vadd.f32 v1, v0;
	v1 =	vld [tilespmem:s17+$0x6750]  }
0x18b: {  	v2 =	vunpack.i.u.bf16.f32 v2;
	v4 =	vmul.bf16 v4, v5  }
0x18c: {  	v0 =	vadd.f32 v0, v2  }
0x18d: {  	v2 =	vunpack.i.l.bf16.f32 v4  }
0x18e: {  	v0 =	vadd.f32 v2, v0  }
0x18f: {  	v2 =	vunpack.i.u.bf16.f32 v4;
	v1 =	vmul.bf16 v3, v1  }
0x190: {  	v0 =	vadd.f32 v0, v2;
	v2 =	vld [tilespmem:s17+$0x6760]  }
0x191: {  	v3 =	vunpack.i.l.bf16.f32 v1  }
0x192: {  	v0 =	vadd.f32 v3, v0  }
0x193: {  	v1 =	vunpack.i.u.bf16.f32 v1  }
.Ltmp7:
0x194: {  	v0 =	vadd.f32 v0, v1;
	(pc) =	sbr.rel @p1 .LBB2_19-.Ltmp7, $4  }
0x195: {  	v1 =	vunpack.i.l.bf16.f32 v2  }
0x196: {  	s16 =	sadd.s32 $0x10, s16;
	v0 =	vpack.i.f32.bf16 v1, v0  }
0x197: {  	s17 =	sshra.s32 s18, $0x2;
	[tilespmem:s16+$0x0] =	vst v0  }
0x198: {  	s18 =	sadd.s32 $0x140, s18;
	v0 =	vld [tilespmem:s17+$0xA5A0]  }
0x199: {  	v1 =	vld [tilespmem:s17+$0x6720];
	_ =	sdelay $0x2  }
0x19a: {  	v2 =	vld [tilespmem:s17+$0xA5B0]  }
0x19b: {  	v3 =	vld [tilespmem:s17+$0x6730]  }
0x19c: {  	v0 =	vmul.bf16 v0, v1;
	_ =	sdelay $0x1  }
0x19d: {  	v4 =	vld [tilespmem:s17+$0xA5C0];
	v1 =	vunpack.i.l.bf16.f32 v0  }
0x19e: {  	v5 =	vld [tilespmem:s17+$0x6740];
	v1 =	vadd.f32 $0.0e+00, v1  }
0x19f: {  	v2 =	vmul.bf16 v2, v3;
	v0 =	vunpack.i.u.bf16.f32 v0  }
0x1a0: {  	v0 =	vadd.f32 v1, v0  }
0x1a1: {  	v3 =	vld [tilespmem:s17+$0xA5D0];
	v1 =	vunpack.i.l.bf16.f32 v2  }
0x1a2: {  	v0 =	vadd.f32 v1, v0;
	v1 =	vld [tilespmem:s17+$0x6750]  }
0x1a3: {  	v4 =	vmul.bf16 v4, v5;
	v2 =	vunpack.i.u.bf16.f32 v2  }
0x1a4: {  	v0 =	vadd.f32 v0, v2  }
0x1a5: {  	v2 =	vunpack.i.l.bf16.f32 v4  }
0x1a6: {  	v0 =	vadd.f32 v2, v0  }
0x1a7: {  	v2 =	vunpack.i.u.bf16.f32 v4;
	v1 =	vmul.bf16 v3, v1  }
0x1a8: {  	v0 =	vadd.f32 v0, v2;
	v2 =	vld [tilespmem:s17+$0x6760]  }
0x1a9: {  	v3 =	vunpack.i.l.bf16.f32 v1  }
0x1aa: {  	v0 =	vadd.f32 v3, v0  }
0x1ab: {  	v1 =	vunpack.i.u.bf16.f32 v1  }
0x1ac: {  	v0 =	vadd.f32 v0, v1  }
0x1ad: {  	v1 =	vunpack.i.l.bf16.f32 v2  }
0x1ae: {  	s16 =	sadd.s32 $0x10, s16;
	v0 =	vpack.i.f32.bf16 v1, v0  }
0x1af: {  	[tilespmem:s16+$0x0] =	vst v0  }
0x1b0: {  	_ =	swait.ge [sflag:s1], $0x1900  }
0x1b1: {  	[sflag:s1] =	ssyncset.done $0x0  }
0x1b2: {  	[sflag:s1] =	ssyncadd.s32 $0xFFFFE700  }
0x1b3: {  	_ =	swait.ge [sflag:s10], $0x1900  }
0x1b4: {  	[sflag:s10] =	ssyncset.done $0x0  }
0x1b5: {  	s18 =	simm.s32 $0x0;
	[sflag:s10] =	ssyncadd.s32 $0xFFFFE700  }
0x1b6: {  	v0 =	vld [tilespmem:s18+$0x8CA0]  }
0x1b7: {  	v1 =	vld [tilespmem:s18+$0x4E20];
	_ =	sdelay $0x2  }
0x1b8: {  	v2 =	vld [tilespmem:s18+$0x8CB0]  }
0x1b9: {  	v3 =	vld [tilespmem:s18+$0x4E30]  }
0x1ba: {  	v0 =	vmul.bf16 v0, v1;
	_ =	sdelay $0x1  }
0x1bb: {  	v62 =	vld [tilespmem:s18+$0x8CC0];
	v1 =	vunpack.i.l.bf16.f32 v0  }
0x1bc: {  	v63 =	vld [tilespmem:s18+$0x4E40];
	v1 =	vadd.f32 $0.0e+00, v1  }
0x1bd: {  	v2 =	vmul.bf16 v2, v3;
	v0 =	vunpack.i.u.bf16.f32 v0  }
0x1be: {  	v0 =	vadd.f32 v1, v0  }
0x1bf: {  	v3 =	vld [tilespmem:s18+$0x8CD0];
	v1 =	vunpack.i.l.bf16.f32 v2  }
0x1c0: {  	v0 =	vadd.f32 v1, v0;
	v1 =	vld [tilespmem:s18+$0x4E50]  }
0x1c1: {  	v4 =	vmul.bf16 v62, v63;
	v2 =	vunpack.i.u.bf16.f32 v2  }
0x1c2: {  	v0 =	vadd.f32 v0, v2  }
0x1c3: {  	v2 =	vunpack.i.l.bf16.f32 v4  }
0x1c4: {  	v0 =	vadd.f32 v2, v0  }
0x1c5: {  	v2 =	vunpack.i.u.bf16.f32 v4;
	v1 =	vmul.bf16 v3, v1  }
0x1c6: {  	v0 =	vadd.f32 v0, v2;
	v2 =	vld [tilespmem:s18+$0x4E60]  }
0x1c7: {  	v3 =	vunpack.i.l.bf16.f32 v1  }
0x1c8: {  	v0 =	vadd.f32 v3, v0  }
0x1c9: {  	v1 =	vunpack.i.u.bf16.f32 v1  }
0x1ca: {  	v0 =	vadd.f32 v0, v1  }
0x1cb: {  	v1 =	vunpack.i.l.bf16.f32 v2  }
0x1cc: {  	s16 =	simm.s32 $0xDF20;
	v0 =	vpack.i.f32.bf16 v1, v0  }
0x1cd: {  	s17 =	simm.s32 $0x50;
	[tilespmem:s16+$0x0] =	vst v0  }
0x1ce: {  	s18 =	simm.s32 $0x280;
	v0 =	vld [tilespmem:s17+$0x8CA0]  }
.LBB2_21:
0x1cf: {  	p1 =	sne.s32 s18, $0x62C0;
	v1 =	vld [tilespmem:s17+$0x4E20];
	_ =	sdelay $0x2  }
0x1d0: {  	v2 =	vld [tilespmem:s17+$0x8CB0]  }
0x1d1: {  	v3 =	vld [tilespmem:s17+$0x4E30]  }
0x1d2: {  	v0 =	vmul.bf16 v0, v1;
	_ =	sdelay $0x1  }
0x1d3: {  	v1 =	vunpack.i.l.bf16.f32 v0;
	v4 =	vld [tilespmem:s17+$0x8CC0]  }
0x1d4: {  	v1 =	vadd.f32 $0.0e+00, v1;
	v5 =	vld [tilespmem:s17+$0x4E40]  }
0x1d5: {  	v0 =	vunpack.i.u.bf16.f32 v0;
	v2 =	vmul.bf16 v2, v3  }
0x1d6: {  	v0 =	vadd.f32 v1, v0  }
0x1d7: {  	v1 =	vunpack.i.l.bf16.f32 v2;
	v3 =	vld [tilespmem:s17+$0x8CD0]  }
0x1d8: {  	v0 =	vadd.f32 v1, v0;
	v1 =	vld [tilespmem:s17+$0x4E50]  }
0x1d9: {  	v2 =	vunpack.i.u.bf16.f32 v2;
	v4 =	vmul.bf16 v4, v5  }
0x1da: {  	v0 =	vadd.f32 v0, v2  }
0x1db: {  	v2 =	vunpack.i.l.bf16.f32 v4  }
0x1dc: {  	v0 =	vadd.f32 v2, v0  }
0x1dd: {  	v2 =	vunpack.i.u.bf16.f32 v4;
	v1 =	vmul.bf16 v3, v1  }
0x1de: {  	v0 =	vadd.f32 v0, v2;
	v2 =	vld [tilespmem:s17+$0x4E60]  }
0x1df: {  	v3 =	vunpack.i.l.bf16.f32 v1  }
0x1e0: {  	v0 =	vadd.f32 v3, v0  }
0x1e1: {  	v1 =	vunpack.i.u.bf16.f32 v1  }
.Ltmp8:
0x1e2: {  	v0 =	vadd.f32 v0, v1;
	(pc) =	sbr.rel @p1 .LBB2_21-.Ltmp8, $4  }
0x1e3: {  	v1 =	vunpack.i.l.bf16.f32 v2  }
0x1e4: {  	s16 =	sadd.s32 $0x10, s16;
	v0 =	vpack.i.f32.bf16 v1, v0  }
0x1e5: {  	s17 =	sshra.s32 s18, $0x2;
	[tilespmem:s16+$0x0] =	vst v0  }
0x1e6: {  	s18 =	sadd.s32 $0x140, s18;
	v0 =	vld [tilespmem:s17+$0x8CA0]  }
0x1e7: {  	v1 =	vld [tilespmem:s17+$0x4E20];
	_ =	sdelay $0x2  }
0x1e8: {  	v2 =	vld [tilespmem:s17+$0x8CB0]  }
0x1e9: {  	v3 =	vld [tilespmem:s17+$0x4E30]  }
0x1ea: {  	v0 =	vmul.bf16 v0, v1;
	_ =	sdelay $0x1  }
0x1eb: {  	v4 =	vld [tilespmem:s17+$0x8CC0];
	v1 =	vunpack.i.l.bf16.f32 v0  }
0x1ec: {  	v5 =	vld [tilespmem:s17+$0x4E40];
	v1 =	vadd.f32 $0.0e+00, v1  }
0x1ed: {  	v2 =	vmul.bf16 v2, v3;
	v0 =	vunpack.i.u.bf16.f32 v0  }
0x1ee: {  	v0 =	vadd.f32 v1, v0  }
0x1ef: {  	v58 =	vld [tilespmem:s17+$0x8CD0];
	v57 =	vunpack.i.l.bf16.f32 v2  }
0x1f0: {  	v59 =	vld [tilespmem:s17+$0x4E50];
	v0 =	vadd.f32 v57, v0  }
0x1f1: {  	v4 =	vmul.bf16 v4, v5;
	v2 =	vunpack.i.u.bf16.f32 v2  }
0x1f2: {  	v0 =	vadd.f32 v0, v2  }
0x1f3: {  	v60 =	vunpack.i.l.bf16.f32 v4  }
0x1f4: {  	v0 =	vadd.f32 v60, v0  }
0x1f5: {  	v61 =	vunpack.i.u.bf16.f32 v4;
	v1 =	vmul.bf16 v58, v59  }
0x1f6: {  	v62 =	vld [tilespmem:s17+$0x4E60];
	v0 =	vadd.f32 v0, v61  }
0x1f7: {  	v3 =	vunpack.i.l.bf16.f32 v1  }
0x1f8: {  	v0 =	vadd.f32 v3, v0  }
0x1f9: {  	v1 =	vunpack.i.u.bf16.f32 v1  }
0x1fa: {  	v0 =	vadd.f32 v0, v1  }
0x1fb: {  	v63 =	vunpack.i.l.bf16.f32 v62  }
0x1fc: {  	s16 =	sadd.s32 $0x10, s16;
	v0 =	vpack.i.f32.bf16 v63, v0  }
.Ltmp9:
0x1fd: {  	[tilespmem:s16+$0x0] =	vst v0;
	(pc) =	sbr.rel .LBB2_23-.Ltmp9, $4  }
0x1fe: {  	[hbm4b:s24+s3] =	stream.linear.scatter [tilespmem:s22], [sflag:$0x3], $0x1900, $0x38;
	[tilespmem:$0x1BB20] =	vst v63  }
0x1ff: {  	_ =	swait.ge [sflag:s28], $0x1900  }
0x200: {  	[sflag:s28] =	ssyncset.done $0x0  }
0x201: {  	[sflag:s28] =	ssyncadd.s32 $0xFFFFE700  }
.LBB2_4:
0x202: {  	s17 =	rddreg [dreg:$0x3]  }
0x203: {  	[tilespmem:s0], [sflag:$0x2] =	stream.linear.gather [hbm4b:s17+s16], $0x1900, $0x38;
	[tilespmem:$0x1BB20] =	vst v63  }
0x204: {  	s21 =	rddreg [dreg:$0x4]  }
0x205: {  	[tilespmem:s11], [sflag:$0x1] =	stream.linear.gather [spmem:s21], $0x1900, $0x38;
	[tilespmem:$0x1BB20] =	vst v63  }
0x206: {  	s22 =	rddreg [dreg:$0x5];
	s20 =	simm.s32 $0xCB20;
	s18 =	simm.s32 $0xD020  }
0x207: {  	[tilespmem:s12], [sflag:$0x2] =	stream.linear.gather [hbm4b:s22+s16], $0x1900, $0x38;
	[tilespmem:$0x1BB20] =	vst v63  }
.LBB2_5:
0x208: {  	_ =	swait.ge [sflag:s1], $0x1900  }
0x209: {  	[sflag:s1] =	ssyncset.done $0x0  }
0x20a: {  	[sflag:s1] =	ssyncadd.s32 $0xFFFFE700  }
0x20b: {  	_ =	swait.ge [sflag:s10], $0x1900  }
0x20c: {  	[sflag:s10] =	ssyncset.done $0x0  }
0x20d: {  	s17 =	simm.s32 $0x0;
	[sflag:s10] =	ssyncadd.s32 $0xFFFFE700  }
0x20e: {  	v0 =	vld [tilespmem:s17+$0x8CA0]  }
0x20f: {  	v1 =	vld [tilespmem:s17+$0x4E20];
	_ =	sdelay $0x2  }
0x210: {  	v2 =	vld [tilespmem:s17+$0x8CB0]  }
0x211: {  	v3 =	vld [tilespmem:s17+$0x4E30]  }
0x212: {  	v0 =	vmul.bf16 v0, v1;
	_ =	sdelay $0x1  }
0x213: {  	v4 =	vld [tilespmem:s17+$0x8CC0];
	v1 =	vunpack.i.l.bf16.f32 v0  }
0x214: {  	v5 =	vld [tilespmem:s17+$0x4E40];
	v1 =	vadd.f32 $0.0e+00, v1  }
0x215: {  	v2 =	vmul.bf16 v2, v3;
	v0 =	vunpack.i.u.bf16.f32 v0  }
0x216: {  	v0 =	vadd.f32 v1, v0  }
0x217: {  	v3 =	vld [tilespmem:s17+$0x8CD0];
	v1 =	vunpack.i.l.bf16.f32 v2  }
0x218: {  	v0 =	vadd.f32 v1, v0;
	v1 =	vld [tilespmem:s17+$0x4E50]  }
0x219: {  	v4 =	vmul.bf16 v4, v5;
	v2 =	vunpack.i.u.bf16.f32 v2  }
0x21a: {  	v0 =	vadd.f32 v0, v2  }
0x21b: {  	v2 =	vunpack.i.l.bf16.f32 v4  }
0x21c: {  	v0 =	vadd.f32 v2, v0  }
0x21d: {  	v2 =	vunpack.i.u.bf16.f32 v4;
	v1 =	vmul.bf16 v3, v1  }
0x21e: {  	v0 =	vadd.f32 v0, v2;
	v2 =	vld [tilespmem:s17+$0x4E60]  }
0x21f: {  	v3 =	vunpack.i.l.bf16.f32 v1  }
0x220: {  	v0 =	vadd.f32 v3, v0  }
0x221: {  	v1 =	vunpack.i.u.bf16.f32 v1  }
0x222: {  	v0 =	vadd.f32 v0, v1  }
0x223: {  	v1 =	vunpack.i.l.bf16.f32 v2  }
0x224: {  	v0 =	vpack.i.f32.bf16 v1, v0  }
0x225: {  	s21 =	simm.s32 $0x50;
	[tilespmem:s20+$0x0] =	vst v0  }
0x226: {  	s19 =	smul.u32 $0xA0, s16;
	s22 =	simm.s32 $0x280;
	s17 =	smov.u32 s20;
	v0 =	vld [tilespmem:s21+$0x8CA0]  }
.LBB2_6:
0x227: {  	p1 =	sne.s32 s22, $0x62C0;
	v1 =	vld [tilespmem:s21+$0x4E20];
	_ =	sdelay $0x2  }
0x228: {  	v2 =	vld [tilespmem:s21+$0x8CB0]  }
0x229: {  	v3 =	vld [tilespmem:s21+$0x4E30]  }
0x22a: {  	v0 =	vmul.bf16 v0, v1;
	_ =	sdelay $0x1  }
0x22b: {  	v1 =	vunpack.i.l.bf16.f32 v0;
	v4 =	vld [tilespmem:s21+$0x8CC0]  }
0x22c: {  	v1 =	vadd.f32 $0.0e+00, v1;
	v5 =	vld [tilespmem:s21+$0x4E40]  }
0x22d: {  	v0 =	vunpack.i.u.bf16.f32 v0;
	v2 =	vmul.bf16 v2, v3  }
0x22e: {  	v0 =	vadd.f32 v1, v0  }
0x22f: {  	v1 =	vunpack.i.l.bf16.f32 v2;
	v3 =	vld [tilespmem:s21+$0x8CD0]  }
0x230: {  	v0 =	vadd.f32 v1, v0;
	v1 =	vld [tilespmem:s21+$0x4E50]  }
0x231: {  	v2 =	vunpack.i.u.bf16.f32 v2;
	v4 =	vmul.bf16 v4, v5  }
0x232: {  	v0 =	vadd.f32 v0, v2  }
0x233: {  	v2 =	vunpack.i.l.bf16.f32 v4  }
0x234: {  	v0 =	vadd.f32 v2, v0  }
0x235: {  	v2 =	vunpack.i.u.bf16.f32 v4;
	v1 =	vmul.bf16 v3, v1  }
0x236: {  	v0 =	vadd.f32 v0, v2;
	v2 =	vld [tilespmem:s21+$0x4E60]  }
0x237: {  	v3 =	vunpack.i.l.bf16.f32 v1  }
0x238: {  	v0 =	vadd.f32 v3, v0  }
0x239: {  	v1 =	vunpack.i.u.bf16.f32 v1  }
.Ltmp10:
0x23a: {  	v0 =	vadd.f32 v0, v1;
	(pc) =	sbr.rel @p1 .LBB2_6-.Ltmp10, $4  }
0x23b: {  	v1 =	vunpack.i.l.bf16.f32 v2  }
0x23c: {  	s17 =	sadd.s32 $0x10, s17;
	v0 =	vpack.i.f32.bf16 v1, v0  }
0x23d: {  	s21 =	sshra.s32 s22, $0x2;
	[tilespmem:s17+$0x0] =	vst v0  }
0x23e: {  	s22 =	sadd.s32 $0x140, s22;
	v0 =	vld [tilespmem:s21+$0x8CA0]  }
0x23f: {  	v1 =	vld [tilespmem:s21+$0x4E20];
	_ =	sdelay $0x2  }
0x240: {  	v2 =	vld [tilespmem:s21+$0x8CB0]  }
0x241: {  	v3 =	vld [tilespmem:s21+$0x4E30]  }
0x242: {  	v0 =	vmul.bf16 v0, v1;
	_ =	sdelay $0x1  }
0x243: {  	v4 =	vld [tilespmem:s21+$0x8CC0];
	v1 =	vunpack.i.l.bf16.f32 v0  }
0x244: {  	v5 =	vld [tilespmem:s21+$0x4E40];
	v1 =	vadd.f32 $0.0e+00, v1  }
0x245: {  	v2 =	vmul.bf16 v2, v3;
	v0 =	vunpack.i.u.bf16.f32 v0  }
0x246: {  	v0 =	vadd.f32 v1, v0  }
0x247: {  	v3 =	vld [tilespmem:s21+$0x8CD0];
	v1 =	vunpack.i.l.bf16.f32 v2  }
0x248: {  	v0 =	vadd.f32 v1, v0;
	v1 =	vld [tilespmem:s21+$0x4E50]  }
0x249: {  	v4 =	vmul.bf16 v4, v5;
	v2 =	vunpack.i.u.bf16.f32 v2  }
0x24a: {  	v0 =	vadd.f32 v0, v2  }
0x24b: {  	v2 =	vunpack.i.l.bf16.f32 v4  }
0x24c: {  	v0 =	vadd.f32 v2, v0  }
0x24d: {  	v2 =	vunpack.i.u.bf16.f32 v4;
	v1 =	vmul.bf16 v3, v1  }
0x24e: {  	v0 =	vadd.f32 v0, v2;
	v2 =	vld [tilespmem:s21+$0x4E60]  }
0x24f: {  	v3 =	vunpack.i.l.bf16.f32 v1  }
0x250: {  	p1 =	seq.s32 s16, $0x3;
	v0 =	vadd.f32 v3, v0  }
0x251: {  	s21 =	sadd.s32 @!p1 s19, s13;
	v1 =	vunpack.i.u.bf16.f32 v1  }
0x252: {  	s21 =	smul.u32 @!p1 $0xA0, s21;
	v0 =	vadd.f32 v0, v1  }
0x253: {  	v1 =	vunpack.i.l.bf16.f32 v2  }
0x254: {  	s17 =	sadd.s32 $0x10, s17;
	s22 =	sshra.s32 @!p1 s21, $0x1;
	v0 =	vpack.i.f32.bf16 v1, v0  }
0x255: {  	[tilespmem:s17+$0x0] =	vst v0;
	s17 =	sadd.s32 @!p1 s22, s2;
	s22 =	simm.s32 @!p1 $0x4E20  }
0x256: {  	[tilespmem:s22], [sflag:$0x1] =	stream.linear.gather @!p1 [spmem:s17], $0x1900, $0x38;
	[tilespmem:$0x1BB20] =	vst v63  }
0x257: {  	s17 =	sshrl.u32 @!p1 s21, $0x4  }
0x258: {  	s21 =	simm.s32 @!p1 $0x0;
	s22 =	simm.s32 @!p1 $0x8CA0;
	s17 =	sadd.s32 @!p1 s4, s17  }
0x259: {  	[tilespmem:s22], [sflag:$0x2] =	stream.linear.gather @!p1 [hbm4b:s17+s21], $0x1900, $0x38;
	[tilespmem:$0x1BB20] =	vst v63  }
0x25a: {  	_ =	swait.ge [sflag:s1], $0x1900  }
0x25b: {  	[sflag:s1] =	ssyncset.done $0x0  }
0x25c: {  	[sflag:s1] =	ssyncadd.s32 $0xFFFFE700  }
0x25d: {  	_ =	swait.ge [sflag:s10], $0x1900  }
0x25e: {  	[sflag:s10] =	ssyncset.done $0x0  }
0x25f: {  	s22 =	simm.s32 $0x0;
	[sflag:s10] =	ssyncadd.s32 $0xFFFFE700  }
0x260: {  	v0 =	vld [tilespmem:s22+$0xA5A0]  }
0x261: {  	v1 =	vld [tilespmem:s22+$0x6720];
	_ =	sdelay $0x2  }
0x262: {  	v2 =	vld [tilespmem:s22+$0xA5B0]  }
0x263: {  	v3 =	vld [tilespmem:s22+$0x6730]  }
0x264: {  	v0 =	vmul.bf16 v0, v1;
	_ =	sdelay $0x1  }
0x265: {  	v62 =	vld [tilespmem:s22+$0xA5C0];
	v1 =	vunpack.i.l.bf16.f32 v0  }
0x266: {  	v63 =	vld [tilespmem:s22+$0x6740];
	v1 =	vadd.f32 $0.0e+00, v1  }
0x267: {  	v2 =	vmul.bf16 v2, v3;
	v0 =	vunpack.i.u.bf16.f32 v0  }
0x268: {  	v0 =	vadd.f32 v1, v0  }
0x269: {  	v3 =	vld [tilespmem:s22+$0xA5D0];
	v1 =	vunpack.i.l.bf16.f32 v2  }
0x26a: {  	v0 =	vadd.f32 v1, v0;
	v1 =	vld [tilespmem:s22+$0x6750]  }
0x26b: {  	v4 =	vmul.bf16 v62, v63;
	v2 =	vunpack.i.u.bf16.f32 v2  }
0x26c: {  	v0 =	vadd.f32 v0, v2  }
0x26d: {  	v2 =	vunpack.i.l.bf16.f32 v4  }
0x26e: {  	v0 =	vadd.f32 v2, v0  }
0x26f: {  	v2 =	vunpack.i.u.bf16.f32 v4;
	v1 =	vmul.bf16 v3, v1  }
0x270: {  	v0 =	vadd.f32 v0, v2;
	v2 =	vld [tilespmem:s22+$0x6760]  }
0x271: {  	v3 =	vunpack.i.l.bf16.f32 v1  }
0x272: {  	v0 =	vadd.f32 v3, v0  }
0x273: {  	v1 =	vunpack.i.u.bf16.f32 v1  }
0x274: {  	v0 =	vadd.f32 v0, v1  }
0x275: {  	v1 =	vunpack.i.l.bf16.f32 v2  }
0x276: {  	v0 =	vpack.i.f32.bf16 v1, v0  }
0x277: {  	s21 =	simm.s32 $0x50;
	[tilespmem:s18+$0x0] =	vst v0  }
0x278: {  	s17 =	smov.u32 s18;
	s22 =	simm.s32 $0x280;
	v0 =	vld [tilespmem:s21+$0xA5A0]  }
.LBB2_8:
0x279: {  	p2 =	sne.s32 s22, $0x62C0;
	v1 =	vld [tilespmem:s21+$0x6720];
	_ =	sdelay $0x2  }
0x27a: {  	v2 =	vld [tilespmem:s21+$0xA5B0]  }
0x27b: {  	v3 =	vld [tilespmem:s21+$0x6730]  }
0x27c: {  	v0 =	vmul.bf16 v0, v1;
	_ =	sdelay $0x1  }
0x27d: {  	v1 =	vunpack.i.l.bf16.f32 v0;
	v4 =	vld [tilespmem:s21+$0xA5C0]  }
0x27e: {  	v1 =	vadd.f32 $0.0e+00, v1;
	v5 =	vld [tilespmem:s21+$0x6740]  }
0x27f: {  	v0 =	vunpack.i.u.bf16.f32 v0;
	v2 =	vmul.bf16 v2, v3  }
0x280: {  	v0 =	vadd.f32 v1, v0  }
0x281: {  	v1 =	vunpack.i.l.bf16.f32 v2;
	v3 =	vld [tilespmem:s21+$0xA5D0]  }
0x282: {  	v0 =	vadd.f32 v1, v0;
	v1 =	vld [tilespmem:s21+$0x6750]  }
0x283: {  	v2 =	vunpack.i.u.bf16.f32 v2;
	v4 =	vmul.bf16 v4, v5  }
0x284: {  	v0 =	vadd.f32 v0, v2  }
0x285: {  	v2 =	vunpack.i.l.bf16.f32 v4  }
0x286: {  	v0 =	vadd.f32 v2, v0  }
0x287: {  	v2 =	vunpack.i.u.bf16.f32 v4;
	v1 =	vmul.bf16 v3, v1  }
0x288: {  	v0 =	vadd.f32 v0, v2;
	v2 =	vld [tilespmem:s21+$0x6760]  }
0x289: {  	v3 =	vunpack.i.l.bf16.f32 v1  }
0x28a: {  	v0 =	vadd.f32 v3, v0  }
0x28b: {  	v1 =	vunpack.i.u.bf16.f32 v1  }
.Ltmp11:
0x28c: {  	v0 =	vadd.f32 v0, v1;
	(pc) =	sbr.rel @p2 .LBB2_8-.Ltmp11, $4  }
0x28d: {  	v1 =	vunpack.i.l.bf16.f32 v2  }
0x28e: {  	s17 =	sadd.s32 $0x10, s17;
	v0 =	vpack.i.f32.bf16 v1, v0  }
0x28f: {  	s21 =	sshra.s32 s22, $0x2;
	[tilespmem:s17+$0x0] =	vst v0  }
0x290: {  	s22 =	sadd.s32 $0x140, s22;
	v0 =	vld [tilespmem:s21+$0xA5A0]  }
0x291: {  	v1 =	vld [tilespmem:s21+$0x6720];
	_ =	sdelay $0x2  }
0x292: {  	v2 =	vld [tilespmem:s21+$0xA5B0]  }
0x293: {  	v3 =	vld [tilespmem:s21+$0x6730]  }
0x294: {  	v0 =	vmul.bf16 v0, v1;
	_ =	sdelay $0x1  }
0x295: {  	v4 =	vld [tilespmem:s21+$0xA5C0];
	v1 =	vunpack.i.l.bf16.f32 v0  }
0x296: {  	v5 =	vld [tilespmem:s21+$0x6740];
	v1 =	vadd.f32 $0.0e+00, v1  }
0x297: {  	v2 =	vmul.bf16 v2, v3;
	v0 =	vunpack.i.u.bf16.f32 v0  }
0x298: {  	v0 =	vadd.f32 v1, v0  }
0x299: {  	v58 =	vld [tilespmem:s21+$0xA5D0];
	v57 =	vunpack.i.l.bf16.f32 v2  }
0x29a: {  	v59 =	vld [tilespmem:s21+$0x6750];
	v0 =	vadd.f32 v57, v0  }
0x29b: {  	v4 =	vmul.bf16 v4, v5;
	v2 =	vunpack.i.u.bf16.f32 v2  }
0x29c: {  	v0 =	vadd.f32 v0, v2  }
0x29d: {  	v60 =	vunpack.i.l.bf16.f32 v4  }
0x29e: {  	v0 =	vadd.f32 v60, v0  }
0x29f: {  	v61 =	vunpack.i.u.bf16.f32 v4;
	v1 =	vmul.bf16 v58, v59  }
0x2a0: {  	v62 =	vld [tilespmem:s21+$0x6760];
	v0 =	vadd.f32 v0, v61  }
0x2a1: {  	v3 =	vunpack.i.l.bf16.f32 v1  }
0x2a2: {  	v0 =	vadd.f32 v3, v0  }
.Ltmp12:
0x2a3: {  	v1 =	vunpack.i.u.bf16.f32 v1;
	(pc) =	sbr.rel @p1 .LBB2_11-.Ltmp12, $4  }
0x2a4: {  	v0 =	vadd.f32 v0, v1  }
0x2a5: {  	v63 =	vunpack.i.l.bf16.f32 v62  }
0x2a6: {  	s17 =	sadd.s32 $0x10, s17;
	v0 =	vpack.i.f32.bf16 v63, v0  }
0x2a7: {  	[tilespmem:s17+$0x0] =	vst v0  }
0x2a8: {  	s17 =	sadd.s32 s19, s14  }
0x2a9: {  	s17 =	smul.u32 $0xA0, s17;
	_ =	sdelay $0x1  }
.Ltmp13:
0x2aa: {  	s22 =	sshra.s32 s17, $0x1;
	(pc) =	sbr.rel .LBB2_5-.Ltmp13, $4  }
0x2ab: {  	s16 =	sadd.s32 $0x1, s16;
	s17 =	sshrl.u32 s17, $0x4;
	s19 =	sadd.s32 s22, s2  }
0x2ac: {  	[tilespmem:s11], [sflag:$0x1] =	stream.linear.gather [spmem:s19], $0x1900, $0x38;
	[tilespmem:$0x1BB20] =	vst v63  }
0x2ad: {  	s20 =	sadd.s32 $0xA00, s20;
	s18 =	sadd.s32 $0xA00, s18;
	s17 =	sadd.s32 s4, s17  }
0x2ae: {  	[tilespmem:s12], [sflag:$0x2] =	stream.linear.gather [hbm4b:s17+s3], $0x1900, $0x38;
	[tilespmem:$0x1BB20] =	vst v63  }
.LBB2_24:
0x2af: {  	_ =	sfence.sel $0x180000  }
0x2b0: {  	[bflag:$0x0] =	sbarrier.arrive $0xFFFF  }
0x2b1: {  	_ =	strace $0x90000047  }
0x2b2: {  	s0 =	stileid.u32;
	[bflag:$0x2] =	sbarrier.arrive $0xFFFF  }
0x2b3: {  	p0 =	sne.s32 s0, $0x0;
	s0 =	rddreg [dreg:$0x2]  }
0x2b4: {  	s0 =	sadd.s32 @!p0 $0x100000, s0  }
0x2b5: {  	[sflag:s0] =	ssyncadd.tile.s32 @!p0 $0x1;
	_ =	shalt  }
.Lfunc_end2:
_tile_overlayer_lowered:
.L_overlay_start_2:
0x2b6: {  	(tag) =	ssettag $0x2  }
0x2b7: {  	s0 =	rddreg [dreg:$0x0];
	s2 =	stileid.u32  }
0x2b8: {  	s1 =	rddreg [dreg:$0x1];
	p0 =	sne.s32 s2, $0x0  }
0x2b9: {  	s3 =	rddreg [dreg:$0x2];
	[bflag:$0x3] =	sbarrier.arrive $0xFFFF;
	s2 =	simm.s32 @!p0 $0x1C03  }
0x2ba: {  	[timem:s3], [sflag:s2] =	dma.local @!p0 [hbm:s0], s1  }
0x2bb: {  	s0 =	simm.s32 @!p0 $0x3  }
0x2bc: {  	_ =	swait.ge @!p0 [sflag:s0], s1  }
0x2bd: {  	s1 =	ssub.s32 @!p0 $0x0, s1;
	[sflag:s0] =	ssyncset.done @!p0 $0x0  }
0x2be: {  	[sflag:s0] =	ssyncadd.s32 @!p0 s1  }
0x2bf: {  	[bflag:$0x3] =	sbarrier.arrive $0xFFFF  }
0x2c0: {  	_ =	shalt  }

</sc_bundles>
